<compile_context>
chip_gen: v7x
topology: tpu7x:2x2x1
jax: 0.10.2.dev20260603
libtpu: 0.0.44.dev20260713+nightly
codegen_flags: <defaults>
</compile_context>

<pallas_src>
import functools

import jax
import jax.numpy as jnp
from jax import lax
from jax.experimental import pallas as pl
from jax.experimental.pallas import tpu as pltpu
from jax.experimental.pallas import tpu_sc as plsc

HIDDEN = 1024
MAXPOS = 8192
BATCH = 4
SEQ = 8192

_info = plsc.get_sparse_core_info()
NC = _info.num_cores
NS = _info.num_subcores
NW = NC * NS
SPW = SEQ // NW
SPU = 8
UNITS = BATCH * (SPW // SPU)
NB = 8
G = UNITS // NB

_mesh = plsc.VectorSubcoreMesh(core_axis_name="c", subcore_axis_name="s")


@functools.partial(
    pl.kernel,
    mesh=_mesh,
    out_type=jax.ShapeDtypeStruct((SEQ, BATCH, HIDDEN), jnp.float32),
    scratch_types=[
        pltpu.VMEM((BATCH, SPW), jnp.int32),
        pltpu.VMEM((NB, SPU, HIDDEN), jnp.float32),
    ] + [pltpu.SemaphoreType.DMA] * (2 * NB),
)
def _emb_lookup(idx_hbm, table_hbm, out_hbm, seg_v, bufs, *sems):
    gsem = sems[:NB]
    wsem = sems[NB:]
    wid = lax.axis_index("s") * NC + lax.axis_index("c")
    sbase = wid * SPW

    pltpu.sync_copy(idx_hbm.at[:, pl.ds(sbase, SPW)], seg_v)

    def gather(u, k):
        b = u % BATCH
        c = u // BATCH
        return pltpu.make_async_copy(
            table_hbm.at[seg_v.at[b, pl.ds(c * SPU, SPU)]],
            bufs.at[k], gsem[k])

    def write(u, k):
        b = u % BATCH
        c = u // BATCH
        return pltpu.make_async_copy(
            bufs.at[k], out_hbm.at[pl.ds(sbase + c * SPU, SPU), b], wsem[k])

    for k in range(NB - 1):
        gather(k, k).start()

    def body(g, carry):
        for k in range(NB):
            u = NB * g + k
            gather(u, k).wait()
            write(u, k).start()
            kp = (k - 1) % NB
            def drain(u=u, kp=kp):
                write(u - 1, kp).wait()
            def prefetch(u=u, kp=kp):
                gather(u + NB - 1, kp).start()
            if k == 0:
                pl.when(g > 0)(drain)
                prefetch()
            else:
                drain()
                pl.when(g < G - 1)(prefetch)
        return carry

    lax.fori_loop(0, G, body, 0)
    write(UNITS - 1, (UNITS - 1) % NB).wait()


def kernel(position_ids, table):
    return _emb_lookup(position_ids.astype(jnp.int32), table)

# --- scband reference (transcript-rebuilt; emitter-appended) ---
"""Pipeline reference for scband-positional-embedding-824633721512 (READ-ONLY COPY).

The authoritative reference and input builder live on the scoring server;
editing this copy changes nothing except your own understanding.
"""

import jax, jax.numpy as jnp
import numpy as np

HIDDEN_SIZE = 1024
MAX_POS = 8192
BATCH = 4
SEQ_LEN = 8192


def setup_inputs(seed: int = 0) -> dict:
    key = jax.random.key(seed)
    k1, k2 = jax.random.split(key)
    position_ids = jax.random.randint(k1, (BATCH, SEQ_LEN), 0, MAX_POS, dtype=jnp.int64 if jax.config.jax_enable_x64 else jnp.int32)
    table = jax.random.normal(k2, (MAX_POS, HIDDEN_SIZE), dtype=jnp.float32) * 0.02
    return {"position_ids": position_ids, "table": table}


def reference(position_ids, table):
    # nn.Embedding lookup: table[position_ids] -> [B, S, H]
    emb = jnp.take(table, position_ids, axis=0)
    # .transpose(0, 1) in torch swaps the first two dims -> [S, B, H]
    return jnp.swapaxes(emb, 0, 1)

if __name__ == "__main__":
    import jax
    _d = setup_inputs()
    print(jax.jit(kernel)(*tuple(_d.values())))

</pallas_src>

<mosaic_0001>
#map = affine_map<(d0, d1) -> (0, 0)>
#map1 = affine_map<(d0, d1) -> (0, 0, 0)>
module attributes {stable_mosaic.version = 14 : i64} {
  func.func @_emb_lookup(%arg0: i32, %arg1: i32, %arg2: memref<4x8192xi32, #tpu.memory_space<hbm>>, %arg3: memref<8192x1024xf32, #tpu.memory_space<hbm>>, %arg4: memref<8192x4x1024xf32, #tpu.memory_space<hbm>>, %arg5: memref<4x256xi32, #tpu.memory_space<vmem>>, %arg6: memref<8x8x1024xf32, #tpu.memory_space<vmem>>, %arg7: memref<!tpu.dma_semaphore, #tpu.memory_space<semaphore_mem>>, %arg8: memref<!tpu.dma_semaphore, #tpu.memory_space<semaphore_mem>>, %arg9: memref<!tpu.dma_semaphore, #tpu.memory_space<semaphore_mem>>, %arg10: memref<!tpu.dma_semaphore, #tpu.memory_space<semaphore_mem>>, %arg11: memref<!tpu.dma_semaphore, #tpu.memory_space<semaphore_mem>>, %arg12: memref<!tpu.dma_semaphore, #tpu.memory_space<semaphore_mem>>, %arg13: memref<!tpu.dma_semaphore, #tpu.memory_space<semaphore_mem>>, %arg14: memref<!tpu.dma_semaphore, #tpu.memory_space<semaphore_mem>>, %arg15: memref<!tpu.dma_semaphore, #tpu.memory_space<semaphore_mem>>, %arg16: memref<!tpu.dma_semaphore, #tpu.memory_space<semaphore_mem>>, %arg17: memref<!tpu.dma_semaphore, #tpu.memory_space<semaphore_mem>>, %arg18: memref<!tpu.dma_semaphore, #tpu.memory_space<semaphore_mem>>, %arg19: memref<!tpu.dma_semaphore, #tpu.memory_space<semaphore_mem>>, %arg20: memref<!tpu.dma_semaphore, #tpu.memory_space<semaphore_mem>>, %arg21: memref<!tpu.dma_semaphore, #tpu.memory_space<semaphore_mem>>, %arg22: memref<!tpu.dma_semaphore, #tpu.memory_space<semaphore_mem>>) attributes {dimension_semantics = [#tpu.dimension_semantics<core_parallel>, #tpu.dimension_semantics<subcore_parallel>], iteration_bounds = array<i64: 2, 16>, scalar_prefetch = 0 : i64, scratch_operands = 18 : i64, tpu.core_type = #tpu.core_type<sc_vector_subcore>, window_params = [{transform_indices = #map}, {transform_indices = #map}, {transform_indices = #map1}]} {
    %mul3A = arith.constant 2 : i32
    %mul3A_0 = arith.muli %arg1, %mul3A : i32
    %add3A = arith.addi %mul3A_0, %arg0 : i32
    %mul3A_1 = arith.constant 256 : i32
    %mul3A_2 = arith.muli %add3A, %mul3A_1 : i32
    "tpu.region"() ({
      %run_scoped3A = tpu.sem_alloc : memref<!tpu.dma_semaphore, #tpu.memory_space<semaphore_mem>>
      %dma_start3A_108 = arith.constant 0 : i32
      %dma_start3A_109 = tpu.memref_slice %arg2[%dma_start3A_108, %mul3A_2] : memref<4x8192xi32, #tpu.memory_space<hbm>> -> memref<4x256xi32, #tpu.memory_space<hbm>>
      %dma_start3A_110 = arith.constant 0 : i32
      %dma_start3A_111 = tpu.memref_slice %arg2[%dma_start3A_110, %mul3A_2] : memref<4x8192xi32, #tpu.memory_space<hbm>> -> memref<4x256xi32, #tpu.memory_space<hbm>>
      tpu.enqueue_dma source(%dma_start3A_111 : memref<4x256xi32, #tpu.memory_space<hbm>>) target(%arg5 : memref<4x256xi32, #tpu.memory_space<vmem>>) target_semaphore(%run_scoped3A : memref<!tpu.dma_semaphore, #tpu.memory_space<semaphore_mem>>)
      %dma_wait3A_112 = arith.constant 0 : i32
      %dma_wait3A_113 = tpu.memref_slice %arg2[%dma_wait3A_112, %mul3A_2] : memref<4x8192xi32, #tpu.memory_space<hbm>> -> memref<4x256xi32, #tpu.memory_space<hbm>>
      %dma_wait3A_114 = arith.constant 0 : i32
      %dma_wait3A_115 = tpu.memref_slice %arg2[%dma_wait3A_114, %mul3A_2] : memref<4x8192xi32, #tpu.memory_space<hbm>> -> memref<4x256xi32, #tpu.memory_space<hbm>>
      tpu.wait_dma2 semaphore(%run_scoped3A : memref<!tpu.dma_semaphore, #tpu.memory_space<semaphore_mem>>) src(%dma_wait3A_115 : memref<4x256xi32, #tpu.memory_space<hbm>>) dst(%arg5 : memref<4x256xi32, #tpu.memory_space<vmem>>)
      tpu.yield
    }) : () -> ()
    %dma_start3A = arith.constant 0 : i32
    %dma_start3A_3 = arith.constant 0 : i32
    %dma_start3A_4 = arith.constant 0 : i32
    %dma_start3A_5 = arith.constant 0 : i32
    %dma_start3A_6 = tpu.memref_slice %arg6[%dma_start3A_3, %dma_start3A_4, %dma_start3A_5] : memref<8x8x1024xf32, #tpu.memory_space<vmem>> -> memref<1x8x1024xf32, #tpu.memory_space<vmem>>
    %dma_start3A_7 = tpu.memref_squeeze %dma_start3A_6 : memref<1x8x1024xf32, #tpu.memory_space<vmem>> -> memref<8x1024xf32, #tpu.memory_space<vmem>>
    %dma_start3A_8 = arith.constant 0 : i32
    %dma_start3A_9 = tpu.memref_slice %arg5[%dma_start3A, %dma_start3A_8] : memref<4x256xi32, #tpu.memory_space<vmem>> -> memref<1x8xi32, #tpu.memory_space<vmem>>
    %dma_start3A_10 = tpu.memref_squeeze %dma_start3A_9 : memref<1x8xi32, #tpu.memory_space<vmem>> -> memref<8xi32, #tpu.memory_space<vmem>>
    %dma_start3A_11 = arith.constant 0 : i32
    %dma_start3A_12 = arith.constant 0 : i32
    %dma_start3A_13 = tpu.memref_slice %arg3[%dma_start3A_11, %dma_start3A_12] : memref<8192x1024xf32, #tpu.memory_space<hbm>> -> memref<8192x1024xf32, #tpu.memory_space<hbm>>
    tpu.enqueue_indirect_dma source(%dma_start3A_13 : memref<8192x1024xf32, #tpu.memory_space<hbm>>) target(%dma_start3A_7 : memref<8x1024xf32, #tpu.memory_space<vmem>>) offsets(%dma_start3A_10 : memref<8xi32, #tpu.memory_space<vmem>>) semaphore(%arg7 : memref<!tpu.dma_semaphore, #tpu.memory_space<semaphore_mem>>)
    %dma_start3A_14 = arith.constant 1 : i32
    %dma_start3A_15 = arith.constant 1 : i32
    %dma_start3A_16 = arith.constant 0 : i32
    %dma_start3A_17 = arith.constant 0 : i32
    %dma_start3A_18 = tpu.memref_slice %arg6[%dma_start3A_15, %dma_start3A_16, %dma_start3A_17] : memref<8x8x1024xf32, #tpu.memory_space<vmem>> -> memref<1x8x1024xf32, #tpu.memory_space<vmem>>
    %dma_start3A_19 = tpu.memref_squeeze %dma_start3A_18 : memref<1x8x1024xf32, #tpu.memory_space<vmem>> -> memref<8x1024xf32, #tpu.memory_space<vmem>>
    %dma_start3A_20 = arith.constant 0 : i32
    %dma_start3A_21 = tpu.memref_slice %arg5[%dma_start3A_14, %dma_start3A_20] : memref<4x256xi32, #tpu.memory_space<vmem>> -> memref<1x8xi32, #tpu.memory_space<vmem>>
    %dma_start3A_22 = tpu.memref_squeeze %dma_start3A_21 : memref<1x8xi32, #tpu.memory_space<vmem>> -> memref<8xi32, #tpu.memory_space<vmem>>
    %dma_start3A_23 = arith.constant 0 : i32
    %dma_start3A_24 = arith.constant 0 : i32
    %dma_start3A_25 = tpu.memref_slice %arg3[%dma_start3A_23, %dma_start3A_24] : memref<8192x1024xf32, #tpu.memory_space<hbm>> -> memref<8192x1024xf32, #tpu.memory_space<hbm>>
    tpu.enqueue_indirect_dma source(%dma_start3A_25 : memref<8192x1024xf32, #tpu.memory_space<hbm>>) target(%dma_start3A_19 : memref<8x1024xf32, #tpu.memory_space<vmem>>) offsets(%dma_start3A_22 : memref<8xi32, #tpu.memory_space<vmem>>) semaphore(%arg8 : memref<!tpu.dma_semaphore, #tpu.memory_space<semaphore_mem>>)
    %dma_start3A_26 = arith.constant 2 : i32
    %dma_start3A_27 = arith.constant 2 : i32
    %dma_start3A_28 = arith.constant 0 : i32
    %dma_start3A_29 = arith.constant 0 : i32
    %dma_start3A_30 = tpu.memref_slice %arg6[%dma_start3A_27, %dma_start3A_28, %dma_start3A_29] : memref<8x8x1024xf32, #tpu.memory_space<vmem>> -> memref<1x8x1024xf32, #tpu.memory_space<vmem>>
    %dma_start3A_31 = tpu.memref_squeeze %dma_start3A_30 : memref<1x8x1024xf32, #tpu.memory_space<vmem>> -> memref<8x1024xf32, #tpu.memory_space<vmem>>
    %dma_start3A_32 = arith.constant 0 : i32
    %dma_start3A_33 = tpu.memref_slice %arg5[%dma_start3A_26, %dma_start3A_32] : memref<4x256xi32, #tpu.memory_space<vmem>> -> memref<1x8xi32, #tpu.memory_space<vmem>>
    %dma_start3A_34 = tpu.memref_squeeze %dma_start3A_33 : memref<1x8xi32, #tpu.memory_space<vmem>> -> memref<8xi32, #tpu.memory_space<vmem>>
    %dma_start3A_35 = arith.constant 0 : i32
    %dma_start3A_36 = arith.constant 0 : i32
    %dma_start3A_37 = tpu.memref_slice %arg3[%dma_start3A_35, %dma_start3A_36] : memref<8192x1024xf32, #tpu.memory_space<hbm>> -> memref<8192x1024xf32, #tpu.memory_space<hbm>>
    tpu.enqueue_indirect_dma source(%dma_start3A_37 : memref<8192x1024xf32, #tpu.memory_space<hbm>>) target(%dma_start3A_31 : memref<8x1024xf32, #tpu.memory_space<vmem>>) offsets(%dma_start3A_34 : memref<8xi32, #tpu.memory_space<vmem>>) semaphore(%arg9 : memref<!tpu.dma_semaphore, #tpu.memory_space<semaphore_mem>>)
    %dma_start3A_38 = arith.constant 3 : i32
    %dma_start3A_39 = arith.constant 3 : i32
    %dma_start3A_40 = arith.constant 0 : i32
    %dma_start3A_41 = arith.constant 0 : i32
    %dma_start3A_42 = tpu.memref_slice %arg6[%dma_start3A_39, %dma_start3A_40, %dma_start3A_41] : memref<8x8x1024xf32, #tpu.memory_space<vmem>> -> memref<1x8x1024xf32, #tpu.memory_space<vmem>>
    %dma_start3A_43 = tpu.memref_squeeze %dma_start3A_42 : memref<1x8x1024xf32, #tpu.memory_space<vmem>> -> memref<8x1024xf32, #tpu.memory_space<vmem>>
    %dma_start3A_44 = arith.constant 0 : i32
    %dma_start3A_45 = tpu.memref_slice %arg5[%dma_start3A_38, %dma_start3A_44] : memref<4x256xi32, #tpu.memory_space<vmem>> -> memref<1x8xi32, #tpu.memory_space<vmem>>
    %dma_start3A_46 = tpu.memref_squeeze %dma_start3A_45 : memref<1x8xi32, #tpu.memory_space<vmem>> -> memref<8xi32, #tpu.memory_space<vmem>>
    %dma_start3A_47 = arith.constant 0 : i32
    %dma_start3A_48 = arith.constant 0 : i32
    %dma_start3A_49 = tpu.memref_slice %arg3[%dma_start3A_47, %dma_start3A_48] : memref<8192x1024xf32, #tpu.memory_space<hbm>> -> memref<8192x1024xf32, #tpu.memory_space<hbm>>
    tpu.enqueue_indirect_dma source(%dma_start3A_49 : memref<8192x1024xf32, #tpu.memory_space<hbm>>) target(%dma_start3A_43 : memref<8x1024xf32, #tpu.memory_space<vmem>>) offsets(%dma_start3A_46 : memref<8xi32, #tpu.memory_space<vmem>>) semaphore(%arg10 : memref<!tpu.dma_semaphore, #tpu.memory_space<semaphore_mem>>)
    %dma_start3A_50 = arith.constant 0 : i32
    %dma_start3A_51 = arith.constant 4 : i32
    %dma_start3A_52 = arith.constant 0 : i32
    %dma_start3A_53 = arith.constant 0 : i32
    %dma_start3A_54 = tpu.memref_slice %arg6[%dma_start3A_51, %dma_start3A_52, %dma_start3A_53] : memref<8x8x1024xf32, #tpu.memory_space<vmem>> -> memref<1x8x1024xf32, #tpu.memory_space<vmem>>
    %dma_start3A_55 = tpu.memref_squeeze %dma_start3A_54 : memref<1x8x1024xf32, #tpu.memory_space<vmem>> -> memref<8x1024xf32, #tpu.memory_space<vmem>>
    %dma_start3A_56 = arith.constant 8 : i32
    %dma_start3A_57 = tpu.memref_slice %arg5[%dma_start3A_50, %dma_start3A_56] : memref<4x256xi32, #tpu.memory_space<vmem>> -> memref<1x8xi32, #tpu.memory_space<vmem>>
    %dma_start3A_58 = tpu.memref_squeeze %dma_start3A_57 : memref<1x8xi32, #tpu.memory_space<vmem>> -> memref<8xi32, #tpu.memory_space<vmem>>
    %dma_start3A_59 = arith.constant 0 : i32
    %dma_start3A_60 = arith.constant 0 : i32
    %dma_start3A_61 = tpu.memref_slice %arg3[%dma_start3A_59, %dma_start3A_60] : memref<8192x1024xf32, #tpu.memory_space<hbm>> -> memref<8192x1024xf32, #tpu.memory_space<hbm>>
    tpu.enqueue_indirect_dma source(%dma_start3A_61 : memref<8192x1024xf32, #tpu.memory_space<hbm>>) target(%dma_start3A_55 : memref<8x1024xf32, #tpu.memory_space<vmem>>) offsets(%dma_start3A_58 : memref<8xi32, #tpu.memory_space<vmem>>) semaphore(%arg11 : memref<!tpu.dma_semaphore, #tpu.memory_space<semaphore_mem>>)
    %dma_start3A_62 = arith.constant 1 : i32
    %dma_start3A_63 = arith.constant 5 : i32
    %dma_start3A_64 = arith.constant 0 : i32
    %dma_start3A_65 = arith.constant 0 : i32
    %dma_start3A_66 = tpu.memref_slice %arg6[%dma_start3A_63, %dma_start3A_64, %dma_start3A_65] : memref<8x8x1024xf32, #tpu.memory_space<vmem>> -> memref<1x8x1024xf32, #tpu.memory_space<vmem>>
    %dma_start3A_67 = tpu.memref_squeeze %dma_start3A_66 : memref<1x8x1024xf32, #tpu.memory_space<vmem>> -> memref<8x1024xf32, #tpu.memory_space<vmem>>
    %dma_start3A_68 = arith.constant 8 : i32
    %dma_start3A_69 = tpu.memref_slice %arg5[%dma_start3A_62, %dma_start3A_68] : memref<4x256xi32, #tpu.memory_space<vmem>> -> memref<1x8xi32, #tpu.memory_space<vmem>>
    %dma_start3A_70 = tpu.memref_squeeze %dma_start3A_69 : memref<1x8xi32, #tpu.memory_space<vmem>> -> memref<8xi32, #tpu.memory_space<vmem>>
    %dma_start3A_71 = arith.constant 0 : i32
    %dma_start3A_72 = arith.constant 0 : i32
    %dma_start3A_73 = tpu.memref_slice %arg3[%dma_start3A_71, %dma_start3A_72] : memref<8192x1024xf32, #tpu.memory_space<hbm>> -> memref<8192x1024xf32, #tpu.memory_space<hbm>>
    tpu.enqueue_indirect_dma source(%dma_start3A_73 : memref<8192x1024xf32, #tpu.memory_space<hbm>>) target(%dma_start3A_67 : memref<8x1024xf32, #tpu.memory_space<vmem>>) offsets(%dma_start3A_70 : memref<8xi32, #tpu.memory_space<vmem>>) semaphore(%arg12 : memref<!tpu.dma_semaphore, #tpu.memory_space<semaphore_mem>>)
    %dma_start3A_74 = arith.constant 2 : i32
    %dma_start3A_75 = arith.constant 6 : i32
    %dma_start3A_76 = arith.constant 0 : i32
    %dma_start3A_77 = arith.constant 0 : i32
    %dma_start3A_78 = tpu.memref_slice %arg6[%dma_start3A_75, %dma_start3A_76, %dma_start3A_77] : memref<8x8x1024xf32, #tpu.memory_space<vmem>> -> memref<1x8x1024xf32, #tpu.memory_space<vmem>>
    %dma_start3A_79 = tpu.memref_squeeze %dma_start3A_78 : memref<1x8x1024xf32, #tpu.memory_space<vmem>> -> memref<8x1024xf32, #tpu.memory_space<vmem>>
    %dma_start3A_80 = arith.constant 8 : i32
    %dma_start3A_81 = tpu.memref_slice %arg5[%dma_start3A_74, %dma_start3A_80] : memref<4x256xi32, #tpu.memory_space<vmem>> -> memref<1x8xi32, #tpu.memory_space<vmem>>
    %dma_start3A_82 = tpu.memref_squeeze %dma_start3A_81 : memref<1x8xi32, #tpu.memory_space<vmem>> -> memref<8xi32, #tpu.memory_space<vmem>>
    %dma_start3A_83 = arith.constant 0 : i32
    %dma_start3A_84 = arith.constant 0 : i32
    %dma_start3A_85 = tpu.memref_slice %arg3[%dma_start3A_83, %dma_start3A_84] : memref<8192x1024xf32, #tpu.memory_space<hbm>> -> memref<8192x1024xf32, #tpu.memory_space<hbm>>
    tpu.enqueue_indirect_dma source(%dma_start3A_85 : memref<8192x1024xf32, #tpu.memory_space<hbm>>) target(%dma_start3A_79 : memref<8x1024xf32, #tpu.memory_space<vmem>>) offsets(%dma_start3A_82 : memref<8xi32, #tpu.memory_space<vmem>>) semaphore(%arg13 : memref<!tpu.dma_semaphore, #tpu.memory_space<semaphore_mem>>)
    %scan3A = arith.constant 0 : i32
    %scan3A_86 = arith.constant 0 : i32
    %scan3A_87 = arith.constant 16 : i32
    %scan3A_88 = arith.addi %scan3A_86, %scan3A_87 : i32
    %scan3A_89 = arith.constant 1 : i32
    scf.for %scan3A_108 = %scan3A_86 to %scan3A_88 step %scan3A_89  : i32 {
      %mul3A_109 = arith.constant 8 : i32
      %mul3A_110 = arith.muli %mul3A_109, %scan3A_108 : i32
      %add3A_111 = arith.constant 0 : i32
      %add3A_112 = arith.addi %mul3A_110, %add3A_111 : i32
      %jit3A = arith.constant 4 : i32
      %eq3A = arith.constant 0 : i32
      %eq3A_113 = arith.cmpi eq, %jit3A, %eq3A : i32
      %jit3A_114 = arith.constant 1 : i32
      %select_n3A = arith.select %eq3A_113, %jit3A_114, %jit3A : i32
      %rem3A = arith.remsi %add3A_112, %select_n3A : i32
      %ne3A = arith.constant 0 : i32
      %ne3A_115 = arith.cmpi ne, %rem3A, %ne3A : i32
      %lt3A = arith.constant 0 : i32
      %lt3A_116 = arith.cmpi slt, %rem3A, %lt3A : i32
      %lt3A_117 = arith.constant 0 : i32
      %lt3A_118 = arith.cmpi slt, %select_n3A, %lt3A_117 : i32
      %ne3A_119 = arith.xori %lt3A_116, %lt3A_118 : i1
      %and3A = arith.andi %ne3A_119, %ne3A_115 : i1
      %add3A_120 = arith.addi %rem3A, %select_n3A : i32
      %select_n3A_121 = arith.select %and3A, %add3A_120, %rem3A : i32
      %jit3A_122 = arith.constant 4 : i32
      %div3A = arith.divsi %add3A_112, %jit3A_122 : i32
      %sign3A = arith.constant 0 : i32
      %sign3A_123 = arith.cmpi sgt, %add3A_112, %sign3A : i32
      %sign3A_124 = arith.extui %sign3A_123 : i1 to i32
      %sign3A_125 = arith.constant 0 : i32
      %sign3A_126 = arith.cmpi slt, %add3A_112, %sign3A_125 : i32
      %sign3A_127 = arith.extui %sign3A_126 : i1 to i32
      %sign3A_128 = arith.subi %sign3A_124, %sign3A_127 : i32
      %sign3A_129 = arith.constant 0 : i32
      %sign3A_130 = arith.cmpi sgt, %jit3A_122, %sign3A_129 : i32
      %sign3A_131 = arith.extui %sign3A_130 : i1 to i32
      %sign3A_132 = arith.constant 0 : i32
      %sign3A_133 = arith.cmpi slt, %jit3A_122, %sign3A_132 : i32
      %sign3A_134 = arith.extui %sign3A_133 : i1 to i32
      %sign3A_135 = arith.subi %sign3A_131, %sign3A_134 : i32
      %ne3A_136 = arith.cmpi ne, %sign3A_128, %sign3A_135 : i32
      %rem3A_137 = arith.remsi %add3A_112, %jit3A_122 : i32
      %ne3A_138 = arith.constant 0 : i32
      %ne3A_139 = arith.cmpi ne, %rem3A_137, %ne3A_138 : i32
      %and3A_140 = arith.andi %ne3A_136, %ne3A_139 : i1
      %sub3A = arith.constant 1 : i32
      %sub3A_141 = arith.subi %div3A, %sub3A : i32
      %select_n3A_142 = arith.select %and3A_140, %sub3A_141, %div3A : i32
      %mul3A_143 = arith.constant 8 : i32
      %mul3A_144 = arith.muli %select_n3A_142, %mul3A_143 : i32
      %dma_wait3A_145 = arith.constant 0 : i32
      %dma_wait3A_146 = arith.constant 0 : i32
      %dma_wait3A_147 = arith.constant 0 : i32
      %dma_wait3A_148 = tpu.memref_slice %arg6[%dma_wait3A_145, %dma_wait3A_146, %dma_wait3A_147] : memref<8x8x1024xf32, #tpu.memory_space<vmem>> -> memref<1x8x1024xf32, #tpu.memory_space<vmem>>
      %dma_wait3A_149 = tpu.memref_squeeze %dma_wait3A_148 : memref<1x8x1024xf32, #tpu.memory_space<vmem>> -> memref<8x1024xf32, #tpu.memory_space<vmem>>
      %dma_wait3A_150 = tpu.memref_slice %arg5[%select_n3A_121, %mul3A_144] : memref<4x256xi32, #tpu.memory_space<vmem>> -> memref<1x8xi32, #tpu.memory_space<vmem>>
      %dma_wait3A_151 = tpu.memref_squeeze %dma_wait3A_150 : memref<1x8xi32, #tpu.memory_space<vmem>> -> memref<8xi32, #tpu.memory_space<vmem>>
      %dma_wait3A_152 = arith.constant 0 : i32
      %dma_wait3A_153 = arith.constant 0 : i32
      %dma_wait3A_154 = tpu.memref_slice %arg3[%dma_wait3A_152, %dma_wait3A_153] : memref<8192x1024xf32, #tpu.memory_space<hbm>> -> memref<8192x1024xf32, #tpu.memory_space<hbm>>
      tpu.wait_indirect_dma semaphore(%arg7 : memref<!tpu.dma_semaphore, #tpu.memory_space<semaphore_mem>>) src(%dma_wait3A_154 : memref<8192x1024xf32, #tpu.memory_space<hbm>>) dst(%dma_wait3A_149 : memref<8x1024xf32, #tpu.memory_space<vmem>>)
      %jit3A_155 = arith.constant 4 : i32
      %eq3A_156 = arith.constant 0 : i32
      %eq3A_157 = arith.cmpi eq, %jit3A_155, %eq3A_156 : i32
      %jit3A_158 = arith.constant 1 : i32
      %select_n3A_159 = arith.select %eq3A_157, %jit3A_158, %jit3A_155 : i32
      %rem3A_160 = arith.remsi %add3A_112, %select_n3A_159 : i32
      %ne3A_161 = arith.constant 0 : i32
      %ne3A_162 = arith.cmpi ne, %rem3A_160, %ne3A_161 : i32
      %lt3A_163 = arith.constant 0 : i32
      %lt3A_164 = arith.cmpi slt, %rem3A_160, %lt3A_163 : i32
      %lt3A_165 = arith.constant 0 : i32
      %lt3A_166 = arith.cmpi slt, %select_n3A_159, %lt3A_165 : i32
      %ne3A_167 = arith.xori %lt3A_164, %lt3A_166 : i1
      %and3A_168 = arith.andi %ne3A_167, %ne3A_162 : i1
      %add3A_169 = arith.addi %rem3A_160, %select_n3A_159 : i32
      %select_n3A_170 = arith.select %and3A_168, %add3A_169, %rem3A_160 : i32
      %jit3A_171 = arith.constant 4 : i32
      %div3A_172 = arith.divsi %add3A_112, %jit3A_171 : i32
      %sign3A_173 = arith.constant 0 : i32
      %sign3A_174 = arith.cmpi sgt, %add3A_112, %sign3A_173 : i32
      %sign3A_175 = arith.extui %sign3A_174 : i1 to i32
      %sign3A_176 = arith.constant 0 : i32
      %sign3A_177 = arith.cmpi slt, %add3A_112, %sign3A_176 : i32
      %sign3A_178 = arith.extui %sign3A_177 : i1 to i32
      %sign3A_179 = arith.subi %sign3A_175, %sign3A_178 : i32
      %sign3A_180 = arith.constant 0 : i32
      %sign3A_181 = arith.cmpi sgt, %jit3A_171, %sign3A_180 : i32
      %sign3A_182 = arith.extui %sign3A_181 : i1 to i32
      %sign3A_183 = arith.constant 0 : i32
      %sign3A_184 = arith.cmpi slt, %jit3A_171, %sign3A_183 : i32
      %sign3A_185 = arith.extui %sign3A_184 : i1 to i32
      %sign3A_186 = arith.subi %sign3A_182, %sign3A_185 : i32
      %ne3A_187 = arith.cmpi ne, %sign3A_179, %sign3A_186 : i32
      %rem3A_188 = arith.remsi %add3A_112, %jit3A_171 : i32
      %ne3A_189 = arith.constant 0 : i32
      %ne3A_190 = arith.cmpi ne, %rem3A_188, %ne3A_189 : i32
      %and3A_191 = arith.andi %ne3A_187, %ne3A_190 : i1
      %sub3A_192 = arith.constant 1 : i32
      %sub3A_193 = arith.subi %div3A_172, %sub3A_192 : i32
      %select_n3A_194 = arith.select %and3A_191, %sub3A_193, %div3A_172 : i32
      %mul3A_195 = arith.constant 8 : i32
      %mul3A_196 = arith.muli %select_n3A_194, %mul3A_195 : i32
      %add3A_197 = arith.addi %mul3A_2, %mul3A_196 : i32
      %dma_start3A_198 = arith.constant 0 : i32
      %dma_start3A_199 = arith.constant 0 : i32
      %dma_start3A_200 = arith.constant 0 : i32
      %dma_start3A_201 = tpu.memref_slice %arg6[%dma_start3A_198, %dma_start3A_199, %dma_start3A_200] : memref<8x8x1024xf32, #tpu.memory_space<vmem>> -> memref<1x8x1024xf32, #tpu.memory_space<vmem>>
      %dma_start3A_202 = tpu.memref_squeeze %dma_start3A_201 : memref<1x8x1024xf32, #tpu.memory_space<vmem>> -> memref<8x1024xf32, #tpu.memory_space<vmem>>
      %dma_start3A_203 = arith.constant 0 : i32
      %dma_start3A_204 = tpu.memref_slice %arg4[%add3A_197, %select_n3A_170, %dma_start3A_203] : memref<8192x4x1024xf32, #tpu.memory_space<hbm>> -> memref<8x1x1024xf32, #tpu.memory_space<hbm>>
      %dma_start3A_205 = tpu.memref_squeeze %dma_start3A_204 : memref<8x1x1024xf32, #tpu.memory_space<hbm>> -> memref<8x1024xf32, #tpu.memory_space<hbm>>
      %dma_start3A_206 = arith.constant 0 : i32
      %dma_start3A_207 = tpu.memref_slice %arg4[%add3A_197, %select_n3A_170, %dma_start3A_206] : memref<8192x4x1024xf32, #tpu.memory_space<hbm>> -> memref<8x1x1024xf32, #tpu.memory_space<hbm>>
      %dma_start3A_208 = tpu.memref_squeeze %dma_start3A_207 : memref<8x1x1024xf32, #tpu.memory_space<hbm>> -> memref<8x1024xf32, #tpu.memory_space<hbm>>
      %dma_start3A_209 = arith.constant 0 : i32
      %dma_start3A_210 = arith.constant 0 : i32
      %dma_start3A_211 = tpu.memref_slice %arg6[%dma_start3A_198, %dma_start3A_209, %dma_start3A_210] : memref<8x8x1024xf32, #tpu.memory_space<vmem>> -> memref<1x8x1024xf32, #tpu.memory_space<vmem>>
      %dma_start3A_212 = tpu.memref_squeeze %dma_start3A_211 : memref<1x8x1024xf32, #tpu.memory_space<vmem>> -> memref<8x1024xf32, #tpu.memory_space<vmem>>
      tpu.enqueue_dma source(%dma_start3A_212 : memref<8x1024xf32, #tpu.memory_space<vmem>>) target(%dma_start3A_208 : memref<8x1024xf32, #tpu.memory_space<hbm>>) target_semaphore(%arg15 : memref<!tpu.dma_semaphore, #tpu.memory_space<semaphore_mem>>)
      %gt3A = arith.constant 0 : i32
      %gt3A_213 = arith.cmpi sgt, %scan3A_108, %gt3A : i32
      %convert_element_type3A = arith.extui %gt3A_213 : i1 to i32
      %cond3A = arith.constant 0 : i32
      %cond3A_214 = arith.cmpi ne, %convert_element_type3A, %cond3A : i32
      scf.if %cond3A_214 {
        %sub3A_1524 = arith.constant 1 : i32
        %sub3A_1525 = arith.subi %add3A_112, %sub3A_1524 : i32
        %jit3A_1526 = arith.constant 4 : i32
        %eq3A_1527 = arith.constant 0 : i32
        %eq3A_1528 = arith.cmpi eq, %jit3A_1526, %eq3A_1527 : i32
        %jit3A_1529 = arith.constant 1 : i32
        %select_n3A_1530 = arith.select %eq3A_1528, %jit3A_1529, %jit3A_1526 : i32
        %rem3A_1531 = arith.remsi %sub3A_1525, %select_n3A_1530 : i32
        %ne3A_1532 = arith.constant 0 : i32
        %ne3A_1533 = arith.cmpi ne, %rem3A_1531, %ne3A_1532 : i32
        %lt3A_1534 = arith.constant 0 : i32
        %lt3A_1535 = arith.cmpi slt, %rem3A_1531, %lt3A_1534 : i32
        %lt3A_1536 = arith.constant 0 : i32
        %lt3A_1537 = arith.cmpi slt, %select_n3A_1530, %lt3A_1536 : i32
        %ne3A_1538 = arith.xori %lt3A_1535, %lt3A_1537 : i1
        %and3A_1539 = arith.andi %ne3A_1538, %ne3A_1533 : i1
        %add3A_1540 = arith.addi %rem3A_1531, %select_n3A_1530 : i32
        %select_n3A_1541 = arith.select %and3A_1539, %add3A_1540, %rem3A_1531 : i32
        %jit3A_1542 = arith.constant 4 : i32
        %div3A_1543 = arith.divsi %sub3A_1525, %jit3A_1542 : i32
        %sign3A_1544 = arith.constant 0 : i32
        %sign3A_1545 = arith.cmpi sgt, %sub3A_1525, %sign3A_1544 : i32
        %sign3A_1546 = arith.extui %sign3A_1545 : i1 to i32
        %sign3A_1547 = arith.constant 0 : i32
        %sign3A_1548 = arith.cmpi slt, %sub3A_1525, %sign3A_1547 : i32
        %sign3A_1549 = arith.extui %sign3A_1548 : i1 to i32
        %sign3A_1550 = arith.subi %sign3A_1546, %sign3A_1549 : i32
        %sign3A_1551 = arith.constant 0 : i32
        %sign3A_1552 = arith.cmpi sgt, %jit3A_1542, %sign3A_1551 : i32
        %sign3A_1553 = arith.extui %sign3A_1552 : i1 to i32
        %sign3A_1554 = arith.constant 0 : i32
        %sign3A_1555 = arith.cmpi slt, %jit3A_1542, %sign3A_1554 : i32
        %sign3A_1556 = arith.extui %sign3A_1555 : i1 to i32
        %sign3A_1557 = arith.subi %sign3A_1553, %sign3A_1556 : i32
        %ne3A_1558 = arith.cmpi ne, %sign3A_1550, %sign3A_1557 : i32
        %rem3A_1559 = arith.remsi %sub3A_1525, %jit3A_1542 : i32
        %ne3A_1560 = arith.constant 0 : i32
        %ne3A_1561 = arith.cmpi ne, %rem3A_1559, %ne3A_1560 : i32
        %and3A_1562 = arith.andi %ne3A_1558, %ne3A_1561 : i1
        %sub3A_1563 = arith.constant 1 : i32
        %sub3A_1564 = arith.subi %div3A_1543, %sub3A_1563 : i32
        %select_n3A_1565 = arith.select %and3A_1562, %sub3A_1564, %div3A_1543 : i32
        %mul3A_1566 = arith.constant 8 : i32
        %mul3A_1567 = arith.muli %select_n3A_1565, %mul3A_1566 : i32
        %add3A_1568 = arith.addi %mul3A_2, %mul3A_1567 : i32
        %dma_wait3A_1569 = arith.constant 7 : i32
        %dma_wait3A_1570 = arith.constant 0 : i32
        %dma_wait3A_1571 = arith.constant 0 : i32
        %dma_wait3A_1572 = tpu.memref_slice %arg6[%dma_wait3A_1569, %dma_wait3A_1570, %dma_wait3A_1571] : memref<8x8x1024xf32, #tpu.memory_space<vmem>> -> memref<1x8x1024xf32, #tpu.memory_space<vmem>>
        %dma_wait3A_1573 = tpu.memref_squeeze %dma_wait3A_1572 : memref<1x8x1024xf32, #tpu.memory_space<vmem>> -> memref<8x1024xf32, #tpu.memory_space<vmem>>
        %dma_wait3A_1574 = arith.constant 0 : i32
        %dma_wait3A_1575 = tpu.memref_slice %arg4[%add3A_1568, %select_n3A_1541, %dma_wait3A_1574] : memref<8192x4x1024xf32, #tpu.memory_space<hbm>> -> memref<8x1x1024xf32, #tpu.memory_space<hbm>>
        %dma_wait3A_1576 = tpu.memref_squeeze %dma_wait3A_1575 : memref<8x1x1024xf32, #tpu.memory_space<hbm>> -> memref<8x1024xf32, #tpu.memory_space<hbm>>
        %dma_wait3A_1577 = arith.constant 0 : i32
        %dma_wait3A_1578 = tpu.memref_slice %arg4[%add3A_1568, %select_n3A_1541, %dma_wait3A_1577] : memref<8192x4x1024xf32, #tpu.memory_space<hbm>> -> memref<8x1x1024xf32, #tpu.memory_space<hbm>>
        %dma_wait3A_1579 = tpu.memref_squeeze %dma_wait3A_1578 : memref<8x1x1024xf32, #tpu.memory_space<hbm>> -> memref<8x1024xf32, #tpu.memory_space<hbm>>
        %dma_wait3A_1580 = arith.constant 0 : i32
        %dma_wait3A_1581 = arith.constant 0 : i32
        %dma_wait3A_1582 = tpu.memref_slice %arg6[%dma_wait3A_1569, %dma_wait3A_1580, %dma_wait3A_1581] : memref<8x8x1024xf32, #tpu.memory_space<vmem>> -> memref<1x8x1024xf32, #tpu.memory_space<vmem>>
        %dma_wait3A_1583 = tpu.memref_squeeze %dma_wait3A_1582 : memref<1x8x1024xf32, #tpu.memory_space<vmem>> -> memref<8x1024xf32, #tpu.memory_space<vmem>>
        tpu.wait_dma2 semaphore(%arg22 : memref<!tpu.dma_semaphore, #tpu.memory_space<semaphore_mem>>) src(%dma_wait3A_1583 : memref<8x1024xf32, #tpu.memory_space<vmem>>) dst(%dma_wait3A_1579 : memref<8x1024xf32, #tpu.memory_space<hbm>>)
      } else {
      }
      %add3A_215 = arith.constant 8 : i32
      %add3A_216 = arith.addi %add3A_112, %add3A_215 : i32
      %sub3A_217 = arith.constant 1 : i32
      %sub3A_218 = arith.subi %add3A_216, %sub3A_217 : i32
      %jit3A_219 = arith.constant 4 : i32
      %eq3A_220 = arith.constant 0 : i32
      %eq3A_221 = arith.cmpi eq, %jit3A_219, %eq3A_220 : i32
      %jit3A_222 = arith.constant 1 : i32
      %select_n3A_223 = arith.select %eq3A_221, %jit3A_222, %jit3A_219 : i32
      %rem3A_224 = arith.remsi %sub3A_218, %select_n3A_223 : i32
      %ne3A_225 = arith.constant 0 : i32
      %ne3A_226 = arith.cmpi ne, %rem3A_224, %ne3A_225 : i32
      %lt3A_227 = arith.constant 0 : i32
      %lt3A_228 = arith.cmpi slt, %rem3A_224, %lt3A_227 : i32
      %lt3A_229 = arith.constant 0 : i32
      %lt3A_230 = arith.cmpi slt, %select_n3A_223, %lt3A_229 : i32
      %ne3A_231 = arith.xori %lt3A_228, %lt3A_230 : i1
      %and3A_232 = arith.andi %ne3A_231, %ne3A_226 : i1
      %add3A_233 = arith.addi %rem3A_224, %select_n3A_223 : i32
      %select_n3A_234 = arith.select %and3A_232, %add3A_233, %rem3A_224 : i32
      %jit3A_235 = arith.constant 4 : i32
      %div3A_236 = arith.divsi %sub3A_218, %jit3A_235 : i32
      %sign3A_237 = arith.constant 0 : i32
      %sign3A_238 = arith.cmpi sgt, %sub3A_218, %sign3A_237 : i32
      %sign3A_239 = arith.extui %sign3A_238 : i1 to i32
      %sign3A_240 = arith.constant 0 : i32
      %sign3A_241 = arith.cmpi slt, %sub3A_218, %sign3A_240 : i32
      %sign3A_242 = arith.extui %sign3A_241 : i1 to i32
      %sign3A_243 = arith.subi %sign3A_239, %sign3A_242 : i32
      %sign3A_244 = arith.constant 0 : i32
      %sign3A_245 = arith.cmpi sgt, %jit3A_235, %sign3A_244 : i32
      %sign3A_246 = arith.extui %sign3A_245 : i1 to i32
      %sign3A_247 = arith.constant 0 : i32
      %sign3A_248 = arith.cmpi slt, %jit3A_235, %sign3A_247 : i32
      %sign3A_249 = arith.extui %sign3A_248 : i1 to i32
      %sign3A_250 = arith.subi %sign3A_246, %sign3A_249 : i32
      %ne3A_251 = arith.cmpi ne, %sign3A_243, %sign3A_250 : i32
      %rem3A_252 = arith.remsi %sub3A_218, %jit3A_235 : i32
      %ne3A_253 = arith.constant 0 : i32
      %ne3A_254 = arith.cmpi ne, %rem3A_252, %ne3A_253 : i32
      %and3A_255 = arith.andi %ne3A_251, %ne3A_254 : i1
      %sub3A_256 = arith.constant 1 : i32
      %sub3A_257 = arith.subi %div3A_236, %sub3A_256 : i32
      %select_n3A_258 = arith.select %and3A_255, %sub3A_257, %div3A_236 : i32
      %mul3A_259 = arith.constant 8 : i32
      %mul3A_260 = arith.muli %select_n3A_258, %mul3A_259 : i32
      %dma_start3A_261 = arith.constant 7 : i32
      %dma_start3A_262 = arith.constant 0 : i32
      %dma_start3A_263 = arith.constant 0 : i32
      %dma_start3A_264 = tpu.memref_slice %arg6[%dma_start3A_261, %dma_start3A_262, %dma_start3A_263] : memref<8x8x1024xf32, #tpu.memory_space<vmem>> -> memref<1x8x1024xf32, #tpu.memory_space<vmem>>
      %dma_start3A_265 = tpu.memref_squeeze %dma_start3A_264 : memref<1x8x1024xf32, #tpu.memory_space<vmem>> -> memref<8x1024xf32, #tpu.memory_space<vmem>>
      %dma_start3A_266 = tpu.memref_slice %arg5[%select_n3A_234, %mul3A_260] : memref<4x256xi32, #tpu.memory_space<vmem>> -> memref<1x8xi32, #tpu.memory_space<vmem>>
      %dma_start3A_267 = tpu.memref_squeeze %dma_start3A_266 : memref<1x8xi32, #tpu.memory_space<vmem>> -> memref<8xi32, #tpu.memory_space<vmem>>
      %dma_start3A_268 = arith.constant 0 : i32
      %dma_start3A_269 = arith.constant 0 : i32
      %dma_start3A_270 = tpu.memref_slice %arg3[%dma_start3A_268, %dma_start3A_269] : memref<8192x1024xf32, #tpu.memory_space<hbm>> -> memref<8192x1024xf32, #tpu.memory_space<hbm>>
      tpu.enqueue_indirect_dma source(%dma_start3A_270 : memref<8192x1024xf32, #tpu.memory_space<hbm>>) target(%dma_start3A_265 : memref<8x1024xf32, #tpu.memory_space<vmem>>) offsets(%dma_start3A_267 : memref<8xi32, #tpu.memory_space<vmem>>) semaphore(%arg14 : memref<!tpu.dma_semaphore, #tpu.memory_space<semaphore_mem>>)
      %mul3A_271 = arith.constant 8 : i32
      %mul3A_272 = arith.muli %mul3A_271, %scan3A_108 : i32
      %add3A_273 = arith.constant 1 : i32
      %add3A_274 = arith.addi %mul3A_272, %add3A_273 : i32
      %jit3A_275 = arith.constant 4 : i32
      %eq3A_276 = arith.constant 0 : i32
      %eq3A_277 = arith.cmpi eq, %jit3A_275, %eq3A_276 : i32
      %jit3A_278 = arith.constant 1 : i32
      %select_n3A_279 = arith.select %eq3A_277, %jit3A_278, %jit3A_275 : i32
      %rem3A_280 = arith.remsi %add3A_274, %select_n3A_279 : i32
      %ne3A_281 = arith.constant 0 : i32
      %ne3A_282 = arith.cmpi ne, %rem3A_280, %ne3A_281 : i32
      %lt3A_283 = arith.constant 0 : i32
      %lt3A_284 = arith.cmpi slt, %rem3A_280, %lt3A_283 : i32
      %lt3A_285 = arith.constant 0 : i32
      %lt3A_286 = arith.cmpi slt, %select_n3A_279, %lt3A_285 : i32
      %ne3A_287 = arith.xori %lt3A_284, %lt3A_286 : i1
      %and3A_288 = arith.andi %ne3A_287, %ne3A_282 : i1
      %add3A_289 = arith.addi %rem3A_280, %select_n3A_279 : i32
      %select_n3A_290 = arith.select %and3A_288, %add3A_289, %rem3A_280 : i32
      %jit3A_291 = arith.constant 4 : i32
      %div3A_292 = arith.divsi %add3A_274, %jit3A_291 : i32
      %sign3A_293 = arith.constant 0 : i32
      %sign3A_294 = arith.cmpi sgt, %add3A_274, %sign3A_293 : i32
      %sign3A_295 = arith.extui %sign3A_294 : i1 to i32
      %sign3A_296 = arith.constant 0 : i32
      %sign3A_297 = arith.cmpi slt, %add3A_274, %sign3A_296 : i32
      %sign3A_298 = arith.extui %sign3A_297 : i1 to i32
      %sign3A_299 = arith.subi %sign3A_295, %sign3A_298 : i32
      %sign3A_300 = arith.constant 0 : i32
      %sign3A_301 = arith.cmpi sgt, %jit3A_291, %sign3A_300 : i32
      %sign3A_302 = arith.extui %sign3A_301 : i1 to i32
      %sign3A_303 = arith.constant 0 : i32
      %sign3A_304 = arith.cmpi slt, %jit3A_291, %sign3A_303 : i32
      %sign3A_305 = arith.extui %sign3A_304 : i1 to i32
      %sign3A_306 = arith.subi %sign3A_302, %sign3A_305 : i32
      %ne3A_307 = arith.cmpi ne, %sign3A_299, %sign3A_306 : i32
      %rem3A_308 = arith.remsi %add3A_274, %jit3A_291 : i32
      %ne3A_309 = arith.constant 0 : i32
      %ne3A_310 = arith.cmpi ne, %rem3A_308, %ne3A_309 : i32
      %and3A_311 = arith.andi %ne3A_307, %ne3A_310 : i1
      %sub3A_312 = arith.constant 1 : i32
      %sub3A_313 = arith.subi %div3A_292, %sub3A_312 : i32
      %select_n3A_314 = arith.select %and3A_311, %sub3A_313, %div3A_292 : i32
      %mul3A_315 = arith.constant 8 : i32
      %mul3A_316 = arith.muli %select_n3A_314, %mul3A_315 : i32
      %dma_wait3A_317 = arith.constant 1 : i32
      %dma_wait3A_318 = arith.constant 0 : i32
      %dma_wait3A_319 = arith.constant 0 : i32
      %dma_wait3A_320 = tpu.memref_slice %arg6[%dma_wait3A_317, %dma_wait3A_318, %dma_wait3A_319] : memref<8x8x1024xf32, #tpu.memory_space<vmem>> -> memref<1x8x1024xf32, #tpu.memory_space<vmem>>
      %dma_wait3A_321 = tpu.memref_squeeze %dma_wait3A_320 : memref<1x8x1024xf32, #tpu.memory_space<vmem>> -> memref<8x1024xf32, #tpu.memory_space<vmem>>
      %dma_wait3A_322 = tpu.memref_slice %arg5[%select_n3A_290, %mul3A_316] : memref<4x256xi32, #tpu.memory_space<vmem>> -> memref<1x8xi32, #tpu.memory_space<vmem>>
      %dma_wait3A_323 = tpu.memref_squeeze %dma_wait3A_322 : memref<1x8xi32, #tpu.memory_space<vmem>> -> memref<8xi32, #tpu.memory_space<vmem>>
      %dma_wait3A_324 = arith.constant 0 : i32
      %dma_wait3A_325 = arith.constant 0 : i32
      %dma_wait3A_326 = tpu.memref_slice %arg3[%dma_wait3A_324, %dma_wait3A_325] : memref<8192x1024xf32, #tpu.memory_space<hbm>> -> memref<8192x1024xf32, #tpu.memory_space<hbm>>
      tpu.wait_indirect_dma semaphore(%arg8 : memref<!tpu.dma_semaphore, #tpu.memory_space<semaphore_mem>>) src(%dma_wait3A_326 : memref<8192x1024xf32, #tpu.memory_space<hbm>>) dst(%dma_wait3A_321 : memref<8x1024xf32, #tpu.memory_space<vmem>>)
      %jit3A_327 = arith.constant 4 : i32
      %eq3A_328 = arith.constant 0 : i32
      %eq3A_329 = arith.cmpi eq, %jit3A_327, %eq3A_328 : i32
      %jit3A_330 = arith.constant 1 : i32
      %select_n3A_331 = arith.select %eq3A_329, %jit3A_330, %jit3A_327 : i32
      %rem3A_332 = arith.remsi %add3A_274, %select_n3A_331 : i32
      %ne3A_333 = arith.constant 0 : i32
      %ne3A_334 = arith.cmpi ne, %rem3A_332, %ne3A_333 : i32
      %lt3A_335 = arith.constant 0 : i32
      %lt3A_336 = arith.cmpi slt, %rem3A_332, %lt3A_335 : i32
      %lt3A_337 = arith.constant 0 : i32
      %lt3A_338 = arith.cmpi slt, %select_n3A_331, %lt3A_337 : i32
      %ne3A_339 = arith.xori %lt3A_336, %lt3A_338 : i1
      %and3A_340 = arith.andi %ne3A_339, %ne3A_334 : i1
      %add3A_341 = arith.addi %rem3A_332, %select_n3A_331 : i32
      %select_n3A_342 = arith.select %and3A_340, %add3A_341, %rem3A_332 : i32
      %jit3A_343 = arith.constant 4 : i32
      %div3A_344 = arith.divsi %add3A_274, %jit3A_343 : i32
      %sign3A_345 = arith.constant 0 : i32
      %sign3A_346 = arith.cmpi sgt, %add3A_274, %sign3A_345 : i32
      %sign3A_347 = arith.extui %sign3A_346 : i1 to i32
      %sign3A_348 = arith.constant 0 : i32
      %sign3A_349 = arith.cmpi slt, %add3A_274, %sign3A_348 : i32
      %sign3A_350 = arith.extui %sign3A_349 : i1 to i32
      %sign3A_351 = arith.subi %sign3A_347, %sign3A_350 : i32
      %sign3A_352 = arith.constant 0 : i32
      %sign3A_353 = arith.cmpi sgt, %jit3A_343, %sign3A_352 : i32
      %sign3A_354 = arith.extui %sign3A_353 : i1 to i32
      %sign3A_355 = arith.constant 0 : i32
      %sign3A_356 = arith.cmpi slt, %jit3A_343, %sign3A_355 : i32
      %sign3A_357 = arith.extui %sign3A_356 : i1 to i32
      %sign3A_358 = arith.subi %sign3A_354, %sign3A_357 : i32
      %ne3A_359 = arith.cmpi ne, %sign3A_351, %sign3A_358 : i32
      %rem3A_360 = arith.remsi %add3A_274, %jit3A_343 : i32
      %ne3A_361 = arith.constant 0 : i32
      %ne3A_362 = arith.cmpi ne, %rem3A_360, %ne3A_361 : i32
      %and3A_363 = arith.andi %ne3A_359, %ne3A_362 : i1
      %sub3A_364 = arith.constant 1 : i32
      %sub3A_365 = arith.subi %div3A_344, %sub3A_364 : i32
      %select_n3A_366 = arith.select %and3A_363, %sub3A_365, %div3A_344 : i32
      %mul3A_367 = arith.constant 8 : i32
      %mul3A_368 = arith.muli %select_n3A_366, %mul3A_367 : i32
      %add3A_369 = arith.addi %mul3A_2, %mul3A_368 : i32
      %dma_start3A_370 = arith.constant 1 : i32
      %dma_start3A_371 = arith.constant 0 : i32
      %dma_start3A_372 = arith.constant 0 : i32
      %dma_start3A_373 = tpu.memref_slice %arg6[%dma_start3A_370, %dma_start3A_371, %dma_start3A_372] : memref<8x8x1024xf32, #tpu.memory_space<vmem>> -> memref<1x8x1024xf32, #tpu.memory_space<vmem>>
      %dma_start3A_374 = tpu.memref_squeeze %dma_start3A_373 : memref<1x8x1024xf32, #tpu.memory_space<vmem>> -> memref<8x1024xf32, #tpu.memory_space<vmem>>
      %dma_start3A_375 = arith.constant 0 : i32
      %dma_start3A_376 = tpu.memref_slice %arg4[%add3A_369, %select_n3A_342, %dma_start3A_375] : memref<8192x4x1024xf32, #tpu.memory_space<hbm>> -> memref<8x1x1024xf32, #tpu.memory_space<hbm>>
      %dma_start3A_377 = tpu.memref_squeeze %dma_start3A_376 : memref<8x1x1024xf32, #tpu.memory_space<hbm>> -> memref<8x1024xf32, #tpu.memory_space<hbm>>
      %dma_start3A_378 = arith.constant 0 : i32
      %dma_start3A_379 = tpu.memref_slice %arg4[%add3A_369, %select_n3A_342, %dma_start3A_378] : memref<8192x4x1024xf32, #tpu.memory_space<hbm>> -> memref<8x1x1024xf32, #tpu.memory_space<hbm>>
      %dma_start3A_380 = tpu.memref_squeeze %dma_start3A_379 : memref<8x1x1024xf32, #tpu.memory_space<hbm>> -> memref<8x1024xf32, #tpu.memory_space<hbm>>
      %dma_start3A_381 = arith.constant 0 : i32
      %dma_start3A_382 = arith.constant 0 : i32
      %dma_start3A_383 = tpu.memref_slice %arg6[%dma_start3A_370, %dma_start3A_381, %dma_start3A_382] : memref<8x8x1024xf32, #tpu.memory_space<vmem>> -> memref<1x8x1024xf32, #tpu.memory_space<vmem>>
      %dma_start3A_384 = tpu.memref_squeeze %dma_start3A_383 : memref<1x8x1024xf32, #tpu.memory_space<vmem>> -> memref<8x1024xf32, #tpu.memory_space<vmem>>
      tpu.enqueue_dma source(%dma_start3A_384 : memref<8x1024xf32, #tpu.memory_space<vmem>>) target(%dma_start3A_380 : memref<8x1024xf32, #tpu.memory_space<hbm>>) target_semaphore(%arg16 : memref<!tpu.dma_semaphore, #tpu.memory_space<semaphore_mem>>)
      %sub3A_385 = arith.constant 1 : i32
      %sub3A_386 = arith.subi %add3A_274, %sub3A_385 : i32
      %jit3A_387 = arith.constant 4 : i32
      %eq3A_388 = arith.constant 0 : i32
      %eq3A_389 = arith.cmpi eq, %jit3A_387, %eq3A_388 : i32
      %jit3A_390 = arith.constant 1 : i32
      %select_n3A_391 = arith.select %eq3A_389, %jit3A_390, %jit3A_387 : i32
      %rem3A_392 = arith.remsi %sub3A_386, %select_n3A_391 : i32
      %ne3A_393 = arith.constant 0 : i32
      %ne3A_394 = arith.cmpi ne, %rem3A_392, %ne3A_393 : i32
      %lt3A_395 = arith.constant 0 : i32
      %lt3A_396 = arith.cmpi slt, %rem3A_392, %lt3A_395 : i32
      %lt3A_397 = arith.constant 0 : i32
      %lt3A_398 = arith.cmpi slt, %select_n3A_391, %lt3A_397 : i32
      %ne3A_399 = arith.xori %lt3A_396, %lt3A_398 : i1
      %and3A_400 = arith.andi %ne3A_399, %ne3A_394 : i1
      %add3A_401 = arith.addi %rem3A_392, %select_n3A_391 : i32
      %select_n3A_402 = arith.select %and3A_400, %add3A_401, %rem3A_392 : i32
      %jit3A_403 = arith.constant 4 : i32
      %div3A_404 = arith.divsi %sub3A_386, %jit3A_403 : i32
      %sign3A_405 = arith.constant 0 : i32
      %sign3A_406 = arith.cmpi sgt, %sub3A_386, %sign3A_405 : i32
      %sign3A_407 = arith.extui %sign3A_406 : i1 to i32
      %sign3A_408 = arith.constant 0 : i32
      %sign3A_409 = arith.cmpi slt, %sub3A_386, %sign3A_408 : i32
      %sign3A_410 = arith.extui %sign3A_409 : i1 to i32
      %sign3A_411 = arith.subi %sign3A_407, %sign3A_410 : i32
      %sign3A_412 = arith.constant 0 : i32
      %sign3A_413 = arith.cmpi sgt, %jit3A_403, %sign3A_412 : i32
      %sign3A_414 = arith.extui %sign3A_413 : i1 to i32
      %sign3A_415 = arith.constant 0 : i32
      %sign3A_416 = arith.cmpi slt, %jit3A_403, %sign3A_415 : i32
      %sign3A_417 = arith.extui %sign3A_416 : i1 to i32
      %sign3A_418 = arith.subi %sign3A_414, %sign3A_417 : i32
      %ne3A_419 = arith.cmpi ne, %sign3A_411, %sign3A_418 : i32
      %rem3A_420 = arith.remsi %sub3A_386, %jit3A_403 : i32
      %ne3A_421 = arith.constant 0 : i32
      %ne3A_422 = arith.cmpi ne, %rem3A_420, %ne3A_421 : i32
      %and3A_423 = arith.andi %ne3A_419, %ne3A_422 : i1
      %sub3A_424 = arith.constant 1 : i32
      %sub3A_425 = arith.subi %div3A_404, %sub3A_424 : i32
      %select_n3A_426 = arith.select %and3A_423, %sub3A_425, %div3A_404 : i32
      %mul3A_427 = arith.constant 8 : i32
      %mul3A_428 = arith.muli %select_n3A_426, %mul3A_427 : i32
      %add3A_429 = arith.addi %mul3A_2, %mul3A_428 : i32
      %dma_wait3A_430 = arith.constant 0 : i32
      %dma_wait3A_431 = arith.constant 0 : i32
      %dma_wait3A_432 = arith.constant 0 : i32
      %dma_wait3A_433 = tpu.memref_slice %arg6[%dma_wait3A_430, %dma_wait3A_431, %dma_wait3A_432] : memref<8x8x1024xf32, #tpu.memory_space<vmem>> -> memref<1x8x1024xf32, #tpu.memory_space<vmem>>
      %dma_wait3A_434 = tpu.memref_squeeze %dma_wait3A_433 : memref<1x8x1024xf32, #tpu.memory_space<vmem>> -> memref<8x1024xf32, #tpu.memory_space<vmem>>
      %dma_wait3A_435 = arith.constant 0 : i32
      %dma_wait3A_436 = tpu.memref_slice %arg4[%add3A_429, %select_n3A_402, %dma_wait3A_435] : memref<8192x4x1024xf32, #tpu.memory_space<hbm>> -> memref<8x1x1024xf32, #tpu.memory_space<hbm>>
      %dma_wait3A_437 = tpu.memref_squeeze %dma_wait3A_436 : memref<8x1x1024xf32, #tpu.memory_space<hbm>> -> memref<8x1024xf32, #tpu.memory_space<hbm>>
      %dma_wait3A_438 = arith.constant 0 : i32
      %dma_wait3A_439 = tpu.memref_slice %arg4[%add3A_429, %select_n3A_402, %dma_wait3A_438] : memref<8192x4x1024xf32, #tpu.memory_space<hbm>> -> memref<8x1x1024xf32, #tpu.memory_space<hbm>>
      %dma_wait3A_440 = tpu.memref_squeeze %dma_wait3A_439 : memref<8x1x1024xf32, #tpu.memory_space<hbm>> -> memref<8x1024xf32, #tpu.memory_space<hbm>>
      %dma_wait3A_441 = arith.constant 0 : i32
      %dma_wait3A_442 = arith.constant 0 : i32
      %dma_wait3A_443 = tpu.memref_slice %arg6[%dma_wait3A_430, %dma_wait3A_441, %dma_wait3A_442] : memref<8x8x1024xf32, #tpu.memory_space<vmem>> -> memref<1x8x1024xf32, #tpu.memory_space<vmem>>
      %dma_wait3A_444 = tpu.memref_squeeze %dma_wait3A_443 : memref<1x8x1024xf32, #tpu.memory_space<vmem>> -> memref<8x1024xf32, #tpu.memory_space<vmem>>
      tpu.wait_dma2 semaphore(%arg15 : memref<!tpu.dma_semaphore, #tpu.memory_space<semaphore_mem>>) src(%dma_wait3A_444 : memref<8x1024xf32, #tpu.memory_space<vmem>>) dst(%dma_wait3A_440 : memref<8x1024xf32, #tpu.memory_space<hbm>>)
      %lt3A_445 = arith.constant 15 : i32
      %lt3A_446 = arith.cmpi slt, %scan3A_108, %lt3A_445 : i32
      %convert_element_type3A_447 = arith.extui %lt3A_446 : i1 to i32
      %cond3A_448 = arith.constant 0 : i32
      %cond3A_449 = arith.cmpi ne, %convert_element_type3A_447, %cond3A_448 : i32
      scf.if %cond3A_449 {
        %add3A_1524 = arith.constant 8 : i32
        %add3A_1525 = arith.addi %add3A_274, %add3A_1524 : i32
        %sub3A_1526 = arith.constant 1 : i32
        %sub3A_1527 = arith.subi %add3A_1525, %sub3A_1526 : i32
        %jit3A_1528 = arith.constant 4 : i32
        %eq3A_1529 = arith.constant 0 : i32
        %eq3A_1530 = arith.cmpi eq, %jit3A_1528, %eq3A_1529 : i32
        %jit3A_1531 = arith.constant 1 : i32
        %select_n3A_1532 = arith.select %eq3A_1530, %jit3A_1531, %jit3A_1528 : i32
        %rem3A_1533 = arith.remsi %sub3A_1527, %select_n3A_1532 : i32
        %ne3A_1534 = arith.constant 0 : i32
        %ne3A_1535 = arith.cmpi ne, %rem3A_1533, %ne3A_1534 : i32
        %lt3A_1536 = arith.constant 0 : i32
        %lt3A_1537 = arith.cmpi slt, %rem3A_1533, %lt3A_1536 : i32
        %lt3A_1538 = arith.constant 0 : i32
        %lt3A_1539 = arith.cmpi slt, %select_n3A_1532, %lt3A_1538 : i32
        %ne3A_1540 = arith.xori %lt3A_1537, %lt3A_1539 : i1
        %and3A_1541 = arith.andi %ne3A_1540, %ne3A_1535 : i1
        %add3A_1542 = arith.addi %rem3A_1533, %select_n3A_1532 : i32
        %select_n3A_1543 = arith.select %and3A_1541, %add3A_1542, %rem3A_1533 : i32
        %jit3A_1544 = arith.constant 4 : i32
        %div3A_1545 = arith.divsi %sub3A_1527, %jit3A_1544 : i32
        %sign3A_1546 = arith.constant 0 : i32
        %sign3A_1547 = arith.cmpi sgt, %sub3A_1527, %sign3A_1546 : i32
        %sign3A_1548 = arith.extui %sign3A_1547 : i1 to i32
        %sign3A_1549 = arith.constant 0 : i32
        %sign3A_1550 = arith.cmpi slt, %sub3A_1527, %sign3A_1549 : i32
        %sign3A_1551 = arith.extui %sign3A_1550 : i1 to i32
        %sign3A_1552 = arith.subi %sign3A_1548, %sign3A_1551 : i32
        %sign3A_1553 = arith.constant 0 : i32
        %sign3A_1554 = arith.cmpi sgt, %jit3A_1544, %sign3A_1553 : i32
        %sign3A_1555 = arith.extui %sign3A_1554 : i1 to i32
        %sign3A_1556 = arith.constant 0 : i32
        %sign3A_1557 = arith.cmpi slt, %jit3A_1544, %sign3A_1556 : i32
        %sign3A_1558 = arith.extui %sign3A_1557 : i1 to i32
        %sign3A_1559 = arith.subi %sign3A_1555, %sign3A_1558 : i32
        %ne3A_1560 = arith.cmpi ne, %sign3A_1552, %sign3A_1559 : i32
        %rem3A_1561 = arith.remsi %sub3A_1527, %jit3A_1544 : i32
        %ne3A_1562 = arith.constant 0 : i32
        %ne3A_1563 = arith.cmpi ne, %rem3A_1561, %ne3A_1562 : i32
        %and3A_1564 = arith.andi %ne3A_1560, %ne3A_1563 : i1
        %sub3A_1565 = arith.constant 1 : i32
        %sub3A_1566 = arith.subi %div3A_1545, %sub3A_1565 : i32
        %select_n3A_1567 = arith.select %and3A_1564, %sub3A_1566, %div3A_1545 : i32
        %mul3A_1568 = arith.constant 8 : i32
        %mul3A_1569 = arith.muli %select_n3A_1567, %mul3A_1568 : i32
        %dma_start3A_1570 = arith.constant 0 : i32
        %dma_start3A_1571 = arith.constant 0 : i32
        %dma_start3A_1572 = arith.constant 0 : i32
        %dma_start3A_1573 = tpu.memref_slice %arg6[%dma_start3A_1570, %dma_start3A_1571, %dma_start3A_1572] : memref<8x8x1024xf32, #tpu.memory_space<vmem>> -> memref<1x8x1024xf32, #tpu.memory_space<vmem>>
        %dma_start3A_1574 = tpu.memref_squeeze %dma_start3A_1573 : memref<1x8x1024xf32, #tpu.memory_space<vmem>> -> memref<8x1024xf32, #tpu.memory_space<vmem>>
        %dma_start3A_1575 = tpu.memref_slice %arg5[%select_n3A_1543, %mul3A_1569] : memref<4x256xi32, #tpu.memory_space<vmem>> -> memref<1x8xi32, #tpu.memory_space<vmem>>
        %dma_start3A_1576 = tpu.memref_squeeze %dma_start3A_1575 : memref<1x8xi32, #tpu.memory_space<vmem>> -> memref<8xi32, #tpu.memory_space<vmem>>
        %dma_start3A_1577 = arith.constant 0 : i32
        %dma_start3A_1578 = arith.constant 0 : i32
        %dma_start3A_1579 = tpu.memref_slice %arg3[%dma_start3A_1577, %dma_start3A_1578] : memref<8192x1024xf32, #tpu.memory_space<hbm>> -> memref<8192x1024xf32, #tpu.memory_space<hbm>>
        tpu.enqueue_indirect_dma source(%dma_start3A_1579 : memref<8192x1024xf32, #tpu.memory_space<hbm>>) target(%dma_start3A_1574 : memref<8x1024xf32, #tpu.memory_space<vmem>>) offsets(%dma_start3A_1576 : memref<8xi32, #tpu.memory_space<vmem>>) semaphore(%arg7 : memref<!tpu.dma_semaphore, #tpu.memory_space<semaphore_mem>>)
      } else {
      }
      %mul3A_450 = arith.constant 8 : i32
      %mul3A_451 = arith.muli %mul3A_450, %scan3A_108 : i32
      %add3A_452 = arith.constant 2 : i32
      %add3A_453 = arith.addi %mul3A_451, %add3A_452 : i32
      %jit3A_454 = arith.constant 4 : i32
      %eq3A_455 = arith.constant 0 : i32
      %eq3A_456 = arith.cmpi eq, %jit3A_454, %eq3A_455 : i32
      %jit3A_457 = arith.constant 1 : i32
      %select_n3A_458 = arith.select %eq3A_456, %jit3A_457, %jit3A_454 : i32
      %rem3A_459 = arith.remsi %add3A_453, %select_n3A_458 : i32
      %ne3A_460 = arith.constant 0 : i32
      %ne3A_461 = arith.cmpi ne, %rem3A_459, %ne3A_460 : i32
      %lt3A_462 = arith.constant 0 : i32
      %lt3A_463 = arith.cmpi slt, %rem3A_459, %lt3A_462 : i32
      %lt3A_464 = arith.constant 0 : i32
      %lt3A_465 = arith.cmpi slt, %select_n3A_458, %lt3A_464 : i32
      %ne3A_466 = arith.xori %lt3A_463, %lt3A_465 : i1
      %and3A_467 = arith.andi %ne3A_466, %ne3A_461 : i1
      %add3A_468 = arith.addi %rem3A_459, %select_n3A_458 : i32
      %select_n3A_469 = arith.select %and3A_467, %add3A_468, %rem3A_459 : i32
      %jit3A_470 = arith.constant 4 : i32
      %div3A_471 = arith.divsi %add3A_453, %jit3A_470 : i32
      %sign3A_472 = arith.constant 0 : i32
      %sign3A_473 = arith.cmpi sgt, %add3A_453, %sign3A_472 : i32
      %sign3A_474 = arith.extui %sign3A_473 : i1 to i32
      %sign3A_475 = arith.constant 0 : i32
      %sign3A_476 = arith.cmpi slt, %add3A_453, %sign3A_475 : i32
      %sign3A_477 = arith.extui %sign3A_476 : i1 to i32
      %sign3A_478 = arith.subi %sign3A_474, %sign3A_477 : i32
      %sign3A_479 = arith.constant 0 : i32
      %sign3A_480 = arith.cmpi sgt, %jit3A_470, %sign3A_479 : i32
      %sign3A_481 = arith.extui %sign3A_480 : i1 to i32
      %sign3A_482 = arith.constant 0 : i32
      %sign3A_483 = arith.cmpi slt, %jit3A_470, %sign3A_482 : i32
      %sign3A_484 = arith.extui %sign3A_483 : i1 to i32
      %sign3A_485 = arith.subi %sign3A_481, %sign3A_484 : i32
      %ne3A_486 = arith.cmpi ne, %sign3A_478, %sign3A_485 : i32
      %rem3A_487 = arith.remsi %add3A_453, %jit3A_470 : i32
      %ne3A_488 = arith.constant 0 : i32
      %ne3A_489 = arith.cmpi ne, %rem3A_487, %ne3A_488 : i32
      %and3A_490 = arith.andi %ne3A_486, %ne3A_489 : i1
      %sub3A_491 = arith.constant 1 : i32
      %sub3A_492 = arith.subi %div3A_471, %sub3A_491 : i32
      %select_n3A_493 = arith.select %and3A_490, %sub3A_492, %div3A_471 : i32
      %mul3A_494 = arith.constant 8 : i32
      %mul3A_495 = arith.muli %select_n3A_493, %mul3A_494 : i32
      %dma_wait3A_496 = arith.constant 2 : i32
      %dma_wait3A_497 = arith.constant 0 : i32
      %dma_wait3A_498 = arith.constant 0 : i32
      %dma_wait3A_499 = tpu.memref_slice %arg6[%dma_wait3A_496, %dma_wait3A_497, %dma_wait3A_498] : memref<8x8x1024xf32, #tpu.memory_space<vmem>> -> memref<1x8x1024xf32, #tpu.memory_space<vmem>>
      %dma_wait3A_500 = tpu.memref_squeeze %dma_wait3A_499 : memref<1x8x1024xf32, #tpu.memory_space<vmem>> -> memref<8x1024xf32, #tpu.memory_space<vmem>>
      %dma_wait3A_501 = tpu.memref_slice %arg5[%select_n3A_469, %mul3A_495] : memref<4x256xi32, #tpu.memory_space<vmem>> -> memref<1x8xi32, #tpu.memory_space<vmem>>
      %dma_wait3A_502 = tpu.memref_squeeze %dma_wait3A_501 : memref<1x8xi32, #tpu.memory_space<vmem>> -> memref<8xi32, #tpu.memory_space<vmem>>
      %dma_wait3A_503 = arith.constant 0 : i32
      %dma_wait3A_504 = arith.constant 0 : i32
      %dma_wait3A_505 = tpu.memref_slice %arg3[%dma_wait3A_503, %dma_wait3A_504] : memref<8192x1024xf32, #tpu.memory_space<hbm>> -> memref<8192x1024xf32, #tpu.memory_space<hbm>>
      tpu.wait_indirect_dma semaphore(%arg9 : memref<!tpu.dma_semaphore, #tpu.memory_space<semaphore_mem>>) src(%dma_wait3A_505 : memref<8192x1024xf32, #tpu.memory_space<hbm>>) dst(%dma_wait3A_500 : memref<8x1024xf32, #tpu.memory_space<vmem>>)
      %jit3A_506 = arith.constant 4 : i32
      %eq3A_507 = arith.constant 0 : i32
      %eq3A_508 = arith.cmpi eq, %jit3A_506, %eq3A_507 : i32
      %jit3A_509 = arith.constant 1 : i32
      %select_n3A_510 = arith.select %eq3A_508, %jit3A_509, %jit3A_506 : i32
      %rem3A_511 = arith.remsi %add3A_453, %select_n3A_510 : i32
      %ne3A_512 = arith.constant 0 : i32
      %ne3A_513 = arith.cmpi ne, %rem3A_511, %ne3A_512 : i32
      %lt3A_514 = arith.constant 0 : i32
      %lt3A_515 = arith.cmpi slt, %rem3A_511, %lt3A_514 : i32
      %lt3A_516 = arith.constant 0 : i32
      %lt3A_517 = arith.cmpi slt, %select_n3A_510, %lt3A_516 : i32
      %ne3A_518 = arith.xori %lt3A_515, %lt3A_517 : i1
      %and3A_519 = arith.andi %ne3A_518, %ne3A_513 : i1
      %add3A_520 = arith.addi %rem3A_511, %select_n3A_510 : i32
      %select_n3A_521 = arith.select %and3A_519, %add3A_520, %rem3A_511 : i32
      %jit3A_522 = arith.constant 4 : i32
      %div3A_523 = arith.divsi %add3A_453, %jit3A_522 : i32
      %sign3A_524 = arith.constant 0 : i32
      %sign3A_525 = arith.cmpi sgt, %add3A_453, %sign3A_524 : i32
      %sign3A_526 = arith.extui %sign3A_525 : i1 to i32
      %sign3A_527 = arith.constant 0 : i32
      %sign3A_528 = arith.cmpi slt, %add3A_453, %sign3A_527 : i32
      %sign3A_529 = arith.extui %sign3A_528 : i1 to i32
      %sign3A_530 = arith.subi %sign3A_526, %sign3A_529 : i32
      %sign3A_531 = arith.constant 0 : i32
      %sign3A_532 = arith.cmpi sgt, %jit3A_522, %sign3A_531 : i32
      %sign3A_533 = arith.extui %sign3A_532 : i1 to i32
      %sign3A_534 = arith.constant 0 : i32
      %sign3A_535 = arith.cmpi slt, %jit3A_522, %sign3A_534 : i32
      %sign3A_536 = arith.extui %sign3A_535 : i1 to i32
      %sign3A_537 = arith.subi %sign3A_533, %sign3A_536 : i32
      %ne3A_538 = arith.cmpi ne, %sign3A_530, %sign3A_537 : i32
      %rem3A_539 = arith.remsi %add3A_453, %jit3A_522 : i32
      %ne3A_540 = arith.constant 0 : i32
      %ne3A_541 = arith.cmpi ne, %rem3A_539, %ne3A_540 : i32
      %and3A_542 = arith.andi %ne3A_538, %ne3A_541 : i1
      %sub3A_543 = arith.constant 1 : i32
      %sub3A_544 = arith.subi %div3A_523, %sub3A_543 : i32
      %select_n3A_545 = arith.select %and3A_542, %sub3A_544, %div3A_523 : i32
      %mul3A_546 = arith.constant 8 : i32
      %mul3A_547 = arith.muli %select_n3A_545, %mul3A_546 : i32
      %add3A_548 = arith.addi %mul3A_2, %mul3A_547 : i32
      %dma_start3A_549 = arith.constant 2 : i32
      %dma_start3A_550 = arith.constant 0 : i32
      %dma_start3A_551 = arith.constant 0 : i32
      %dma_start3A_552 = tpu.memref_slice %arg6[%dma_start3A_549, %dma_start3A_550, %dma_start3A_551] : memref<8x8x1024xf32, #tpu.memory_space<vmem>> -> memref<1x8x1024xf32, #tpu.memory_space<vmem>>
      %dma_start3A_553 = tpu.memref_squeeze %dma_start3A_552 : memref<1x8x1024xf32, #tpu.memory_space<vmem>> -> memref<8x1024xf32, #tpu.memory_space<vmem>>
      %dma_start3A_554 = arith.constant 0 : i32
      %dma_start3A_555 = tpu.memref_slice %arg4[%add3A_548, %select_n3A_521, %dma_start3A_554] : memref<8192x4x1024xf32, #tpu.memory_space<hbm>> -> memref<8x1x1024xf32, #tpu.memory_space<hbm>>
      %dma_start3A_556 = tpu.memref_squeeze %dma_start3A_555 : memref<8x1x1024xf32, #tpu.memory_space<hbm>> -> memref<8x1024xf32, #tpu.memory_space<hbm>>
      %dma_start3A_557 = arith.constant 0 : i32
      %dma_start3A_558 = tpu.memref_slice %arg4[%add3A_548, %select_n3A_521, %dma_start3A_557] : memref<8192x4x1024xf32, #tpu.memory_space<hbm>> -> memref<8x1x1024xf32, #tpu.memory_space<hbm>>
      %dma_start3A_559 = tpu.memref_squeeze %dma_start3A_558 : memref<8x1x1024xf32, #tpu.memory_space<hbm>> -> memref<8x1024xf32, #tpu.memory_space<hbm>>
      %dma_start3A_560 = arith.constant 0 : i32
      %dma_start3A_561 = arith.constant 0 : i32
      %dma_start3A_562 = tpu.memref_slice %arg6[%dma_start3A_549, %dma_start3A_560, %dma_start3A_561] : memref<8x8x1024xf32, #tpu.memory_space<vmem>> -> memref<1x8x1024xf32, #tpu.memory_space<vmem>>
      %dma_start3A_563 = tpu.memref_squeeze %dma_start3A_562 : memref<1x8x1024xf32, #tpu.memory_space<vmem>> -> memref<8x1024xf32, #tpu.memory_space<vmem>>
      tpu.enqueue_dma source(%dma_start3A_563 : memref<8x1024xf32, #tpu.memory_space<vmem>>) target(%dma_start3A_559 : memref<8x1024xf32, #tpu.memory_space<hbm>>) target_semaphore(%arg17 : memref<!tpu.dma_semaphore, #tpu.memory_space<semaphore_mem>>)
      %sub3A_564 = arith.constant 1 : i32
      %sub3A_565 = arith.subi %add3A_453, %sub3A_564 : i32
      %jit3A_566 = arith.constant 4 : i32
      %eq3A_567 = arith.constant 0 : i32
      %eq3A_568 = arith.cmpi eq, %jit3A_566, %eq3A_567 : i32
      %jit3A_569 = arith.constant 1 : i32
      %select_n3A_570 = arith.select %eq3A_568, %jit3A_569, %jit3A_566 : i32
      %rem3A_571 = arith.remsi %sub3A_565, %select_n3A_570 : i32
      %ne3A_572 = arith.constant 0 : i32
      %ne3A_573 = arith.cmpi ne, %rem3A_571, %ne3A_572 : i32
      %lt3A_574 = arith.constant 0 : i32
      %lt3A_575 = arith.cmpi slt, %rem3A_571, %lt3A_574 : i32
      %lt3A_576 = arith.constant 0 : i32
      %lt3A_577 = arith.cmpi slt, %select_n3A_570, %lt3A_576 : i32
      %ne3A_578 = arith.xori %lt3A_575, %lt3A_577 : i1
      %and3A_579 = arith.andi %ne3A_578, %ne3A_573 : i1
      %add3A_580 = arith.addi %rem3A_571, %select_n3A_570 : i32
      %select_n3A_581 = arith.select %and3A_579, %add3A_580, %rem3A_571 : i32
      %jit3A_582 = arith.constant 4 : i32
      %div3A_583 = arith.divsi %sub3A_565, %jit3A_582 : i32
      %sign3A_584 = arith.constant 0 : i32
      %sign3A_585 = arith.cmpi sgt, %sub3A_565, %sign3A_584 : i32
      %sign3A_586 = arith.extui %sign3A_585 : i1 to i32
      %sign3A_587 = arith.constant 0 : i32
      %sign3A_588 = arith.cmpi slt, %sub3A_565, %sign3A_587 : i32
      %sign3A_589 = arith.extui %sign3A_588 : i1 to i32
      %sign3A_590 = arith.subi %sign3A_586, %sign3A_589 : i32
      %sign3A_591 = arith.constant 0 : i32
      %sign3A_592 = arith.cmpi sgt, %jit3A_582, %sign3A_591 : i32
      %sign3A_593 = arith.extui %sign3A_592 : i1 to i32
      %sign3A_594 = arith.constant 0 : i32
      %sign3A_595 = arith.cmpi slt, %jit3A_582, %sign3A_594 : i32
      %sign3A_596 = arith.extui %sign3A_595 : i1 to i32
      %sign3A_597 = arith.subi %sign3A_593, %sign3A_596 : i32
      %ne3A_598 = arith.cmpi ne, %sign3A_590, %sign3A_597 : i32
      %rem3A_599 = arith.remsi %sub3A_565, %jit3A_582 : i32
      %ne3A_600 = arith.constant 0 : i32
      %ne3A_601 = arith.cmpi ne, %rem3A_599, %ne3A_600 : i32
      %and3A_602 = arith.andi %ne3A_598, %ne3A_601 : i1
      %sub3A_603 = arith.constant 1 : i32
      %sub3A_604 = arith.subi %div3A_583, %sub3A_603 : i32
      %select_n3A_605 = arith.select %and3A_602, %sub3A_604, %div3A_583 : i32
      %mul3A_606 = arith.constant 8 : i32
      %mul3A_607 = arith.muli %select_n3A_605, %mul3A_606 : i32
      %add3A_608 = arith.addi %mul3A_2, %mul3A_607 : i32
      %dma_wait3A_609 = arith.constant 1 : i32
      %dma_wait3A_610 = arith.constant 0 : i32
      %dma_wait3A_611 = arith.constant 0 : i32
      %dma_wait3A_612 = tpu.memref_slice %arg6[%dma_wait3A_609, %dma_wait3A_610, %dma_wait3A_611] : memref<8x8x1024xf32, #tpu.memory_space<vmem>> -> memref<1x8x1024xf32, #tpu.memory_space<vmem>>
      %dma_wait3A_613 = tpu.memref_squeeze %dma_wait3A_612 : memref<1x8x1024xf32, #tpu.memory_space<vmem>> -> memref<8x1024xf32, #tpu.memory_space<vmem>>
      %dma_wait3A_614 = arith.constant 0 : i32
      %dma_wait3A_615 = tpu.memref_slice %arg4[%add3A_608, %select_n3A_581, %dma_wait3A_614] : memref<8192x4x1024xf32, #tpu.memory_space<hbm>> -> memref<8x1x1024xf32, #tpu.memory_space<hbm>>
      %dma_wait3A_616 = tpu.memref_squeeze %dma_wait3A_615 : memref<8x1x1024xf32, #tpu.memory_space<hbm>> -> memref<8x1024xf32, #tpu.memory_space<hbm>>
      %dma_wait3A_617 = arith.constant 0 : i32
      %dma_wait3A_618 = tpu.memref_slice %arg4[%add3A_608, %select_n3A_581, %dma_wait3A_617] : memref<8192x4x1024xf32, #tpu.memory_space<hbm>> -> memref<8x1x1024xf32, #tpu.memory_space<hbm>>
      %dma_wait3A_619 = tpu.memref_squeeze %dma_wait3A_618 : memref<8x1x1024xf32, #tpu.memory_space<hbm>> -> memref<8x1024xf32, #tpu.memory_space<hbm>>
      %dma_wait3A_620 = arith.constant 0 : i32
      %dma_wait3A_621 = arith.constant 0 : i32
      %dma_wait3A_622 = tpu.memref_slice %arg6[%dma_wait3A_609, %dma_wait3A_620, %dma_wait3A_621] : memref<8x8x1024xf32, #tpu.memory_space<vmem>> -> memref<1x8x1024xf32, #tpu.memory_space<vmem>>
      %dma_wait3A_623 = tpu.memref_squeeze %dma_wait3A_622 : memref<1x8x1024xf32, #tpu.memory_space<vmem>> -> memref<8x1024xf32, #tpu.memory_space<vmem>>
      tpu.wait_dma2 semaphore(%arg16 : memref<!tpu.dma_semaphore, #tpu.memory_space<semaphore_mem>>) src(%dma_wait3A_623 : memref<8x1024xf32, #tpu.memory_space<vmem>>) dst(%dma_wait3A_619 : memref<8x1024xf32, #tpu.memory_space<hbm>>)
      %lt3A_624 = arith.constant 15 : i32
      %lt3A_625 = arith.cmpi slt, %scan3A_108, %lt3A_624 : i32
      %convert_element_type3A_626 = arith.extui %lt3A_625 : i1 to i32
      %cond3A_627 = arith.constant 0 : i32
      %cond3A_628 = arith.cmpi ne, %convert_element_type3A_626, %cond3A_627 : i32
      scf.if %cond3A_628 {
        %add3A_1524 = arith.constant 8 : i32
        %add3A_1525 = arith.addi %add3A_453, %add3A_1524 : i32
        %sub3A_1526 = arith.constant 1 : i32
        %sub3A_1527 = arith.subi %add3A_1525, %sub3A_1526 : i32
        %jit3A_1528 = arith.constant 4 : i32
        %eq3A_1529 = arith.constant 0 : i32
        %eq3A_1530 = arith.cmpi eq, %jit3A_1528, %eq3A_1529 : i32
        %jit3A_1531 = arith.constant 1 : i32
        %select_n3A_1532 = arith.select %eq3A_1530, %jit3A_1531, %jit3A_1528 : i32
        %rem3A_1533 = arith.remsi %sub3A_1527, %select_n3A_1532 : i32
        %ne3A_1534 = arith.constant 0 : i32
        %ne3A_1535 = arith.cmpi ne, %rem3A_1533, %ne3A_1534 : i32
        %lt3A_1536 = arith.constant 0 : i32
        %lt3A_1537 = arith.cmpi slt, %rem3A_1533, %lt3A_1536 : i32
        %lt3A_1538 = arith.constant 0 : i32
        %lt3A_1539 = arith.cmpi slt, %select_n3A_1532, %lt3A_1538 : i32
        %ne3A_1540 = arith.xori %lt3A_1537, %lt3A_1539 : i1
        %and3A_1541 = arith.andi %ne3A_1540, %ne3A_1535 : i1
        %add3A_1542 = arith.addi %rem3A_1533, %select_n3A_1532 : i32
        %select_n3A_1543 = arith.select %and3A_1541, %add3A_1542, %rem3A_1533 : i32
        %jit3A_1544 = arith.constant 4 : i32
        %div3A_1545 = arith.divsi %sub3A_1527, %jit3A_1544 : i32
        %sign3A_1546 = arith.constant 0 : i32
        %sign3A_1547 = arith.cmpi sgt, %sub3A_1527, %sign3A_1546 : i32
        %sign3A_1548 = arith.extui %sign3A_1547 : i1 to i32
        %sign3A_1549 = arith.constant 0 : i32
        %sign3A_1550 = arith.cmpi slt, %sub3A_1527, %sign3A_1549 : i32
        %sign3A_1551 = arith.extui %sign3A_1550 : i1 to i32
        %sign3A_1552 = arith.subi %sign3A_1548, %sign3A_1551 : i32
        %sign3A_1553 = arith.constant 0 : i32
        %sign3A_1554 = arith.cmpi sgt, %jit3A_1544, %sign3A_1553 : i32
        %sign3A_1555 = arith.extui %sign3A_1554 : i1 to i32
        %sign3A_1556 = arith.constant 0 : i32
        %sign3A_1557 = arith.cmpi slt, %jit3A_1544, %sign3A_1556 : i32
        %sign3A_1558 = arith.extui %sign3A_1557 : i1 to i32
        %sign3A_1559 = arith.subi %sign3A_1555, %sign3A_1558 : i32
        %ne3A_1560 = arith.cmpi ne, %sign3A_1552, %sign3A_1559 : i32
        %rem3A_1561 = arith.remsi %sub3A_1527, %jit3A_1544 : i32
        %ne3A_1562 = arith.constant 0 : i32
        %ne3A_1563 = arith.cmpi ne, %rem3A_1561, %ne3A_1562 : i32
        %and3A_1564 = arith.andi %ne3A_1560, %ne3A_1563 : i1
        %sub3A_1565 = arith.constant 1 : i32
        %sub3A_1566 = arith.subi %div3A_1545, %sub3A_1565 : i32
        %select_n3A_1567 = arith.select %and3A_1564, %sub3A_1566, %div3A_1545 : i32
        %mul3A_1568 = arith.constant 8 : i32
        %mul3A_1569 = arith.muli %select_n3A_1567, %mul3A_1568 : i32
        %dma_start3A_1570 = arith.constant 1 : i32
        %dma_start3A_1571 = arith.constant 0 : i32
        %dma_start3A_1572 = arith.constant 0 : i32
        %dma_start3A_1573 = tpu.memref_slice %arg6[%dma_start3A_1570, %dma_start3A_1571, %dma_start3A_1572] : memref<8x8x1024xf32, #tpu.memory_space<vmem>> -> memref<1x8x1024xf32, #tpu.memory_space<vmem>>
        %dma_start3A_1574 = tpu.memref_squeeze %dma_start3A_1573 : memref<1x8x1024xf32, #tpu.memory_space<vmem>> -> memref<8x1024xf32, #tpu.memory_space<vmem>>
        %dma_start3A_1575 = tpu.memref_slice %arg5[%select_n3A_1543, %mul3A_1569] : memref<4x256xi32, #tpu.memory_space<vmem>> -> memref<1x8xi32, #tpu.memory_space<vmem>>
        %dma_start3A_1576 = tpu.memref_squeeze %dma_start3A_1575 : memref<1x8xi32, #tpu.memory_space<vmem>> -> memref<8xi32, #tpu.memory_space<vmem>>
        %dma_start3A_1577 = arith.constant 0 : i32
        %dma_start3A_1578 = arith.constant 0 : i32
        %dma_start3A_1579 = tpu.memref_slice %arg3[%dma_start3A_1577, %dma_start3A_1578] : memref<8192x1024xf32, #tpu.memory_space<hbm>> -> memref<8192x1024xf32, #tpu.memory_space<hbm>>
        tpu.enqueue_indirect_dma source(%dma_start3A_1579 : memref<8192x1024xf32, #tpu.memory_space<hbm>>) target(%dma_start3A_1574 : memref<8x1024xf32, #tpu.memory_space<vmem>>) offsets(%dma_start3A_1576 : memref<8xi32, #tpu.memory_space<vmem>>) semaphore(%arg8 : memref<!tpu.dma_semaphore, #tpu.memory_space<semaphore_mem>>)
      } else {
      }
      %mul3A_629 = arith.constant 8 : i32
      %mul3A_630 = arith.muli %mul3A_629, %scan3A_108 : i32
      %add3A_631 = arith.constant 3 : i32
      %add3A_632 = arith.addi %mul3A_630, %add3A_631 : i32
      %jit3A_633 = arith.constant 4 : i32
      %eq3A_634 = arith.constant 0 : i32
      %eq3A_635 = arith.cmpi eq, %jit3A_633, %eq3A_634 : i32
      %jit3A_636 = arith.constant 1 : i32
      %select_n3A_637 = arith.select %eq3A_635, %jit3A_636, %jit3A_633 : i32
      %rem3A_638 = arith.remsi %add3A_632, %select_n3A_637 : i32
      %ne3A_639 = arith.constant 0 : i32
      %ne3A_640 = arith.cmpi ne, %rem3A_638, %ne3A_639 : i32
      %lt3A_641 = arith.constant 0 : i32
      %lt3A_642 = arith.cmpi slt, %rem3A_638, %lt3A_641 : i32
      %lt3A_643 = arith.constant 0 : i32
      %lt3A_644 = arith.cmpi slt, %select_n3A_637, %lt3A_643 : i32
      %ne3A_645 = arith.xori %lt3A_642, %lt3A_644 : i1
      %and3A_646 = arith.andi %ne3A_645, %ne3A_640 : i1
      %add3A_647 = arith.addi %rem3A_638, %select_n3A_637 : i32
      %select_n3A_648 = arith.select %and3A_646, %add3A_647, %rem3A_638 : i32
      %jit3A_649 = arith.constant 4 : i32
      %div3A_650 = arith.divsi %add3A_632, %jit3A_649 : i32
      %sign3A_651 = arith.constant 0 : i32
      %sign3A_652 = arith.cmpi sgt, %add3A_632, %sign3A_651 : i32
      %sign3A_653 = arith.extui %sign3A_652 : i1 to i32
      %sign3A_654 = arith.constant 0 : i32
      %sign3A_655 = arith.cmpi slt, %add3A_632, %sign3A_654 : i32
      %sign3A_656 = arith.extui %sign3A_655 : i1 to i32
      %sign3A_657 = arith.subi %sign3A_653, %sign3A_656 : i32
      %sign3A_658 = arith.constant 0 : i32
      %sign3A_659 = arith.cmpi sgt, %jit3A_649, %sign3A_658 : i32
      %sign3A_660 = arith.extui %sign3A_659 : i1 to i32
      %sign3A_661 = arith.constant 0 : i32
      %sign3A_662 = arith.cmpi slt, %jit3A_649, %sign3A_661 : i32
      %sign3A_663 = arith.extui %sign3A_662 : i1 to i32
      %sign3A_664 = arith.subi %sign3A_660, %sign3A_663 : i32
      %ne3A_665 = arith.cmpi ne, %sign3A_657, %sign3A_664 : i32
      %rem3A_666 = arith.remsi %add3A_632, %jit3A_649 : i32
      %ne3A_667 = arith.constant 0 : i32
      %ne3A_668 = arith.cmpi ne, %rem3A_666, %ne3A_667 : i32
      %and3A_669 = arith.andi %ne3A_665, %ne3A_668 : i1
      %sub3A_670 = arith.constant 1 : i32
      %sub3A_671 = arith.subi %div3A_650, %sub3A_670 : i32
      %select_n3A_672 = arith.select %and3A_669, %sub3A_671, %div3A_650 : i32
      %mul3A_673 = arith.constant 8 : i32
      %mul3A_674 = arith.muli %select_n3A_672, %mul3A_673 : i32
      %dma_wait3A_675 = arith.constant 3 : i32
      %dma_wait3A_676 = arith.constant 0 : i32
      %dma_wait3A_677 = arith.constant 0 : i32
      %dma_wait3A_678 = tpu.memref_slice %arg6[%dma_wait3A_675, %dma_wait3A_676, %dma_wait3A_677] : memref<8x8x1024xf32, #tpu.memory_space<vmem>> -> memref<1x8x1024xf32, #tpu.memory_space<vmem>>
      %dma_wait3A_679 = tpu.memref_squeeze %dma_wait3A_678 : memref<1x8x1024xf32, #tpu.memory_space<vmem>> -> memref<8x1024xf32, #tpu.memory_space<vmem>>
      %dma_wait3A_680 = tpu.memref_slice %arg5[%select_n3A_648, %mul3A_674] : memref<4x256xi32, #tpu.memory_space<vmem>> -> memref<1x8xi32, #tpu.memory_space<vmem>>
      %dma_wait3A_681 = tpu.memref_squeeze %dma_wait3A_680 : memref<1x8xi32, #tpu.memory_space<vmem>> -> memref<8xi32, #tpu.memory_space<vmem>>
      %dma_wait3A_682 = arith.constant 0 : i32
      %dma_wait3A_683 = arith.constant 0 : i32
      %dma_wait3A_684 = tpu.memref_slice %arg3[%dma_wait3A_682, %dma_wait3A_683] : memref<8192x1024xf32, #tpu.memory_space<hbm>> -> memref<8192x1024xf32, #tpu.memory_space<hbm>>
      tpu.wait_indirect_dma semaphore(%arg10 : memref<!tpu.dma_semaphore, #tpu.memory_space<semaphore_mem>>) src(%dma_wait3A_684 : memref<8192x1024xf32, #tpu.memory_space<hbm>>) dst(%dma_wait3A_679 : memref<8x1024xf32, #tpu.memory_space<vmem>>)
      %jit3A_685 = arith.constant 4 : i32
      %eq3A_686 = arith.constant 0 : i32
      %eq3A_687 = arith.cmpi eq, %jit3A_685, %eq3A_686 : i32
      %jit3A_688 = arith.constant 1 : i32
      %select_n3A_689 = arith.select %eq3A_687, %jit3A_688, %jit3A_685 : i32
      %rem3A_690 = arith.remsi %add3A_632, %select_n3A_689 : i32
      %ne3A_691 = arith.constant 0 : i32
      %ne3A_692 = arith.cmpi ne, %rem3A_690, %ne3A_691 : i32
      %lt3A_693 = arith.constant 0 : i32
      %lt3A_694 = arith.cmpi slt, %rem3A_690, %lt3A_693 : i32
      %lt3A_695 = arith.constant 0 : i32
      %lt3A_696 = arith.cmpi slt, %select_n3A_689, %lt3A_695 : i32
      %ne3A_697 = arith.xori %lt3A_694, %lt3A_696 : i1
      %and3A_698 = arith.andi %ne3A_697, %ne3A_692 : i1
      %add3A_699 = arith.addi %rem3A_690, %select_n3A_689 : i32
      %select_n3A_700 = arith.select %and3A_698, %add3A_699, %rem3A_690 : i32
      %jit3A_701 = arith.constant 4 : i32
      %div3A_702 = arith.divsi %add3A_632, %jit3A_701 : i32
      %sign3A_703 = arith.constant 0 : i32
      %sign3A_704 = arith.cmpi sgt, %add3A_632, %sign3A_703 : i32
      %sign3A_705 = arith.extui %sign3A_704 : i1 to i32
      %sign3A_706 = arith.constant 0 : i32
      %sign3A_707 = arith.cmpi slt, %add3A_632, %sign3A_706 : i32
      %sign3A_708 = arith.extui %sign3A_707 : i1 to i32
      %sign3A_709 = arith.subi %sign3A_705, %sign3A_708 : i32
      %sign3A_710 = arith.constant 0 : i32
      %sign3A_711 = arith.cmpi sgt, %jit3A_701, %sign3A_710 : i32
      %sign3A_712 = arith.extui %sign3A_711 : i1 to i32
      %sign3A_713 = arith.constant 0 : i32
      %sign3A_714 = arith.cmpi slt, %jit3A_701, %sign3A_713 : i32
      %sign3A_715 = arith.extui %sign3A_714 : i1 to i32
      %sign3A_716 = arith.subi %sign3A_712, %sign3A_715 : i32
      %ne3A_717 = arith.cmpi ne, %sign3A_709, %sign3A_716 : i32
      %rem3A_718 = arith.remsi %add3A_632, %jit3A_701 : i32
      %ne3A_719 = arith.constant 0 : i32
      %ne3A_720 = arith.cmpi ne, %rem3A_718, %ne3A_719 : i32
      %and3A_721 = arith.andi %ne3A_717, %ne3A_720 : i1
      %sub3A_722 = arith.constant 1 : i32
      %sub3A_723 = arith.subi %div3A_702, %sub3A_722 : i32
      %select_n3A_724 = arith.select %and3A_721, %sub3A_723, %div3A_702 : i32
      %mul3A_725 = arith.constant 8 : i32
      %mul3A_726 = arith.muli %select_n3A_724, %mul3A_725 : i32
      %add3A_727 = arith.addi %mul3A_2, %mul3A_726 : i32
      %dma_start3A_728 = arith.constant 3 : i32
      %dma_start3A_729 = arith.constant 0 : i32
      %dma_start3A_730 = arith.constant 0 : i32
      %dma_start3A_731 = tpu.memref_slice %arg6[%dma_start3A_728, %dma_start3A_729, %dma_start3A_730] : memref<8x8x1024xf32, #tpu.memory_space<vmem>> -> memref<1x8x1024xf32, #tpu.memory_space<vmem>>
      %dma_start3A_732 = tpu.memref_squeeze %dma_start3A_731 : memref<1x8x1024xf32, #tpu.memory_space<vmem>> -> memref<8x1024xf32, #tpu.memory_space<vmem>>
      %dma_start3A_733 = arith.constant 0 : i32
      %dma_start3A_734 = tpu.memref_slice %arg4[%add3A_727, %select_n3A_700, %dma_start3A_733] : memref<8192x4x1024xf32, #tpu.memory_space<hbm>> -> memref<8x1x1024xf32, #tpu.memory_space<hbm>>
      %dma_start3A_735 = tpu.memref_squeeze %dma_start3A_734 : memref<8x1x1024xf32, #tpu.memory_space<hbm>> -> memref<8x1024xf32, #tpu.memory_space<hbm>>
      %dma_start3A_736 = arith.constant 0 : i32
      %dma_start3A_737 = tpu.memref_slice %arg4[%add3A_727, %select_n3A_700, %dma_start3A_736] : memref<8192x4x1024xf32, #tpu.memory_space<hbm>> -> memref<8x1x1024xf32, #tpu.memory_space<hbm>>
      %dma_start3A_738 = tpu.memref_squeeze %dma_start3A_737 : memref<8x1x1024xf32, #tpu.memory_space<hbm>> -> memref<8x1024xf32, #tpu.memory_space<hbm>>
      %dma_start3A_739 = arith.constant 0 : i32
      %dma_start3A_740 = arith.constant 0 : i32
      %dma_start3A_741 = tpu.memref_slice %arg6[%dma_start3A_728, %dma_start3A_739, %dma_start3A_740] : memref<8x8x1024xf32, #tpu.memory_space<vmem>> -> memref<1x8x1024xf32, #tpu.memory_space<vmem>>
      %dma_start3A_742 = tpu.memref_squeeze %dma_start3A_741 : memref<1x8x1024xf32, #tpu.memory_space<vmem>> -> memref<8x1024xf32, #tpu.memory_space<vmem>>
      tpu.enqueue_dma source(%dma_start3A_742 : memref<8x1024xf32, #tpu.memory_space<vmem>>) target(%dma_start3A_738 : memref<8x1024xf32, #tpu.memory_space<hbm>>) target_semaphore(%arg18 : memref<!tpu.dma_semaphore, #tpu.memory_space<semaphore_mem>>)
      %sub3A_743 = arith.constant 1 : i32
      %sub3A_744 = arith.subi %add3A_632, %sub3A_743 : i32
      %jit3A_745 = arith.constant 4 : i32
      %eq3A_746 = arith.constant 0 : i32
      %eq3A_747 = arith.cmpi eq, %jit3A_745, %eq3A_746 : i32
      %jit3A_748 = arith.constant 1 : i32
      %select_n3A_749 = arith.select %eq3A_747, %jit3A_748, %jit3A_745 : i32
      %rem3A_750 = arith.remsi %sub3A_744, %select_n3A_749 : i32
      %ne3A_751 = arith.constant 0 : i32
      %ne3A_752 = arith.cmpi ne, %rem3A_750, %ne3A_751 : i32
      %lt3A_753 = arith.constant 0 : i32
      %lt3A_754 = arith.cmpi slt, %rem3A_750, %lt3A_753 : i32
      %lt3A_755 = arith.constant 0 : i32
      %lt3A_756 = arith.cmpi slt, %select_n3A_749, %lt3A_755 : i32
      %ne3A_757 = arith.xori %lt3A_754, %lt3A_756 : i1
      %and3A_758 = arith.andi %ne3A_757, %ne3A_752 : i1
      %add3A_759 = arith.addi %rem3A_750, %select_n3A_749 : i32
      %select_n3A_760 = arith.select %and3A_758, %add3A_759, %rem3A_750 : i32
      %jit3A_761 = arith.constant 4 : i32
      %div3A_762 = arith.divsi %sub3A_744, %jit3A_761 : i32
      %sign3A_763 = arith.constant 0 : i32
      %sign3A_764 = arith.cmpi sgt, %sub3A_744, %sign3A_763 : i32
      %sign3A_765 = arith.extui %sign3A_764 : i1 to i32
      %sign3A_766 = arith.constant 0 : i32
      %sign3A_767 = arith.cmpi slt, %sub3A_744, %sign3A_766 : i32
      %sign3A_768 = arith.extui %sign3A_767 : i1 to i32
      %sign3A_769 = arith.subi %sign3A_765, %sign3A_768 : i32
      %sign3A_770 = arith.constant 0 : i32
      %sign3A_771 = arith.cmpi sgt, %jit3A_761, %sign3A_770 : i32
      %sign3A_772 = arith.extui %sign3A_771 : i1 to i32
      %sign3A_773 = arith.constant 0 : i32
      %sign3A_774 = arith.cmpi slt, %jit3A_761, %sign3A_773 : i32
      %sign3A_775 = arith.extui %sign3A_774 : i1 to i32
      %sign3A_776 = arith.subi %sign3A_772, %sign3A_775 : i32
      %ne3A_777 = arith.cmpi ne, %sign3A_769, %sign3A_776 : i32
      %rem3A_778 = arith.remsi %sub3A_744, %jit3A_761 : i32
      %ne3A_779 = arith.constant 0 : i32
      %ne3A_780 = arith.cmpi ne, %rem3A_778, %ne3A_779 : i32
      %and3A_781 = arith.andi %ne3A_777, %ne3A_780 : i1
      %sub3A_782 = arith.constant 1 : i32
      %sub3A_783 = arith.subi %div3A_762, %sub3A_782 : i32
      %select_n3A_784 = arith.select %and3A_781, %sub3A_783, %div3A_762 : i32
      %mul3A_785 = arith.constant 8 : i32
      %mul3A_786 = arith.muli %select_n3A_784, %mul3A_785 : i32
      %add3A_787 = arith.addi %mul3A_2, %mul3A_786 : i32
      %dma_wait3A_788 = arith.constant 2 : i32
      %dma_wait3A_789 = arith.constant 0 : i32
      %dma_wait3A_790 = arith.constant 0 : i32
      %dma_wait3A_791 = tpu.memref_slice %arg6[%dma_wait3A_788, %dma_wait3A_789, %dma_wait3A_790] : memref<8x8x1024xf32, #tpu.memory_space<vmem>> -> memref<1x8x1024xf32, #tpu.memory_space<vmem>>
      %dma_wait3A_792 = tpu.memref_squeeze %dma_wait3A_791 : memref<1x8x1024xf32, #tpu.memory_space<vmem>> -> memref<8x1024xf32, #tpu.memory_space<vmem>>
      %dma_wait3A_793 = arith.constant 0 : i32
      %dma_wait3A_794 = tpu.memref_slice %arg4[%add3A_787, %select_n3A_760, %dma_wait3A_793] : memref<8192x4x1024xf32, #tpu.memory_space<hbm>> -> memref<8x1x1024xf32, #tpu.memory_space<hbm>>
      %dma_wait3A_795 = tpu.memref_squeeze %dma_wait3A_794 : memref<8x1x1024xf32, #tpu.memory_space<hbm>> -> memref<8x1024xf32, #tpu.memory_space<hbm>>
      %dma_wait3A_796 = arith.constant 0 : i32
      %dma_wait3A_797 = tpu.memref_slice %arg4[%add3A_787, %select_n3A_760, %dma_wait3A_796] : memref<8192x4x1024xf32, #tpu.memory_space<hbm>> -> memref<8x1x1024xf32, #tpu.memory_space<hbm>>
      %dma_wait3A_798 = tpu.memref_squeeze %dma_wait3A_797 : memref<8x1x1024xf32, #tpu.memory_space<hbm>> -> memref<8x1024xf32, #tpu.memory_space<hbm>>
      %dma_wait3A_799 = arith.constant 0 : i32
      %dma_wait3A_800 = arith.constant 0 : i32
      %dma_wait3A_801 = tpu.memref_slice %arg6[%dma_wait3A_788, %dma_wait3A_799, %dma_wait3A_800] : memref<8x8x1024xf32, #tpu.memory_space<vmem>> -> memref<1x8x1024xf32, #tpu.memory_space<vmem>>
      %dma_wait3A_802 = tpu.memref_squeeze %dma_wait3A_801 : memref<1x8x1024xf32, #tpu.memory_space<vmem>> -> memref<8x1024xf32, #tpu.memory_space<vmem>>
      tpu.wait_dma2 semaphore(%arg17 : memref<!tpu.dma_semaphore, #tpu.memory_space<semaphore_mem>>) src(%dma_wait3A_802 : memref<8x1024xf32, #tpu.memory_space<vmem>>) dst(%dma_wait3A_798 : memref<8x1024xf32, #tpu.memory_space<hbm>>)
      %lt3A_803 = arith.constant 15 : i32
      %lt3A_804 = arith.cmpi slt, %scan3A_108, %lt3A_803 : i32
      %convert_element_type3A_805 = arith.extui %lt3A_804 : i1 to i32
      %cond3A_806 = arith.constant 0 : i32
      %cond3A_807 = arith.cmpi ne, %convert_element_type3A_805, %cond3A_806 : i32
      scf.if %cond3A_807 {
        %add3A_1524 = arith.constant 8 : i32
        %add3A_1525 = arith.addi %add3A_632, %add3A_1524 : i32
        %sub3A_1526 = arith.constant 1 : i32
        %sub3A_1527 = arith.subi %add3A_1525, %sub3A_1526 : i32
        %jit3A_1528 = arith.constant 4 : i32
        %eq3A_1529 = arith.constant 0 : i32
        %eq3A_1530 = arith.cmpi eq, %jit3A_1528, %eq3A_1529 : i32
        %jit3A_1531 = arith.constant 1 : i32
        %select_n3A_1532 = arith.select %eq3A_1530, %jit3A_1531, %jit3A_1528 : i32
        %rem3A_1533 = arith.remsi %sub3A_1527, %select_n3A_1532 : i32
        %ne3A_1534 = arith.constant 0 : i32
        %ne3A_1535 = arith.cmpi ne, %rem3A_1533, %ne3A_1534 : i32
        %lt3A_1536 = arith.constant 0 : i32
        %lt3A_1537 = arith.cmpi slt, %rem3A_1533, %lt3A_1536 : i32
        %lt3A_1538 = arith.constant 0 : i32
        %lt3A_1539 = arith.cmpi slt, %select_n3A_1532, %lt3A_1538 : i32
        %ne3A_1540 = arith.xori %lt3A_1537, %lt3A_1539 : i1
        %and3A_1541 = arith.andi %ne3A_1540, %ne3A_1535 : i1
        %add3A_1542 = arith.addi %rem3A_1533, %select_n3A_1532 : i32
        %select_n3A_1543 = arith.select %and3A_1541, %add3A_1542, %rem3A_1533 : i32
        %jit3A_1544 = arith.constant 4 : i32
        %div3A_1545 = arith.divsi %sub3A_1527, %jit3A_1544 : i32
        %sign3A_1546 = arith.constant 0 : i32
        %sign3A_1547 = arith.cmpi sgt, %sub3A_1527, %sign3A_1546 : i32
        %sign3A_1548 = arith.extui %sign3A_1547 : i1 to i32
        %sign3A_1549 = arith.constant 0 : i32
        %sign3A_1550 = arith.cmpi slt, %sub3A_1527, %sign3A_1549 : i32
        %sign3A_1551 = arith.extui %sign3A_1550 : i1 to i32
        %sign3A_1552 = arith.subi %sign3A_1548, %sign3A_1551 : i32
        %sign3A_1553 = arith.constant 0 : i32
        %sign3A_1554 = arith.cmpi sgt, %jit3A_1544, %sign3A_1553 : i32
        %sign3A_1555 = arith.extui %sign3A_1554 : i1 to i32
        %sign3A_1556 = arith.constant 0 : i32
        %sign3A_1557 = arith.cmpi slt, %jit3A_1544, %sign3A_1556 : i32
        %sign3A_1558 = arith.extui %sign3A_1557 : i1 to i32
        %sign3A_1559 = arith.subi %sign3A_1555, %sign3A_1558 : i32
        %ne3A_1560 = arith.cmpi ne, %sign3A_1552, %sign3A_1559 : i32
        %rem3A_1561 = arith.remsi %sub3A_1527, %jit3A_1544 : i32
        %ne3A_1562 = arith.constant 0 : i32
        %ne3A_1563 = arith.cmpi ne, %rem3A_1561, %ne3A_1562 : i32
        %and3A_1564 = arith.andi %ne3A_1560, %ne3A_1563 : i1
        %sub3A_1565 = arith.constant 1 : i32
        %sub3A_1566 = arith.subi %div3A_1545, %sub3A_1565 : i32
        %select_n3A_1567 = arith.select %and3A_1564, %sub3A_1566, %div3A_1545 : i32
        %mul3A_1568 = arith.constant 8 : i32
        %mul3A_1569 = arith.muli %select_n3A_1567, %mul3A_1568 : i32
        %dma_start3A_1570 = arith.constant 2 : i32
        %dma_start3A_1571 = arith.constant 0 : i32
        %dma_start3A_1572 = arith.constant 0 : i32
        %dma_start3A_1573 = tpu.memref_slice %arg6[%dma_start3A_1570, %dma_start3A_1571, %dma_start3A_1572] : memref<8x8x1024xf32, #tpu.memory_space<vmem>> -> memref<1x8x1024xf32, #tpu.memory_space<vmem>>
        %dma_start3A_1574 = tpu.memref_squeeze %dma_start3A_1573 : memref<1x8x1024xf32, #tpu.memory_space<vmem>> -> memref<8x1024xf32, #tpu.memory_space<vmem>>
        %dma_start3A_1575 = tpu.memref_slice %arg5[%select_n3A_1543, %mul3A_1569] : memref<4x256xi32, #tpu.memory_space<vmem>> -> memref<1x8xi32, #tpu.memory_space<vmem>>
        %dma_start3A_1576 = tpu.memref_squeeze %dma_start3A_1575 : memref<1x8xi32, #tpu.memory_space<vmem>> -> memref<8xi32, #tpu.memory_space<vmem>>
        %dma_start3A_1577 = arith.constant 0 : i32
        %dma_start3A_1578 = arith.constant 0 : i32
        %dma_start3A_1579 = tpu.memref_slice %arg3[%dma_start3A_1577, %dma_start3A_1578] : memref<8192x1024xf32, #tpu.memory_space<hbm>> -> memref<8192x1024xf32, #tpu.memory_space<hbm>>
        tpu.enqueue_indirect_dma source(%dma_start3A_1579 : memref<8192x1024xf32, #tpu.memory_space<hbm>>) target(%dma_start3A_1574 : memref<8x1024xf32, #tpu.memory_space<vmem>>) offsets(%dma_start3A_1576 : memref<8xi32, #tpu.memory_space<vmem>>) semaphore(%arg9 : memref<!tpu.dma_semaphore, #tpu.memory_space<semaphore_mem>>)
      } else {
      }
      %mul3A_808 = arith.constant 8 : i32
      %mul3A_809 = arith.muli %mul3A_808, %scan3A_108 : i32
      %add3A_810 = arith.constant 4 : i32
      %add3A_811 = arith.addi %mul3A_809, %add3A_810 : i32
      %jit3A_812 = arith.constant 4 : i32
      %eq3A_813 = arith.constant 0 : i32
      %eq3A_814 = arith.cmpi eq, %jit3A_812, %eq3A_813 : i32
      %jit3A_815 = arith.constant 1 : i32
      %select_n3A_816 = arith.select %eq3A_814, %jit3A_815, %jit3A_812 : i32
      %rem3A_817 = arith.remsi %add3A_811, %select_n3A_816 : i32
      %ne3A_818 = arith.constant 0 : i32
      %ne3A_819 = arith.cmpi ne, %rem3A_817, %ne3A_818 : i32
      %lt3A_820 = arith.constant 0 : i32
      %lt3A_821 = arith.cmpi slt, %rem3A_817, %lt3A_820 : i32
      %lt3A_822 = arith.constant 0 : i32
      %lt3A_823 = arith.cmpi slt, %select_n3A_816, %lt3A_822 : i32
      %ne3A_824 = arith.xori %lt3A_821, %lt3A_823 : i1
      %and3A_825 = arith.andi %ne3A_824, %ne3A_819 : i1
      %add3A_826 = arith.addi %rem3A_817, %select_n3A_816 : i32
      %select_n3A_827 = arith.select %and3A_825, %add3A_826, %rem3A_817 : i32
      %jit3A_828 = arith.constant 4 : i32
      %div3A_829 = arith.divsi %add3A_811, %jit3A_828 : i32
      %sign3A_830 = arith.constant 0 : i32
      %sign3A_831 = arith.cmpi sgt, %add3A_811, %sign3A_830 : i32
      %sign3A_832 = arith.extui %sign3A_831 : i1 to i32
      %sign3A_833 = arith.constant 0 : i32
      %sign3A_834 = arith.cmpi slt, %add3A_811, %sign3A_833 : i32
      %sign3A_835 = arith.extui %sign3A_834 : i1 to i32
      %sign3A_836 = arith.subi %sign3A_832, %sign3A_835 : i32
      %sign3A_837 = arith.constant 0 : i32
      %sign3A_838 = arith.cmpi sgt, %jit3A_828, %sign3A_837 : i32
      %sign3A_839 = arith.extui %sign3A_838 : i1 to i32
      %sign3A_840 = arith.constant 0 : i32
      %sign3A_841 = arith.cmpi slt, %jit3A_828, %sign3A_840 : i32
      %sign3A_842 = arith.extui %sign3A_841 : i1 to i32
      %sign3A_843 = arith.subi %sign3A_839, %sign3A_842 : i32
      %ne3A_844 = arith.cmpi ne, %sign3A_836, %sign3A_843 : i32
      %rem3A_845 = arith.remsi %add3A_811, %jit3A_828 : i32
      %ne3A_846 = arith.constant 0 : i32
      %ne3A_847 = arith.cmpi ne, %rem3A_845, %ne3A_846 : i32
      %and3A_848 = arith.andi %ne3A_844, %ne3A_847 : i1
      %sub3A_849 = arith.constant 1 : i32
      %sub3A_850 = arith.subi %div3A_829, %sub3A_849 : i32
      %select_n3A_851 = arith.select %and3A_848, %sub3A_850, %div3A_829 : i32
      %mul3A_852 = arith.constant 8 : i32
      %mul3A_853 = arith.muli %select_n3A_851, %mul3A_852 : i32
      %dma_wait3A_854 = arith.constant 4 : i32
      %dma_wait3A_855 = arith.constant 0 : i32
      %dma_wait3A_856 = arith.constant 0 : i32
      %dma_wait3A_857 = tpu.memref_slice %arg6[%dma_wait3A_854, %dma_wait3A_855, %dma_wait3A_856] : memref<8x8x1024xf32, #tpu.memory_space<vmem>> -> memref<1x8x1024xf32, #tpu.memory_space<vmem>>
      %dma_wait3A_858 = tpu.memref_squeeze %dma_wait3A_857 : memref<1x8x1024xf32, #tpu.memory_space<vmem>> -> memref<8x1024xf32, #tpu.memory_space<vmem>>
      %dma_wait3A_859 = tpu.memref_slice %arg5[%select_n3A_827, %mul3A_853] : memref<4x256xi32, #tpu.memory_space<vmem>> -> memref<1x8xi32, #tpu.memory_space<vmem>>
      %dma_wait3A_860 = tpu.memref_squeeze %dma_wait3A_859 : memref<1x8xi32, #tpu.memory_space<vmem>> -> memref<8xi32, #tpu.memory_space<vmem>>
      %dma_wait3A_861 = arith.constant 0 : i32
      %dma_wait3A_862 = arith.constant 0 : i32
      %dma_wait3A_863 = tpu.memref_slice %arg3[%dma_wait3A_861, %dma_wait3A_862] : memref<8192x1024xf32, #tpu.memory_space<hbm>> -> memref<8192x1024xf32, #tpu.memory_space<hbm>>
      tpu.wait_indirect_dma semaphore(%arg11 : memref<!tpu.dma_semaphore, #tpu.memory_space<semaphore_mem>>) src(%dma_wait3A_863 : memref<8192x1024xf32, #tpu.memory_space<hbm>>) dst(%dma_wait3A_858 : memref<8x1024xf32, #tpu.memory_space<vmem>>)
      %jit3A_864 = arith.constant 4 : i32
      %eq3A_865 = arith.constant 0 : i32
      %eq3A_866 = arith.cmpi eq, %jit3A_864, %eq3A_865 : i32
      %jit3A_867 = arith.constant 1 : i32
      %select_n3A_868 = arith.select %eq3A_866, %jit3A_867, %jit3A_864 : i32
      %rem3A_869 = arith.remsi %add3A_811, %select_n3A_868 : i32
      %ne3A_870 = arith.constant 0 : i32
      %ne3A_871 = arith.cmpi ne, %rem3A_869, %ne3A_870 : i32
      %lt3A_872 = arith.constant 0 : i32
      %lt3A_873 = arith.cmpi slt, %rem3A_869, %lt3A_872 : i32
      %lt3A_874 = arith.constant 0 : i32
      %lt3A_875 = arith.cmpi slt, %select_n3A_868, %lt3A_874 : i32
      %ne3A_876 = arith.xori %lt3A_873, %lt3A_875 : i1
      %and3A_877 = arith.andi %ne3A_876, %ne3A_871 : i1
      %add3A_878 = arith.addi %rem3A_869, %select_n3A_868 : i32
      %select_n3A_879 = arith.select %and3A_877, %add3A_878, %rem3A_869 : i32
      %jit3A_880 = arith.constant 4 : i32
      %div3A_881 = arith.divsi %add3A_811, %jit3A_880 : i32
      %sign3A_882 = arith.constant 0 : i32
      %sign3A_883 = arith.cmpi sgt, %add3A_811, %sign3A_882 : i32
      %sign3A_884 = arith.extui %sign3A_883 : i1 to i32
      %sign3A_885 = arith.constant 0 : i32
      %sign3A_886 = arith.cmpi slt, %add3A_811, %sign3A_885 : i32
      %sign3A_887 = arith.extui %sign3A_886 : i1 to i32
      %sign3A_888 = arith.subi %sign3A_884, %sign3A_887 : i32
      %sign3A_889 = arith.constant 0 : i32
      %sign3A_890 = arith.cmpi sgt, %jit3A_880, %sign3A_889 : i32
      %sign3A_891 = arith.extui %sign3A_890 : i1 to i32
      %sign3A_892 = arith.constant 0 : i32
      %sign3A_893 = arith.cmpi slt, %jit3A_880, %sign3A_892 : i32
      %sign3A_894 = arith.extui %sign3A_893 : i1 to i32
      %sign3A_895 = arith.subi %sign3A_891, %sign3A_894 : i32
      %ne3A_896 = arith.cmpi ne, %sign3A_888, %sign3A_895 : i32
      %rem3A_897 = arith.remsi %add3A_811, %jit3A_880 : i32
      %ne3A_898 = arith.constant 0 : i32
      %ne3A_899 = arith.cmpi ne, %rem3A_897, %ne3A_898 : i32
      %and3A_900 = arith.andi %ne3A_896, %ne3A_899 : i1
      %sub3A_901 = arith.constant 1 : i32
      %sub3A_902 = arith.subi %div3A_881, %sub3A_901 : i32
      %select_n3A_903 = arith.select %and3A_900, %sub3A_902, %div3A_881 : i32
      %mul3A_904 = arith.constant 8 : i32
      %mul3A_905 = arith.muli %select_n3A_903, %mul3A_904 : i32
      %add3A_906 = arith.addi %mul3A_2, %mul3A_905 : i32
      %dma_start3A_907 = arith.constant 4 : i32
      %dma_start3A_908 = arith.constant 0 : i32
      %dma_start3A_909 = arith.constant 0 : i32
      %dma_start3A_910 = tpu.memref_slice %arg6[%dma_start3A_907, %dma_start3A_908, %dma_start3A_909] : memref<8x8x1024xf32, #tpu.memory_space<vmem>> -> memref<1x8x1024xf32, #tpu.memory_space<vmem>>
      %dma_start3A_911 = tpu.memref_squeeze %dma_start3A_910 : memref<1x8x1024xf32, #tpu.memory_space<vmem>> -> memref<8x1024xf32, #tpu.memory_space<vmem>>
      %dma_start3A_912 = arith.constant 0 : i32
      %dma_start3A_913 = tpu.memref_slice %arg4[%add3A_906, %select_n3A_879, %dma_start3A_912] : memref<8192x4x1024xf32, #tpu.memory_space<hbm>> -> memref<8x1x1024xf32, #tpu.memory_space<hbm>>
      %dma_start3A_914 = tpu.memref_squeeze %dma_start3A_913 : memref<8x1x1024xf32, #tpu.memory_space<hbm>> -> memref<8x1024xf32, #tpu.memory_space<hbm>>
      %dma_start3A_915 = arith.constant 0 : i32
      %dma_start3A_916 = tpu.memref_slice %arg4[%add3A_906, %select_n3A_879, %dma_start3A_915] : memref<8192x4x1024xf32, #tpu.memory_space<hbm>> -> memref<8x1x1024xf32, #tpu.memory_space<hbm>>
      %dma_start3A_917 = tpu.memref_squeeze %dma_start3A_916 : memref<8x1x1024xf32, #tpu.memory_space<hbm>> -> memref<8x1024xf32, #tpu.memory_space<hbm>>
      %dma_start3A_918 = arith.constant 0 : i32
      %dma_start3A_919 = arith.constant 0 : i32
      %dma_start3A_920 = tpu.memref_slice %arg6[%dma_start3A_907, %dma_start3A_918, %dma_start3A_919] : memref<8x8x1024xf32, #tpu.memory_space<vmem>> -> memref<1x8x1024xf32, #tpu.memory_space<vmem>>
      %dma_start3A_921 = tpu.memref_squeeze %dma_start3A_920 : memref<1x8x1024xf32, #tpu.memory_space<vmem>> -> memref<8x1024xf32, #tpu.memory_space<vmem>>
      tpu.enqueue_dma source(%dma_start3A_921 : memref<8x1024xf32, #tpu.memory_space<vmem>>) target(%dma_start3A_917 : memref<8x1024xf32, #tpu.memory_space<hbm>>) target_semaphore(%arg19 : memref<!tpu.dma_semaphore, #tpu.memory_space<semaphore_mem>>)
      %sub3A_922 = arith.constant 1 : i32
      %sub3A_923 = arith.subi %add3A_811, %sub3A_922 : i32
      %jit3A_924 = arith.constant 4 : i32
      %eq3A_925 = arith.constant 0 : i32
      %eq3A_926 = arith.cmpi eq, %jit3A_924, %eq3A_925 : i32
      %jit3A_927 = arith.constant 1 : i32
      %select_n3A_928 = arith.select %eq3A_926, %jit3A_927, %jit3A_924 : i32
      %rem3A_929 = arith.remsi %sub3A_923, %select_n3A_928 : i32
      %ne3A_930 = arith.constant 0 : i32
      %ne3A_931 = arith.cmpi ne, %rem3A_929, %ne3A_930 : i32
      %lt3A_932 = arith.constant 0 : i32
      %lt3A_933 = arith.cmpi slt, %rem3A_929, %lt3A_932 : i32
      %lt3A_934 = arith.constant 0 : i32
      %lt3A_935 = arith.cmpi slt, %select_n3A_928, %lt3A_934 : i32
      %ne3A_936 = arith.xori %lt3A_933, %lt3A_935 : i1
      %and3A_937 = arith.andi %ne3A_936, %ne3A_931 : i1
      %add3A_938 = arith.addi %rem3A_929, %select_n3A_928 : i32
      %select_n3A_939 = arith.select %and3A_937, %add3A_938, %rem3A_929 : i32
      %jit3A_940 = arith.constant 4 : i32
      %div3A_941 = arith.divsi %sub3A_923, %jit3A_940 : i32
      %sign3A_942 = arith.constant 0 : i32
      %sign3A_943 = arith.cmpi sgt, %sub3A_923, %sign3A_942 : i32
      %sign3A_944 = arith.extui %sign3A_943 : i1 to i32
      %sign3A_945 = arith.constant 0 : i32
      %sign3A_946 = arith.cmpi slt, %sub3A_923, %sign3A_945 : i32
      %sign3A_947 = arith.extui %sign3A_946 : i1 to i32
      %sign3A_948 = arith.subi %sign3A_944, %sign3A_947 : i32
      %sign3A_949 = arith.constant 0 : i32
      %sign3A_950 = arith.cmpi sgt, %jit3A_940, %sign3A_949 : i32
      %sign3A_951 = arith.extui %sign3A_950 : i1 to i32
      %sign3A_952 = arith.constant 0 : i32
      %sign3A_953 = arith.cmpi slt, %jit3A_940, %sign3A_952 : i32
      %sign3A_954 = arith.extui %sign3A_953 : i1 to i32
      %sign3A_955 = arith.subi %sign3A_951, %sign3A_954 : i32
      %ne3A_956 = arith.cmpi ne, %sign3A_948, %sign3A_955 : i32
      %rem3A_957 = arith.remsi %sub3A_923, %jit3A_940 : i32
      %ne3A_958 = arith.constant 0 : i32
      %ne3A_959 = arith.cmpi ne, %rem3A_957, %ne3A_958 : i32
      %and3A_960 = arith.andi %ne3A_956, %ne3A_959 : i1
      %sub3A_961 = arith.constant 1 : i32
      %sub3A_962 = arith.subi %div3A_941, %sub3A_961 : i32
      %select_n3A_963 = arith.select %and3A_960, %sub3A_962, %div3A_941 : i32
      %mul3A_964 = arith.constant 8 : i32
      %mul3A_965 = arith.muli %select_n3A_963, %mul3A_964 : i32
      %add3A_966 = arith.addi %mul3A_2, %mul3A_965 : i32
      %dma_wait3A_967 = arith.constant 3 : i32
      %dma_wait3A_968 = arith.constant 0 : i32
      %dma_wait3A_969 = arith.constant 0 : i32
      %dma_wait3A_970 = tpu.memref_slice %arg6[%dma_wait3A_967, %dma_wait3A_968, %dma_wait3A_969] : memref<8x8x1024xf32, #tpu.memory_space<vmem>> -> memref<1x8x1024xf32, #tpu.memory_space<vmem>>
      %dma_wait3A_971 = tpu.memref_squeeze %dma_wait3A_970 : memref<1x8x1024xf32, #tpu.memory_space<vmem>> -> memref<8x1024xf32, #tpu.memory_space<vmem>>
      %dma_wait3A_972 = arith.constant 0 : i32
      %dma_wait3A_973 = tpu.memref_slice %arg4[%add3A_966, %select_n3A_939, %dma_wait3A_972] : memref<8192x4x1024xf32, #tpu.memory_space<hbm>> -> memref<8x1x1024xf32, #tpu.memory_space<hbm>>
      %dma_wait3A_974 = tpu.memref_squeeze %dma_wait3A_973 : memref<8x1x1024xf32, #tpu.memory_space<hbm>> -> memref<8x1024xf32, #tpu.memory_space<hbm>>
      %dma_wait3A_975 = arith.constant 0 : i32
      %dma_wait3A_976 = tpu.memref_slice %arg4[%add3A_966, %select_n3A_939, %dma_wait3A_975] : memref<8192x4x1024xf32, #tpu.memory_space<hbm>> -> memref<8x1x1024xf32, #tpu.memory_space<hbm>>
      %dma_wait3A_977 = tpu.memref_squeeze %dma_wait3A_976 : memref<8x1x1024xf32, #tpu.memory_space<hbm>> -> memref<8x1024xf32, #tpu.memory_space<hbm>>
      %dma_wait3A_978 = arith.constant 0 : i32
      %dma_wait3A_979 = arith.constant 0 : i32
      %dma_wait3A_980 = tpu.memref_slice %arg6[%dma_wait3A_967, %dma_wait3A_978, %dma_wait3A_979] : memref<8x8x1024xf32, #tpu.memory_space<vmem>> -> memref<1x8x1024xf32, #tpu.memory_space<vmem>>
      %dma_wait3A_981 = tpu.memref_squeeze %dma_wait3A_980 : memref<1x8x1024xf32, #tpu.memory_space<vmem>> -> memref<8x1024xf32, #tpu.memory_space<vmem>>
      tpu.wait_dma2 semaphore(%arg18 : memref<!tpu.dma_semaphore, #tpu.memory_space<semaphore_mem>>) src(%dma_wait3A_981 : memref<8x1024xf32, #tpu.memory_space<vmem>>) dst(%dma_wait3A_977 : memref<8x1024xf32, #tpu.memory_space<hbm>>)
      %lt3A_982 = arith.constant 15 : i32
      %lt3A_983 = arith.cmpi slt, %scan3A_108, %lt3A_982 : i32
      %convert_element_type3A_984 = arith.extui %lt3A_983 : i1 to i32
      %cond3A_985 = arith.constant 0 : i32
      %cond3A_986 = arith.cmpi ne, %convert_element_type3A_984, %cond3A_985 : i32
      scf.if %cond3A_986 {
        %add3A_1524 = arith.constant 8 : i32
        %add3A_1525 = arith.addi %add3A_811, %add3A_1524 : i32
        %sub3A_1526 = arith.constant 1 : i32
        %sub3A_1527 = arith.subi %add3A_1525, %sub3A_1526 : i32
        %jit3A_1528 = arith.constant 4 : i32
        %eq3A_1529 = arith.constant 0 : i32
        %eq3A_1530 = arith.cmpi eq, %jit3A_1528, %eq3A_1529 : i32
        %jit3A_1531 = arith.constant 1 : i32
        %select_n3A_1532 = arith.select %eq3A_1530, %jit3A_1531, %jit3A_1528 : i32
        %rem3A_1533 = arith.remsi %sub3A_1527, %select_n3A_1532 : i32
        %ne3A_1534 = arith.constant 0 : i32
        %ne3A_1535 = arith.cmpi ne, %rem3A_1533, %ne3A_1534 : i32
        %lt3A_1536 = arith.constant 0 : i32
        %lt3A_1537 = arith.cmpi slt, %rem3A_1533, %lt3A_1536 : i32
        %lt3A_1538 = arith.constant 0 : i32
        %lt3A_1539 = arith.cmpi slt, %select_n3A_1532, %lt3A_1538 : i32
        %ne3A_1540 = arith.xori %lt3A_1537, %lt3A_1539 : i1
        %and3A_1541 = arith.andi %ne3A_1540, %ne3A_1535 : i1
        %add3A_1542 = arith.addi %rem3A_1533, %select_n3A_1532 : i32
        %select_n3A_1543 = arith.select %and3A_1541, %add3A_1542, %rem3A_1533 : i32
        %jit3A_1544 = arith.constant 4 : i32
        %div3A_1545 = arith.divsi %sub3A_1527, %jit3A_1544 : i32
        %sign3A_1546 = arith.constant 0 : i32
        %sign3A_1547 = arith.cmpi sgt, %sub3A_1527, %sign3A_1546 : i32
        %sign3A_1548 = arith.extui %sign3A_1547 : i1 to i32
        %sign3A_1549 = arith.constant 0 : i32
        %sign3A_1550 = arith.cmpi slt, %sub3A_1527, %sign3A_1549 : i32
        %sign3A_1551 = arith.extui %sign3A_1550 : i1 to i32
        %sign3A_1552 = arith.subi %sign3A_1548, %sign3A_1551 : i32
        %sign3A_1553 = arith.constant 0 : i32
        %sign3A_1554 = arith.cmpi sgt, %jit3A_1544, %sign3A_1553 : i32
        %sign3A_1555 = arith.extui %sign3A_1554 : i1 to i32
        %sign3A_1556 = arith.constant 0 : i32
        %sign3A_1557 = arith.cmpi slt, %jit3A_1544, %sign3A_1556 : i32
        %sign3A_1558 = arith.extui %sign3A_1557 : i1 to i32
        %sign3A_1559 = arith.subi %sign3A_1555, %sign3A_1558 : i32
        %ne3A_1560 = arith.cmpi ne, %sign3A_1552, %sign3A_1559 : i32
        %rem3A_1561 = arith.remsi %sub3A_1527, %jit3A_1544 : i32
        %ne3A_1562 = arith.constant 0 : i32
        %ne3A_1563 = arith.cmpi ne, %rem3A_1561, %ne3A_1562 : i32
        %and3A_1564 = arith.andi %ne3A_1560, %ne3A_1563 : i1
        %sub3A_1565 = arith.constant 1 : i32
        %sub3A_1566 = arith.subi %div3A_1545, %sub3A_1565 : i32
        %select_n3A_1567 = arith.select %and3A_1564, %sub3A_1566, %div3A_1545 : i32
        %mul3A_1568 = arith.constant 8 : i32
        %mul3A_1569 = arith.muli %select_n3A_1567, %mul3A_1568 : i32
        %dma_start3A_1570 = arith.constant 3 : i32
        %dma_start3A_1571 = arith.constant 0 : i32
        %dma_start3A_1572 = arith.constant 0 : i32
        %dma_start3A_1573 = tpu.memref_slice %arg6[%dma_start3A_1570, %dma_start3A_1571, %dma_start3A_1572] : memref<8x8x1024xf32, #tpu.memory_space<vmem>> -> memref<1x8x1024xf32, #tpu.memory_space<vmem>>
        %dma_start3A_1574 = tpu.memref_squeeze %dma_start3A_1573 : memref<1x8x1024xf32, #tpu.memory_space<vmem>> -> memref<8x1024xf32, #tpu.memory_space<vmem>>
        %dma_start3A_1575 = tpu.memref_slice %arg5[%select_n3A_1543, %mul3A_1569] : memref<4x256xi32, #tpu.memory_space<vmem>> -> memref<1x8xi32, #tpu.memory_space<vmem>>
        %dma_start3A_1576 = tpu.memref_squeeze %dma_start3A_1575 : memref<1x8xi32, #tpu.memory_space<vmem>> -> memref<8xi32, #tpu.memory_space<vmem>>
        %dma_start3A_1577 = arith.constant 0 : i32
        %dma_start3A_1578 = arith.constant 0 : i32
        %dma_start3A_1579 = tpu.memref_slice %arg3[%dma_start3A_1577, %dma_start3A_1578] : memref<8192x1024xf32, #tpu.memory_space<hbm>> -> memref<8192x1024xf32, #tpu.memory_space<hbm>>
        tpu.enqueue_indirect_dma source(%dma_start3A_1579 : memref<8192x1024xf32, #tpu.memory_space<hbm>>) target(%dma_start3A_1574 : memref<8x1024xf32, #tpu.memory_space<vmem>>) offsets(%dma_start3A_1576 : memref<8xi32, #tpu.memory_space<vmem>>) semaphore(%arg10 : memref<!tpu.dma_semaphore, #tpu.memory_space<semaphore_mem>>)
      } else {
      }
      %mul3A_987 = arith.constant 8 : i32
      %mul3A_988 = arith.muli %mul3A_987, %scan3A_108 : i32
      %add3A_989 = arith.constant 5 : i32
      %add3A_990 = arith.addi %mul3A_988, %add3A_989 : i32
      %jit3A_991 = arith.constant 4 : i32
      %eq3A_992 = arith.constant 0 : i32
      %eq3A_993 = arith.cmpi eq, %jit3A_991, %eq3A_992 : i32
      %jit3A_994 = arith.constant 1 : i32
      %select_n3A_995 = arith.select %eq3A_993, %jit3A_994, %jit3A_991 : i32
      %rem3A_996 = arith.remsi %add3A_990, %select_n3A_995 : i32
      %ne3A_997 = arith.constant 0 : i32
      %ne3A_998 = arith.cmpi ne, %rem3A_996, %ne3A_997 : i32
      %lt3A_999 = arith.constant 0 : i32
      %lt3A_1000 = arith.cmpi slt, %rem3A_996, %lt3A_999 : i32
      %lt3A_1001 = arith.constant 0 : i32
      %lt3A_1002 = arith.cmpi slt, %select_n3A_995, %lt3A_1001 : i32
      %ne3A_1003 = arith.xori %lt3A_1000, %lt3A_1002 : i1
      %and3A_1004 = arith.andi %ne3A_1003, %ne3A_998 : i1
      %add3A_1005 = arith.addi %rem3A_996, %select_n3A_995 : i32
      %select_n3A_1006 = arith.select %and3A_1004, %add3A_1005, %rem3A_996 : i32
      %jit3A_1007 = arith.constant 4 : i32
      %div3A_1008 = arith.divsi %add3A_990, %jit3A_1007 : i32
      %sign3A_1009 = arith.constant 0 : i32
      %sign3A_1010 = arith.cmpi sgt, %add3A_990, %sign3A_1009 : i32
      %sign3A_1011 = arith.extui %sign3A_1010 : i1 to i32
      %sign3A_1012 = arith.constant 0 : i32
      %sign3A_1013 = arith.cmpi slt, %add3A_990, %sign3A_1012 : i32
      %sign3A_1014 = arith.extui %sign3A_1013 : i1 to i32
      %sign3A_1015 = arith.subi %sign3A_1011, %sign3A_1014 : i32
      %sign3A_1016 = arith.constant 0 : i32
      %sign3A_1017 = arith.cmpi sgt, %jit3A_1007, %sign3A_1016 : i32
      %sign3A_1018 = arith.extui %sign3A_1017 : i1 to i32
      %sign3A_1019 = arith.constant 0 : i32
      %sign3A_1020 = arith.cmpi slt, %jit3A_1007, %sign3A_1019 : i32
      %sign3A_1021 = arith.extui %sign3A_1020 : i1 to i32
      %sign3A_1022 = arith.subi %sign3A_1018, %sign3A_1021 : i32
      %ne3A_1023 = arith.cmpi ne, %sign3A_1015, %sign3A_1022 : i32
      %rem3A_1024 = arith.remsi %add3A_990, %jit3A_1007 : i32
      %ne3A_1025 = arith.constant 0 : i32
      %ne3A_1026 = arith.cmpi ne, %rem3A_1024, %ne3A_1025 : i32
      %and3A_1027 = arith.andi %ne3A_1023, %ne3A_1026 : i1
      %sub3A_1028 = arith.constant 1 : i32
      %sub3A_1029 = arith.subi %div3A_1008, %sub3A_1028 : i32
      %select_n3A_1030 = arith.select %and3A_1027, %sub3A_1029, %div3A_1008 : i32
      %mul3A_1031 = arith.constant 8 : i32
      %mul3A_1032 = arith.muli %select_n3A_1030, %mul3A_1031 : i32
      %dma_wait3A_1033 = arith.constant 5 : i32
      %dma_wait3A_1034 = arith.constant 0 : i32
      %dma_wait3A_1035 = arith.constant 0 : i32
      %dma_wait3A_1036 = tpu.memref_slice %arg6[%dma_wait3A_1033, %dma_wait3A_1034, %dma_wait3A_1035] : memref<8x8x1024xf32, #tpu.memory_space<vmem>> -> memref<1x8x1024xf32, #tpu.memory_space<vmem>>
      %dma_wait3A_1037 = tpu.memref_squeeze %dma_wait3A_1036 : memref<1x8x1024xf32, #tpu.memory_space<vmem>> -> memref<8x1024xf32, #tpu.memory_space<vmem>>
      %dma_wait3A_1038 = tpu.memref_slice %arg5[%select_n3A_1006, %mul3A_1032] : memref<4x256xi32, #tpu.memory_space<vmem>> -> memref<1x8xi32, #tpu.memory_space<vmem>>
      %dma_wait3A_1039 = tpu.memref_squeeze %dma_wait3A_1038 : memref<1x8xi32, #tpu.memory_space<vmem>> -> memref<8xi32, #tpu.memory_space<vmem>>
      %dma_wait3A_1040 = arith.constant 0 : i32
      %dma_wait3A_1041 = arith.constant 0 : i32
      %dma_wait3A_1042 = tpu.memref_slice %arg3[%dma_wait3A_1040, %dma_wait3A_1041] : memref<8192x1024xf32, #tpu.memory_space<hbm>> -> memref<8192x1024xf32, #tpu.memory_space<hbm>>
      tpu.wait_indirect_dma semaphore(%arg12 : memref<!tpu.dma_semaphore, #tpu.memory_space<semaphore_mem>>) src(%dma_wait3A_1042 : memref<8192x1024xf32, #tpu.memory_space<hbm>>) dst(%dma_wait3A_1037 : memref<8x1024xf32, #tpu.memory_space<vmem>>)
      %jit3A_1043 = arith.constant 4 : i32
      %eq3A_1044 = arith.constant 0 : i32
      %eq3A_1045 = arith.cmpi eq, %jit3A_1043, %eq3A_1044 : i32
      %jit3A_1046 = arith.constant 1 : i32
      %select_n3A_1047 = arith.select %eq3A_1045, %jit3A_1046, %jit3A_1043 : i32
      %rem3A_1048 = arith.remsi %add3A_990, %select_n3A_1047 : i32
      %ne3A_1049 = arith.constant 0 : i32
      %ne3A_1050 = arith.cmpi ne, %rem3A_1048, %ne3A_1049 : i32
      %lt3A_1051 = arith.constant 0 : i32
      %lt3A_1052 = arith.cmpi slt, %rem3A_1048, %lt3A_1051 : i32
      %lt3A_1053 = arith.constant 0 : i32
      %lt3A_1054 = arith.cmpi slt, %select_n3A_1047, %lt3A_1053 : i32
      %ne3A_1055 = arith.xori %lt3A_1052, %lt3A_1054 : i1
      %and3A_1056 = arith.andi %ne3A_1055, %ne3A_1050 : i1
      %add3A_1057 = arith.addi %rem3A_1048, %select_n3A_1047 : i32
      %select_n3A_1058 = arith.select %and3A_1056, %add3A_1057, %rem3A_1048 : i32
      %jit3A_1059 = arith.constant 4 : i32
      %div3A_1060 = arith.divsi %add3A_990, %jit3A_1059 : i32
      %sign3A_1061 = arith.constant 0 : i32
      %sign3A_1062 = arith.cmpi sgt, %add3A_990, %sign3A_1061 : i32
      %sign3A_1063 = arith.extui %sign3A_1062 : i1 to i32
      %sign3A_1064 = arith.constant 0 : i32
      %sign3A_1065 = arith.cmpi slt, %add3A_990, %sign3A_1064 : i32
      %sign3A_1066 = arith.extui %sign3A_1065 : i1 to i32
      %sign3A_1067 = arith.subi %sign3A_1063, %sign3A_1066 : i32
      %sign3A_1068 = arith.constant 0 : i32
      %sign3A_1069 = arith.cmpi sgt, %jit3A_1059, %sign3A_1068 : i32
      %sign3A_1070 = arith.extui %sign3A_1069 : i1 to i32
      %sign3A_1071 = arith.constant 0 : i32
      %sign3A_1072 = arith.cmpi slt, %jit3A_1059, %sign3A_1071 : i32
      %sign3A_1073 = arith.extui %sign3A_1072 : i1 to i32
      %sign3A_1074 = arith.subi %sign3A_1070, %sign3A_1073 : i32
      %ne3A_1075 = arith.cmpi ne, %sign3A_1067, %sign3A_1074 : i32
      %rem3A_1076 = arith.remsi %add3A_990, %jit3A_1059 : i32
      %ne3A_1077 = arith.constant 0 : i32
      %ne3A_1078 = arith.cmpi ne, %rem3A_1076, %ne3A_1077 : i32
      %and3A_1079 = arith.andi %ne3A_1075, %ne3A_1078 : i1
      %sub3A_1080 = arith.constant 1 : i32
      %sub3A_1081 = arith.subi %div3A_1060, %sub3A_1080 : i32
      %select_n3A_1082 = arith.select %and3A_1079, %sub3A_1081, %div3A_1060 : i32
      %mul3A_1083 = arith.constant 8 : i32
      %mul3A_1084 = arith.muli %select_n3A_1082, %mul3A_1083 : i32
      %add3A_1085 = arith.addi %mul3A_2, %mul3A_1084 : i32
      %dma_start3A_1086 = arith.constant 5 : i32
      %dma_start3A_1087 = arith.constant 0 : i32
      %dma_start3A_1088 = arith.constant 0 : i32
      %dma_start3A_1089 = tpu.memref_slice %arg6[%dma_start3A_1086, %dma_start3A_1087, %dma_start3A_1088] : memref<8x8x1024xf32, #tpu.memory_space<vmem>> -> memref<1x8x1024xf32, #tpu.memory_space<vmem>>
      %dma_start3A_1090 = tpu.memref_squeeze %dma_start3A_1089 : memref<1x8x1024xf32, #tpu.memory_space<vmem>> -> memref<8x1024xf32, #tpu.memory_space<vmem>>
      %dma_start3A_1091 = arith.constant 0 : i32
      %dma_start3A_1092 = tpu.memref_slice %arg4[%add3A_1085, %select_n3A_1058, %dma_start3A_1091] : memref<8192x4x1024xf32, #tpu.memory_space<hbm>> -> memref<8x1x1024xf32, #tpu.memory_space<hbm>>
      %dma_start3A_1093 = tpu.memref_squeeze %dma_start3A_1092 : memref<8x1x1024xf32, #tpu.memory_space<hbm>> -> memref<8x1024xf32, #tpu.memory_space<hbm>>
      %dma_start3A_1094 = arith.constant 0 : i32
      %dma_start3A_1095 = tpu.memref_slice %arg4[%add3A_1085, %select_n3A_1058, %dma_start3A_1094] : memref<8192x4x1024xf32, #tpu.memory_space<hbm>> -> memref<8x1x1024xf32, #tpu.memory_space<hbm>>
      %dma_start3A_1096 = tpu.memref_squeeze %dma_start3A_1095 : memref<8x1x1024xf32, #tpu.memory_space<hbm>> -> memref<8x1024xf32, #tpu.memory_space<hbm>>
      %dma_start3A_1097 = arith.constant 0 : i32
      %dma_start3A_1098 = arith.constant 0 : i32
      %dma_start3A_1099 = tpu.memref_slice %arg6[%dma_start3A_1086, %dma_start3A_1097, %dma_start3A_1098] : memref<8x8x1024xf32, #tpu.memory_space<vmem>> -> memref<1x8x1024xf32, #tpu.memory_space<vmem>>
      %dma_start3A_1100 = tpu.memref_squeeze %dma_start3A_1099 : memref<1x8x1024xf32, #tpu.memory_space<vmem>> -> memref<8x1024xf32, #tpu.memory_space<vmem>>
      tpu.enqueue_dma source(%dma_start3A_1100 : memref<8x1024xf32, #tpu.memory_space<vmem>>) target(%dma_start3A_1096 : memref<8x1024xf32, #tpu.memory_space<hbm>>) target_semaphore(%arg20 : memref<!tpu.dma_semaphore, #tpu.memory_space<semaphore_mem>>)
      %sub3A_1101 = arith.constant 1 : i32
      %sub3A_1102 = arith.subi %add3A_990, %sub3A_1101 : i32
      %jit3A_1103 = arith.constant 4 : i32
      %eq3A_1104 = arith.constant 0 : i32
      %eq3A_1105 = arith.cmpi eq, %jit3A_1103, %eq3A_1104 : i32
      %jit3A_1106 = arith.constant 1 : i32
      %select_n3A_1107 = arith.select %eq3A_1105, %jit3A_1106, %jit3A_1103 : i32
      %rem3A_1108 = arith.remsi %sub3A_1102, %select_n3A_1107 : i32
      %ne3A_1109 = arith.constant 0 : i32
      %ne3A_1110 = arith.cmpi ne, %rem3A_1108, %ne3A_1109 : i32
      %lt3A_1111 = arith.constant 0 : i32
      %lt3A_1112 = arith.cmpi slt, %rem3A_1108, %lt3A_1111 : i32
      %lt3A_1113 = arith.constant 0 : i32
      %lt3A_1114 = arith.cmpi slt, %select_n3A_1107, %lt3A_1113 : i32
      %ne3A_1115 = arith.xori %lt3A_1112, %lt3A_1114 : i1
      %and3A_1116 = arith.andi %ne3A_1115, %ne3A_1110 : i1
      %add3A_1117 = arith.addi %rem3A_1108, %select_n3A_1107 : i32
      %select_n3A_1118 = arith.select %and3A_1116, %add3A_1117, %rem3A_1108 : i32
      %jit3A_1119 = arith.constant 4 : i32
      %div3A_1120 = arith.divsi %sub3A_1102, %jit3A_1119 : i32
      %sign3A_1121 = arith.constant 0 : i32
      %sign3A_1122 = arith.cmpi sgt, %sub3A_1102, %sign3A_1121 : i32
      %sign3A_1123 = arith.extui %sign3A_1122 : i1 to i32
      %sign3A_1124 = arith.constant 0 : i32
      %sign3A_1125 = arith.cmpi slt, %sub3A_1102, %sign3A_1124 : i32
      %sign3A_1126 = arith.extui %sign3A_1125 : i1 to i32
      %sign3A_1127 = arith.subi %sign3A_1123, %sign3A_1126 : i32
      %sign3A_1128 = arith.constant 0 : i32
      %sign3A_1129 = arith.cmpi sgt, %jit3A_1119, %sign3A_1128 : i32
      %sign3A_1130 = arith.extui %sign3A_1129 : i1 to i32
      %sign3A_1131 = arith.constant 0 : i32
      %sign3A_1132 = arith.cmpi slt, %jit3A_1119, %sign3A_1131 : i32
      %sign3A_1133 = arith.extui %sign3A_1132 : i1 to i32
      %sign3A_1134 = arith.subi %sign3A_1130, %sign3A_1133 : i32
      %ne3A_1135 = arith.cmpi ne, %sign3A_1127, %sign3A_1134 : i32
      %rem3A_1136 = arith.remsi %sub3A_1102, %jit3A_1119 : i32
      %ne3A_1137 = arith.constant 0 : i32
      %ne3A_1138 = arith.cmpi ne, %rem3A_1136, %ne3A_1137 : i32
      %and3A_1139 = arith.andi %ne3A_1135, %ne3A_1138 : i1
      %sub3A_1140 = arith.constant 1 : i32
      %sub3A_1141 = arith.subi %div3A_1120, %sub3A_1140 : i32
      %select_n3A_1142 = arith.select %and3A_1139, %sub3A_1141, %div3A_1120 : i32
      %mul3A_1143 = arith.constant 8 : i32
      %mul3A_1144 = arith.muli %select_n3A_1142, %mul3A_1143 : i32
      %add3A_1145 = arith.addi %mul3A_2, %mul3A_1144 : i32
      %dma_wait3A_1146 = arith.constant 4 : i32
      %dma_wait3A_1147 = arith.constant 0 : i32
      %dma_wait3A_1148 = arith.constant 0 : i32
      %dma_wait3A_1149 = tpu.memref_slice %arg6[%dma_wait3A_1146, %dma_wait3A_1147, %dma_wait3A_1148] : memref<8x8x1024xf32, #tpu.memory_space<vmem>> -> memref<1x8x1024xf32, #tpu.memory_space<vmem>>
      %dma_wait3A_1150 = tpu.memref_squeeze %dma_wait3A_1149 : memref<1x8x1024xf32, #tpu.memory_space<vmem>> -> memref<8x1024xf32, #tpu.memory_space<vmem>>
      %dma_wait3A_1151 = arith.constant 0 : i32
      %dma_wait3A_1152 = tpu.memref_slice %arg4[%add3A_1145, %select_n3A_1118, %dma_wait3A_1151] : memref<8192x4x1024xf32, #tpu.memory_space<hbm>> -> memref<8x1x1024xf32, #tpu.memory_space<hbm>>
      %dma_wait3A_1153 = tpu.memref_squeeze %dma_wait3A_1152 : memref<8x1x1024xf32, #tpu.memory_space<hbm>> -> memref<8x1024xf32, #tpu.memory_space<hbm>>
      %dma_wait3A_1154 = arith.constant 0 : i32
      %dma_wait3A_1155 = tpu.memref_slice %arg4[%add3A_1145, %select_n3A_1118, %dma_wait3A_1154] : memref<8192x4x1024xf32, #tpu.memory_space<hbm>> -> memref<8x1x1024xf32, #tpu.memory_space<hbm>>
      %dma_wait3A_1156 = tpu.memref_squeeze %dma_wait3A_1155 : memref<8x1x1024xf32, #tpu.memory_space<hbm>> -> memref<8x1024xf32, #tpu.memory_space<hbm>>
      %dma_wait3A_1157 = arith.constant 0 : i32
      %dma_wait3A_1158 = arith.constant 0 : i32
      %dma_wait3A_1159 = tpu.memref_slice %arg6[%dma_wait3A_1146, %dma_wait3A_1157, %dma_wait3A_1158] : memref<8x8x1024xf32, #tpu.memory_space<vmem>> -> memref<1x8x1024xf32, #tpu.memory_space<vmem>>
      %dma_wait3A_1160 = tpu.memref_squeeze %dma_wait3A_1159 : memref<1x8x1024xf32, #tpu.memory_space<vmem>> -> memref<8x1024xf32, #tpu.memory_space<vmem>>
      tpu.wait_dma2 semaphore(%arg19 : memref<!tpu.dma_semaphore, #tpu.memory_space<semaphore_mem>>) src(%dma_wait3A_1160 : memref<8x1024xf32, #tpu.memory_space<vmem>>) dst(%dma_wait3A_1156 : memref<8x1024xf32, #tpu.memory_space<hbm>>)
      %lt3A_1161 = arith.constant 15 : i32
      %lt3A_1162 = arith.cmpi slt, %scan3A_108, %lt3A_1161 : i32
      %convert_element_type3A_1163 = arith.extui %lt3A_1162 : i1 to i32
      %cond3A_1164 = arith.constant 0 : i32
      %cond3A_1165 = arith.cmpi ne, %convert_element_type3A_1163, %cond3A_1164 : i32
      scf.if %cond3A_1165 {
        %add3A_1524 = arith.constant 8 : i32
        %add3A_1525 = arith.addi %add3A_990, %add3A_1524 : i32
        %sub3A_1526 = arith.constant 1 : i32
        %sub3A_1527 = arith.subi %add3A_1525, %sub3A_1526 : i32
        %jit3A_1528 = arith.constant 4 : i32
        %eq3A_1529 = arith.constant 0 : i32
        %eq3A_1530 = arith.cmpi eq, %jit3A_1528, %eq3A_1529 : i32
        %jit3A_1531 = arith.constant 1 : i32
        %select_n3A_1532 = arith.select %eq3A_1530, %jit3A_1531, %jit3A_1528 : i32
        %rem3A_1533 = arith.remsi %sub3A_1527, %select_n3A_1532 : i32
        %ne3A_1534 = arith.constant 0 : i32
        %ne3A_1535 = arith.cmpi ne, %rem3A_1533, %ne3A_1534 : i32
        %lt3A_1536 = arith.constant 0 : i32
        %lt3A_1537 = arith.cmpi slt, %rem3A_1533, %lt3A_1536 : i32
        %lt3A_1538 = arith.constant 0 : i32
        %lt3A_1539 = arith.cmpi slt, %select_n3A_1532, %lt3A_1538 : i32
        %ne3A_1540 = arith.xori %lt3A_1537, %lt3A_1539 : i1
        %and3A_1541 = arith.andi %ne3A_1540, %ne3A_1535 : i1
        %add3A_1542 = arith.addi %rem3A_1533, %select_n3A_1532 : i32
        %select_n3A_1543 = arith.select %and3A_1541, %add3A_1542, %rem3A_1533 : i32
        %jit3A_1544 = arith.constant 4 : i32
        %div3A_1545 = arith.divsi %sub3A_1527, %jit3A_1544 : i32
        %sign3A_1546 = arith.constant 0 : i32
        %sign3A_1547 = arith.cmpi sgt, %sub3A_1527, %sign3A_1546 : i32
        %sign3A_1548 = arith.extui %sign3A_1547 : i1 to i32
        %sign3A_1549 = arith.constant 0 : i32
        %sign3A_1550 = arith.cmpi slt, %sub3A_1527, %sign3A_1549 : i32
        %sign3A_1551 = arith.extui %sign3A_1550 : i1 to i32
        %sign3A_1552 = arith.subi %sign3A_1548, %sign3A_1551 : i32
        %sign3A_1553 = arith.constant 0 : i32
        %sign3A_1554 = arith.cmpi sgt, %jit3A_1544, %sign3A_1553 : i32
        %sign3A_1555 = arith.extui %sign3A_1554 : i1 to i32
        %sign3A_1556 = arith.constant 0 : i32
        %sign3A_1557 = arith.cmpi slt, %jit3A_1544, %sign3A_1556 : i32
        %sign3A_1558 = arith.extui %sign3A_1557 : i1 to i32
        %sign3A_1559 = arith.subi %sign3A_1555, %sign3A_1558 : i32
        %ne3A_1560 = arith.cmpi ne, %sign3A_1552, %sign3A_1559 : i32
        %rem3A_1561 = arith.remsi %sub3A_1527, %jit3A_1544 : i32
        %ne3A_1562 = arith.constant 0 : i32
        %ne3A_1563 = arith.cmpi ne, %rem3A_1561, %ne3A_1562 : i32
        %and3A_1564 = arith.andi %ne3A_1560, %ne3A_1563 : i1
        %sub3A_1565 = arith.constant 1 : i32
        %sub3A_1566 = arith.subi %div3A_1545, %sub3A_1565 : i32
        %select_n3A_1567 = arith.select %and3A_1564, %sub3A_1566, %div3A_1545 : i32
        %mul3A_1568 = arith.constant 8 : i32
        %mul3A_1569 = arith.muli %select_n3A_1567, %mul3A_1568 : i32
        %dma_start3A_1570 = arith.constant 4 : i32
        %dma_start3A_1571 = arith.constant 0 : i32
        %dma_start3A_1572 = arith.constant 0 : i32
        %dma_start3A_1573 = tpu.memref_slice %arg6[%dma_start3A_1570, %dma_start3A_1571, %dma_start3A_1572] : memref<8x8x1024xf32, #tpu.memory_space<vmem>> -> memref<1x8x1024xf32, #tpu.memory_space<vmem>>
        %dma_start3A_1574 = tpu.memref_squeeze %dma_start3A_1573 : memref<1x8x1024xf32, #tpu.memory_space<vmem>> -> memref<8x1024xf32, #tpu.memory_space<vmem>>
        %dma_start3A_1575 = tpu.memref_slice %arg5[%select_n3A_1543, %mul3A_1569] : memref<4x256xi32, #tpu.memory_space<vmem>> -> memref<1x8xi32, #tpu.memory_space<vmem>>
        %dma_start3A_1576 = tpu.memref_squeeze %dma_start3A_1575 : memref<1x8xi32, #tpu.memory_space<vmem>> -> memref<8xi32, #tpu.memory_space<vmem>>
        %dma_start3A_1577 = arith.constant 0 : i32
        %dma_start3A_1578 = arith.constant 0 : i32
        %dma_start3A_1579 = tpu.memref_slice %arg3[%dma_start3A_1577, %dma_start3A_1578] : memref<8192x1024xf32, #tpu.memory_space<hbm>> -> memref<8192x1024xf32, #tpu.memory_space<hbm>>
        tpu.enqueue_indirect_dma source(%dma_start3A_1579 : memref<8192x1024xf32, #tpu.memory_space<hbm>>) target(%dma_start3A_1574 : memref<8x1024xf32, #tpu.memory_space<vmem>>) offsets(%dma_start3A_1576 : memref<8xi32, #tpu.memory_space<vmem>>) semaphore(%arg11 : memref<!tpu.dma_semaphore, #tpu.memory_space<semaphore_mem>>)
      } else {
      }
      %mul3A_1166 = arith.constant 8 : i32
      %mul3A_1167 = arith.muli %mul3A_1166, %scan3A_108 : i32
      %add3A_1168 = arith.constant 6 : i32
      %add3A_1169 = arith.addi %mul3A_1167, %add3A_1168 : i32
      %jit3A_1170 = arith.constant 4 : i32
      %eq3A_1171 = arith.constant 0 : i32
      %eq3A_1172 = arith.cmpi eq, %jit3A_1170, %eq3A_1171 : i32
      %jit3A_1173 = arith.constant 1 : i32
      %select_n3A_1174 = arith.select %eq3A_1172, %jit3A_1173, %jit3A_1170 : i32
      %rem3A_1175 = arith.remsi %add3A_1169, %select_n3A_1174 : i32
      %ne3A_1176 = arith.constant 0 : i32
      %ne3A_1177 = arith.cmpi ne, %rem3A_1175, %ne3A_1176 : i32
      %lt3A_1178 = arith.constant 0 : i32
      %lt3A_1179 = arith.cmpi slt, %rem3A_1175, %lt3A_1178 : i32
      %lt3A_1180 = arith.constant 0 : i32
      %lt3A_1181 = arith.cmpi slt, %select_n3A_1174, %lt3A_1180 : i32
      %ne3A_1182 = arith.xori %lt3A_1179, %lt3A_1181 : i1
      %and3A_1183 = arith.andi %ne3A_1182, %ne3A_1177 : i1
      %add3A_1184 = arith.addi %rem3A_1175, %select_n3A_1174 : i32
      %select_n3A_1185 = arith.select %and3A_1183, %add3A_1184, %rem3A_1175 : i32
      %jit3A_1186 = arith.constant 4 : i32
      %div3A_1187 = arith.divsi %add3A_1169, %jit3A_1186 : i32
      %sign3A_1188 = arith.constant 0 : i32
      %sign3A_1189 = arith.cmpi sgt, %add3A_1169, %sign3A_1188 : i32
      %sign3A_1190 = arith.extui %sign3A_1189 : i1 to i32
      %sign3A_1191 = arith.constant 0 : i32
      %sign3A_1192 = arith.cmpi slt, %add3A_1169, %sign3A_1191 : i32
      %sign3A_1193 = arith.extui %sign3A_1192 : i1 to i32
      %sign3A_1194 = arith.subi %sign3A_1190, %sign3A_1193 : i32
      %sign3A_1195 = arith.constant 0 : i32
      %sign3A_1196 = arith.cmpi sgt, %jit3A_1186, %sign3A_1195 : i32
      %sign3A_1197 = arith.extui %sign3A_1196 : i1 to i32
      %sign3A_1198 = arith.constant 0 : i32
      %sign3A_1199 = arith.cmpi slt, %jit3A_1186, %sign3A_1198 : i32
      %sign3A_1200 = arith.extui %sign3A_1199 : i1 to i32
      %sign3A_1201 = arith.subi %sign3A_1197, %sign3A_1200 : i32
      %ne3A_1202 = arith.cmpi ne, %sign3A_1194, %sign3A_1201 : i32
      %rem3A_1203 = arith.remsi %add3A_1169, %jit3A_1186 : i32
      %ne3A_1204 = arith.constant 0 : i32
      %ne3A_1205 = arith.cmpi ne, %rem3A_1203, %ne3A_1204 : i32
      %and3A_1206 = arith.andi %ne3A_1202, %ne3A_1205 : i1
      %sub3A_1207 = arith.constant 1 : i32
      %sub3A_1208 = arith.subi %div3A_1187, %sub3A_1207 : i32
      %select_n3A_1209 = arith.select %and3A_1206, %sub3A_1208, %div3A_1187 : i32
      %mul3A_1210 = arith.constant 8 : i32
      %mul3A_1211 = arith.muli %select_n3A_1209, %mul3A_1210 : i32
      %dma_wait3A_1212 = arith.constant 6 : i32
      %dma_wait3A_1213 = arith.constant 0 : i32
      %dma_wait3A_1214 = arith.constant 0 : i32
      %dma_wait3A_1215 = tpu.memref_slice %arg6[%dma_wait3A_1212, %dma_wait3A_1213, %dma_wait3A_1214] : memref<8x8x1024xf32, #tpu.memory_space<vmem>> -> memref<1x8x1024xf32, #tpu.memory_space<vmem>>
      %dma_wait3A_1216 = tpu.memref_squeeze %dma_wait3A_1215 : memref<1x8x1024xf32, #tpu.memory_space<vmem>> -> memref<8x1024xf32, #tpu.memory_space<vmem>>
      %dma_wait3A_1217 = tpu.memref_slice %arg5[%select_n3A_1185, %mul3A_1211] : memref<4x256xi32, #tpu.memory_space<vmem>> -> memref<1x8xi32, #tpu.memory_space<vmem>>
      %dma_wait3A_1218 = tpu.memref_squeeze %dma_wait3A_1217 : memref<1x8xi32, #tpu.memory_space<vmem>> -> memref<8xi32, #tpu.memory_space<vmem>>
      %dma_wait3A_1219 = arith.constant 0 : i32
      %dma_wait3A_1220 = arith.constant 0 : i32
      %dma_wait3A_1221 = tpu.memref_slice %arg3[%dma_wait3A_1219, %dma_wait3A_1220] : memref<8192x1024xf32, #tpu.memory_space<hbm>> -> memref<8192x1024xf32, #tpu.memory_space<hbm>>
      tpu.wait_indirect_dma semaphore(%arg13 : memref<!tpu.dma_semaphore, #tpu.memory_space<semaphore_mem>>) src(%dma_wait3A_1221 : memref<8192x1024xf32, #tpu.memory_space<hbm>>) dst(%dma_wait3A_1216 : memref<8x1024xf32, #tpu.memory_space<vmem>>)
      %jit3A_1222 = arith.constant 4 : i32
      %eq3A_1223 = arith.constant 0 : i32
      %eq3A_1224 = arith.cmpi eq, %jit3A_1222, %eq3A_1223 : i32
      %jit3A_1225 = arith.constant 1 : i32
      %select_n3A_1226 = arith.select %eq3A_1224, %jit3A_1225, %jit3A_1222 : i32
      %rem3A_1227 = arith.remsi %add3A_1169, %select_n3A_1226 : i32
      %ne3A_1228 = arith.constant 0 : i32
      %ne3A_1229 = arith.cmpi ne, %rem3A_1227, %ne3A_1228 : i32
      %lt3A_1230 = arith.constant 0 : i32
      %lt3A_1231 = arith.cmpi slt, %rem3A_1227, %lt3A_1230 : i32
      %lt3A_1232 = arith.constant 0 : i32
      %lt3A_1233 = arith.cmpi slt, %select_n3A_1226, %lt3A_1232 : i32
      %ne3A_1234 = arith.xori %lt3A_1231, %lt3A_1233 : i1
      %and3A_1235 = arith.andi %ne3A_1234, %ne3A_1229 : i1
      %add3A_1236 = arith.addi %rem3A_1227, %select_n3A_1226 : i32
      %select_n3A_1237 = arith.select %and3A_1235, %add3A_1236, %rem3A_1227 : i32
      %jit3A_1238 = arith.constant 4 : i32
      %div3A_1239 = arith.divsi %add3A_1169, %jit3A_1238 : i32
      %sign3A_1240 = arith.constant 0 : i32
      %sign3A_1241 = arith.cmpi sgt, %add3A_1169, %sign3A_1240 : i32
      %sign3A_1242 = arith.extui %sign3A_1241 : i1 to i32
      %sign3A_1243 = arith.constant 0 : i32
      %sign3A_1244 = arith.cmpi slt, %add3A_1169, %sign3A_1243 : i32
      %sign3A_1245 = arith.extui %sign3A_1244 : i1 to i32
      %sign3A_1246 = arith.subi %sign3A_1242, %sign3A_1245 : i32
      %sign3A_1247 = arith.constant 0 : i32
      %sign3A_1248 = arith.cmpi sgt, %jit3A_1238, %sign3A_1247 : i32
      %sign3A_1249 = arith.extui %sign3A_1248 : i1 to i32
      %sign3A_1250 = arith.constant 0 : i32
      %sign3A_1251 = arith.cmpi slt, %jit3A_1238, %sign3A_1250 : i32
      %sign3A_1252 = arith.extui %sign3A_1251 : i1 to i32
      %sign3A_1253 = arith.subi %sign3A_1249, %sign3A_1252 : i32
      %ne3A_1254 = arith.cmpi ne, %sign3A_1246, %sign3A_1253 : i32
      %rem3A_1255 = arith.remsi %add3A_1169, %jit3A_1238 : i32
      %ne3A_1256 = arith.constant 0 : i32
      %ne3A_1257 = arith.cmpi ne, %rem3A_1255, %ne3A_1256 : i32
      %and3A_1258 = arith.andi %ne3A_1254, %ne3A_1257 : i1
      %sub3A_1259 = arith.constant 1 : i32
      %sub3A_1260 = arith.subi %div3A_1239, %sub3A_1259 : i32
      %select_n3A_1261 = arith.select %and3A_1258, %sub3A_1260, %div3A_1239 : i32
      %mul3A_1262 = arith.constant 8 : i32
      %mul3A_1263 = arith.muli %select_n3A_1261, %mul3A_1262 : i32
      %add3A_1264 = arith.addi %mul3A_2, %mul3A_1263 : i32
      %dma_start3A_1265 = arith.constant 6 : i32
      %dma_start3A_1266 = arith.constant 0 : i32
      %dma_start3A_1267 = arith.constant 0 : i32
      %dma_start3A_1268 = tpu.memref_slice %arg6[%dma_start3A_1265, %dma_start3A_1266, %dma_start3A_1267] : memref<8x8x1024xf32, #tpu.memory_space<vmem>> -> memref<1x8x1024xf32, #tpu.memory_space<vmem>>
      %dma_start3A_1269 = tpu.memref_squeeze %dma_start3A_1268 : memref<1x8x1024xf32, #tpu.memory_space<vmem>> -> memref<8x1024xf32, #tpu.memory_space<vmem>>
      %dma_start3A_1270 = arith.constant 0 : i32
      %dma_start3A_1271 = tpu.memref_slice %arg4[%add3A_1264, %select_n3A_1237, %dma_start3A_1270] : memref<8192x4x1024xf32, #tpu.memory_space<hbm>> -> memref<8x1x1024xf32, #tpu.memory_space<hbm>>
      %dma_start3A_1272 = tpu.memref_squeeze %dma_start3A_1271 : memref<8x1x1024xf32, #tpu.memory_space<hbm>> -> memref<8x1024xf32, #tpu.memory_space<hbm>>
      %dma_start3A_1273 = arith.constant 0 : i32
      %dma_start3A_1274 = tpu.memref_slice %arg4[%add3A_1264, %select_n3A_1237, %dma_start3A_1273] : memref<8192x4x1024xf32, #tpu.memory_space<hbm>> -> memref<8x1x1024xf32, #tpu.memory_space<hbm>>
      %dma_start3A_1275 = tpu.memref_squeeze %dma_start3A_1274 : memref<8x1x1024xf32, #tpu.memory_space<hbm>> -> memref<8x1024xf32, #tpu.memory_space<hbm>>
      %dma_start3A_1276 = arith.constant 0 : i32
      %dma_start3A_1277 = arith.constant 0 : i32
      %dma_start3A_1278 = tpu.memref_slice %arg6[%dma_start3A_1265, %dma_start3A_1276, %dma_start3A_1277] : memref<8x8x1024xf32, #tpu.memory_space<vmem>> -> memref<1x8x1024xf32, #tpu.memory_space<vmem>>
      %dma_start3A_1279 = tpu.memref_squeeze %dma_start3A_1278 : memref<1x8x1024xf32, #tpu.memory_space<vmem>> -> memref<8x1024xf32, #tpu.memory_space<vmem>>
      tpu.enqueue_dma source(%dma_start3A_1279 : memref<8x1024xf32, #tpu.memory_space<vmem>>) target(%dma_start3A_1275 : memref<8x1024xf32, #tpu.memory_space<hbm>>) target_semaphore(%arg21 : memref<!tpu.dma_semaphore, #tpu.memory_space<semaphore_mem>>)
      %sub3A_1280 = arith.constant 1 : i32
      %sub3A_1281 = arith.subi %add3A_1169, %sub3A_1280 : i32
      %jit3A_1282 = arith.constant 4 : i32
      %eq3A_1283 = arith.constant 0 : i32
      %eq3A_1284 = arith.cmpi eq, %jit3A_1282, %eq3A_1283 : i32
      %jit3A_1285 = arith.constant 1 : i32
      %select_n3A_1286 = arith.select %eq3A_1284, %jit3A_1285, %jit3A_1282 : i32
      %rem3A_1287 = arith.remsi %sub3A_1281, %select_n3A_1286 : i32
      %ne3A_1288 = arith.constant 0 : i32
      %ne3A_1289 = arith.cmpi ne, %rem3A_1287, %ne3A_1288 : i32
      %lt3A_1290 = arith.constant 0 : i32
      %lt3A_1291 = arith.cmpi slt, %rem3A_1287, %lt3A_1290 : i32
      %lt3A_1292 = arith.constant 0 : i32
      %lt3A_1293 = arith.cmpi slt, %select_n3A_1286, %lt3A_1292 : i32
      %ne3A_1294 = arith.xori %lt3A_1291, %lt3A_1293 : i1
      %and3A_1295 = arith.andi %ne3A_1294, %ne3A_1289 : i1
      %add3A_1296 = arith.addi %rem3A_1287, %select_n3A_1286 : i32
      %select_n3A_1297 = arith.select %and3A_1295, %add3A_1296, %rem3A_1287 : i32
      %jit3A_1298 = arith.constant 4 : i32
      %div3A_1299 = arith.divsi %sub3A_1281, %jit3A_1298 : i32
      %sign3A_1300 = arith.constant 0 : i32
      %sign3A_1301 = arith.cmpi sgt, %sub3A_1281, %sign3A_1300 : i32
      %sign3A_1302 = arith.extui %sign3A_1301 : i1 to i32
      %sign3A_1303 = arith.constant 0 : i32
      %sign3A_1304 = arith.cmpi slt, %sub3A_1281, %sign3A_1303 : i32
      %sign3A_1305 = arith.extui %sign3A_1304 : i1 to i32
      %sign3A_1306 = arith.subi %sign3A_1302, %sign3A_1305 : i32
      %sign3A_1307 = arith.constant 0 : i32
      %sign3A_1308 = arith.cmpi sgt, %jit3A_1298, %sign3A_1307 : i32
      %sign3A_1309 = arith.extui %sign3A_1308 : i1 to i32
      %sign3A_1310 = arith.constant 0 : i32
      %sign3A_1311 = arith.cmpi slt, %jit3A_1298, %sign3A_1310 : i32
      %sign3A_1312 = arith.extui %sign3A_1311 : i1 to i32
      %sign3A_1313 = arith.subi %sign3A_1309, %sign3A_1312 : i32
      %ne3A_1314 = arith.cmpi ne, %sign3A_1306, %sign3A_1313 : i32
      %rem3A_1315 = arith.remsi %sub3A_1281, %jit3A_1298 : i32
      %ne3A_1316 = arith.constant 0 : i32
      %ne3A_1317 = arith.cmpi ne, %rem3A_1315, %ne3A_1316 : i32
      %and3A_1318 = arith.andi %ne3A_1314, %ne3A_1317 : i1
      %sub3A_1319 = arith.constant 1 : i32
      %sub3A_1320 = arith.subi %div3A_1299, %sub3A_1319 : i32
      %select_n3A_1321 = arith.select %and3A_1318, %sub3A_1320, %div3A_1299 : i32
      %mul3A_1322 = arith.constant 8 : i32
      %mul3A_1323 = arith.muli %select_n3A_1321, %mul3A_1322 : i32
      %add3A_1324 = arith.addi %mul3A_2, %mul3A_1323 : i32
      %dma_wait3A_1325 = arith.constant 5 : i32
      %dma_wait3A_1326 = arith.constant 0 : i32
      %dma_wait3A_1327 = arith.constant 0 : i32
      %dma_wait3A_1328 = tpu.memref_slice %arg6[%dma_wait3A_1325, %dma_wait3A_1326, %dma_wait3A_1327] : memref<8x8x1024xf32, #tpu.memory_space<vmem>> -> memref<1x8x1024xf32, #tpu.memory_space<vmem>>
      %dma_wait3A_1329 = tpu.memref_squeeze %dma_wait3A_1328 : memref<1x8x1024xf32, #tpu.memory_space<vmem>> -> memref<8x1024xf32, #tpu.memory_space<vmem>>
      %dma_wait3A_1330 = arith.constant 0 : i32
      %dma_wait3A_1331 = tpu.memref_slice %arg4[%add3A_1324, %select_n3A_1297, %dma_wait3A_1330] : memref<8192x4x1024xf32, #tpu.memory_space<hbm>> -> memref<8x1x1024xf32, #tpu.memory_space<hbm>>
      %dma_wait3A_1332 = tpu.memref_squeeze %dma_wait3A_1331 : memref<8x1x1024xf32, #tpu.memory_space<hbm>> -> memref<8x1024xf32, #tpu.memory_space<hbm>>
      %dma_wait3A_1333 = arith.constant 0 : i32
      %dma_wait3A_1334 = tpu.memref_slice %arg4[%add3A_1324, %select_n3A_1297, %dma_wait3A_1333] : memref<8192x4x1024xf32, #tpu.memory_space<hbm>> -> memref<8x1x1024xf32, #tpu.memory_space<hbm>>
      %dma_wait3A_1335 = tpu.memref_squeeze %dma_wait3A_1334 : memref<8x1x1024xf32, #tpu.memory_space<hbm>> -> memref<8x1024xf32, #tpu.memory_space<hbm>>
      %dma_wait3A_1336 = arith.constant 0 : i32
      %dma_wait3A_1337 = arith.constant 0 : i32
      %dma_wait3A_1338 = tpu.memref_slice %arg6[%dma_wait3A_1325, %dma_wait3A_1336, %dma_wait3A_1337] : memref<8x8x1024xf32, #tpu.memory_space<vmem>> -> memref<1x8x1024xf32, #tpu.memory_space<vmem>>
      %dma_wait3A_1339 = tpu.memref_squeeze %dma_wait3A_1338 : memref<1x8x1024xf32, #tpu.memory_space<vmem>> -> memref<8x1024xf32, #tpu.memory_space<vmem>>
      tpu.wait_dma2 semaphore(%arg20 : memref<!tpu.dma_semaphore, #tpu.memory_space<semaphore_mem>>) src(%dma_wait3A_1339 : memref<8x1024xf32, #tpu.memory_space<vmem>>) dst(%dma_wait3A_1335 : memref<8x1024xf32, #tpu.memory_space<hbm>>)
      %lt3A_1340 = arith.constant 15 : i32
      %lt3A_1341 = arith.cmpi slt, %scan3A_108, %lt3A_1340 : i32
      %convert_element_type3A_1342 = arith.extui %lt3A_1341 : i1 to i32
      %cond3A_1343 = arith.constant 0 : i32
      %cond3A_1344 = arith.cmpi ne, %convert_element_type3A_1342, %cond3A_1343 : i32
      scf.if %cond3A_1344 {
        %add3A_1524 = arith.constant 8 : i32
        %add3A_1525 = arith.addi %add3A_1169, %add3A_1524 : i32
        %sub3A_1526 = arith.constant 1 : i32
        %sub3A_1527 = arith.subi %add3A_1525, %sub3A_1526 : i32
        %jit3A_1528 = arith.constant 4 : i32
        %eq3A_1529 = arith.constant 0 : i32
        %eq3A_1530 = arith.cmpi eq, %jit3A_1528, %eq3A_1529 : i32
        %jit3A_1531 = arith.constant 1 : i32
        %select_n3A_1532 = arith.select %eq3A_1530, %jit3A_1531, %jit3A_1528 : i32
        %rem3A_1533 = arith.remsi %sub3A_1527, %select_n3A_1532 : i32
        %ne3A_1534 = arith.constant 0 : i32
        %ne3A_1535 = arith.cmpi ne, %rem3A_1533, %ne3A_1534 : i32
        %lt3A_1536 = arith.constant 0 : i32
        %lt3A_1537 = arith.cmpi slt, %rem3A_1533, %lt3A_1536 : i32
        %lt3A_1538 = arith.constant 0 : i32
        %lt3A_1539 = arith.cmpi slt, %select_n3A_1532, %lt3A_1538 : i32
        %ne3A_1540 = arith.xori %lt3A_1537, %lt3A_1539 : i1
        %and3A_1541 = arith.andi %ne3A_1540, %ne3A_1535 : i1
        %add3A_1542 = arith.addi %rem3A_1533, %select_n3A_1532 : i32
        %select_n3A_1543 = arith.select %and3A_1541, %add3A_1542, %rem3A_1533 : i32
        %jit3A_1544 = arith.constant 4 : i32
        %div3A_1545 = arith.divsi %sub3A_1527, %jit3A_1544 : i32
        %sign3A_1546 = arith.constant 0 : i32
        %sign3A_1547 = arith.cmpi sgt, %sub3A_1527, %sign3A_1546 : i32
        %sign3A_1548 = arith.extui %sign3A_1547 : i1 to i32
        %sign3A_1549 = arith.constant 0 : i32
        %sign3A_1550 = arith.cmpi slt, %sub3A_1527, %sign3A_1549 : i32
        %sign3A_1551 = arith.extui %sign3A_1550 : i1 to i32
        %sign3A_1552 = arith.subi %sign3A_1548, %sign3A_1551 : i32
        %sign3A_1553 = arith.constant 0 : i32
        %sign3A_1554 = arith.cmpi sgt, %jit3A_1544, %sign3A_1553 : i32
        %sign3A_1555 = arith.extui %sign3A_1554 : i1 to i32
        %sign3A_1556 = arith.constant 0 : i32
        %sign3A_1557 = arith.cmpi slt, %jit3A_1544, %sign3A_1556 : i32
        %sign3A_1558 = arith.extui %sign3A_1557 : i1 to i32
        %sign3A_1559 = arith.subi %sign3A_1555, %sign3A_1558 : i32
        %ne3A_1560 = arith.cmpi ne, %sign3A_1552, %sign3A_1559 : i32
        %rem3A_1561 = arith.remsi %sub3A_1527, %jit3A_1544 : i32
        %ne3A_1562 = arith.constant 0 : i32
        %ne3A_1563 = arith.cmpi ne, %rem3A_1561, %ne3A_1562 : i32
        %and3A_1564 = arith.andi %ne3A_1560, %ne3A_1563 : i1
        %sub3A_1565 = arith.constant 1 : i32
        %sub3A_1566 = arith.subi %div3A_1545, %sub3A_1565 : i32
        %select_n3A_1567 = arith.select %and3A_1564, %sub3A_1566, %div3A_1545 : i32
        %mul3A_1568 = arith.constant 8 : i32
        %mul3A_1569 = arith.muli %select_n3A_1567, %mul3A_1568 : i32
        %dma_start3A_1570 = arith.constant 5 : i32
        %dma_start3A_1571 = arith.constant 0 : i32
        %dma_start3A_1572 = arith.constant 0 : i32
        %dma_start3A_1573 = tpu.memref_slice %arg6[%dma_start3A_1570, %dma_start3A_1571, %dma_start3A_1572] : memref<8x8x1024xf32, #tpu.memory_space<vmem>> -> memref<1x8x1024xf32, #tpu.memory_space<vmem>>
        %dma_start3A_1574 = tpu.memref_squeeze %dma_start3A_1573 : memref<1x8x1024xf32, #tpu.memory_space<vmem>> -> memref<8x1024xf32, #tpu.memory_space<vmem>>
        %dma_start3A_1575 = tpu.memref_slice %arg5[%select_n3A_1543, %mul3A_1569] : memref<4x256xi32, #tpu.memory_space<vmem>> -> memref<1x8xi32, #tpu.memory_space<vmem>>
        %dma_start3A_1576 = tpu.memref_squeeze %dma_start3A_1575 : memref<1x8xi32, #tpu.memory_space<vmem>> -> memref<8xi32, #tpu.memory_space<vmem>>
        %dma_start3A_1577 = arith.constant 0 : i32
        %dma_start3A_1578 = arith.constant 0 : i32
        %dma_start3A_1579 = tpu.memref_slice %arg3[%dma_start3A_1577, %dma_start3A_1578] : memref<8192x1024xf32, #tpu.memory_space<hbm>> -> memref<8192x1024xf32, #tpu.memory_space<hbm>>
        tpu.enqueue_indirect_dma source(%dma_start3A_1579 : memref<8192x1024xf32, #tpu.memory_space<hbm>>) target(%dma_start3A_1574 : memref<8x1024xf32, #tpu.memory_space<vmem>>) offsets(%dma_start3A_1576 : memref<8xi32, #tpu.memory_space<vmem>>) semaphore(%arg12 : memref<!tpu.dma_semaphore, #tpu.memory_space<semaphore_mem>>)
      } else {
      }
      %mul3A_1345 = arith.constant 8 : i32
      %mul3A_1346 = arith.muli %mul3A_1345, %scan3A_108 : i32
      %add3A_1347 = arith.constant 7 : i32
      %add3A_1348 = arith.addi %mul3A_1346, %add3A_1347 : i32
      %jit3A_1349 = arith.constant 4 : i32
      %eq3A_1350 = arith.constant 0 : i32
      %eq3A_1351 = arith.cmpi eq, %jit3A_1349, %eq3A_1350 : i32
      %jit3A_1352 = arith.constant 1 : i32
      %select_n3A_1353 = arith.select %eq3A_1351, %jit3A_1352, %jit3A_1349 : i32
      %rem3A_1354 = arith.remsi %add3A_1348, %select_n3A_1353 : i32
      %ne3A_1355 = arith.constant 0 : i32
      %ne3A_1356 = arith.cmpi ne, %rem3A_1354, %ne3A_1355 : i32
      %lt3A_1357 = arith.constant 0 : i32
      %lt3A_1358 = arith.cmpi slt, %rem3A_1354, %lt3A_1357 : i32
      %lt3A_1359 = arith.constant 0 : i32
      %lt3A_1360 = arith.cmpi slt, %select_n3A_1353, %lt3A_1359 : i32
      %ne3A_1361 = arith.xori %lt3A_1358, %lt3A_1360 : i1
      %and3A_1362 = arith.andi %ne3A_1361, %ne3A_1356 : i1
      %add3A_1363 = arith.addi %rem3A_1354, %select_n3A_1353 : i32
      %select_n3A_1364 = arith.select %and3A_1362, %add3A_1363, %rem3A_1354 : i32
      %jit3A_1365 = arith.constant 4 : i32
      %div3A_1366 = arith.divsi %add3A_1348, %jit3A_1365 : i32
      %sign3A_1367 = arith.constant 0 : i32
      %sign3A_1368 = arith.cmpi sgt, %add3A_1348, %sign3A_1367 : i32
      %sign3A_1369 = arith.extui %sign3A_1368 : i1 to i32
      %sign3A_1370 = arith.constant 0 : i32
      %sign3A_1371 = arith.cmpi slt, %add3A_1348, %sign3A_1370 : i32
      %sign3A_1372 = arith.extui %sign3A_1371 : i1 to i32
      %sign3A_1373 = arith.subi %sign3A_1369, %sign3A_1372 : i32
      %sign3A_1374 = arith.constant 0 : i32
      %sign3A_1375 = arith.cmpi sgt, %jit3A_1365, %sign3A_1374 : i32
      %sign3A_1376 = arith.extui %sign3A_1375 : i1 to i32
      %sign3A_1377 = arith.constant 0 : i32
      %sign3A_1378 = arith.cmpi slt, %jit3A_1365, %sign3A_1377 : i32
      %sign3A_1379 = arith.extui %sign3A_1378 : i1 to i32
      %sign3A_1380 = arith.subi %sign3A_1376, %sign3A_1379 : i32
      %ne3A_1381 = arith.cmpi ne, %sign3A_1373, %sign3A_1380 : i32
      %rem3A_1382 = arith.remsi %add3A_1348, %jit3A_1365 : i32
      %ne3A_1383 = arith.constant 0 : i32
      %ne3A_1384 = arith.cmpi ne, %rem3A_1382, %ne3A_1383 : i32
      %and3A_1385 = arith.andi %ne3A_1381, %ne3A_1384 : i1
      %sub3A_1386 = arith.constant 1 : i32
      %sub3A_1387 = arith.subi %div3A_1366, %sub3A_1386 : i32
      %select_n3A_1388 = arith.select %and3A_1385, %sub3A_1387, %div3A_1366 : i32
      %mul3A_1389 = arith.constant 8 : i32
      %mul3A_1390 = arith.muli %select_n3A_1388, %mul3A_1389 : i32
      %dma_wait3A_1391 = arith.constant 7 : i32
      %dma_wait3A_1392 = arith.constant 0 : i32
      %dma_wait3A_1393 = arith.constant 0 : i32
      %dma_wait3A_1394 = tpu.memref_slice %arg6[%dma_wait3A_1391, %dma_wait3A_1392, %dma_wait3A_1393] : memref<8x8x1024xf32, #tpu.memory_space<vmem>> -> memref<1x8x1024xf32, #tpu.memory_space<vmem>>
      %dma_wait3A_1395 = tpu.memref_squeeze %dma_wait3A_1394 : memref<1x8x1024xf32, #tpu.memory_space<vmem>> -> memref<8x1024xf32, #tpu.memory_space<vmem>>
      %dma_wait3A_1396 = tpu.memref_slice %arg5[%select_n3A_1364, %mul3A_1390] : memref<4x256xi32, #tpu.memory_space<vmem>> -> memref<1x8xi32, #tpu.memory_space<vmem>>
      %dma_wait3A_1397 = tpu.memref_squeeze %dma_wait3A_1396 : memref<1x8xi32, #tpu.memory_space<vmem>> -> memref<8xi32, #tpu.memory_space<vmem>>
      %dma_wait3A_1398 = arith.constant 0 : i32
      %dma_wait3A_1399 = arith.constant 0 : i32
      %dma_wait3A_1400 = tpu.memref_slice %arg3[%dma_wait3A_1398, %dma_wait3A_1399] : memref<8192x1024xf32, #tpu.memory_space<hbm>> -> memref<8192x1024xf32, #tpu.memory_space<hbm>>
      tpu.wait_indirect_dma semaphore(%arg14 : memref<!tpu.dma_semaphore, #tpu.memory_space<semaphore_mem>>) src(%dma_wait3A_1400 : memref<8192x1024xf32, #tpu.memory_space<hbm>>) dst(%dma_wait3A_1395 : memref<8x1024xf32, #tpu.memory_space<vmem>>)
      %jit3A_1401 = arith.constant 4 : i32
      %eq3A_1402 = arith.constant 0 : i32
      %eq3A_1403 = arith.cmpi eq, %jit3A_1401, %eq3A_1402 : i32
      %jit3A_1404 = arith.constant 1 : i32
      %select_n3A_1405 = arith.select %eq3A_1403, %jit3A_1404, %jit3A_1401 : i32
      %rem3A_1406 = arith.remsi %add3A_1348, %select_n3A_1405 : i32
      %ne3A_1407 = arith.constant 0 : i32
      %ne3A_1408 = arith.cmpi ne, %rem3A_1406, %ne3A_1407 : i32
      %lt3A_1409 = arith.constant 0 : i32
      %lt3A_1410 = arith.cmpi slt, %rem3A_1406, %lt3A_1409 : i32
      %lt3A_1411 = arith.constant 0 : i32
      %lt3A_1412 = arith.cmpi slt, %select_n3A_1405, %lt3A_1411 : i32
      %ne3A_1413 = arith.xori %lt3A_1410, %lt3A_1412 : i1
      %and3A_1414 = arith.andi %ne3A_1413, %ne3A_1408 : i1
      %add3A_1415 = arith.addi %rem3A_1406, %select_n3A_1405 : i32
      %select_n3A_1416 = arith.select %and3A_1414, %add3A_1415, %rem3A_1406 : i32
      %jit3A_1417 = arith.constant 4 : i32
      %div3A_1418 = arith.divsi %add3A_1348, %jit3A_1417 : i32
      %sign3A_1419 = arith.constant 0 : i32
      %sign3A_1420 = arith.cmpi sgt, %add3A_1348, %sign3A_1419 : i32
      %sign3A_1421 = arith.extui %sign3A_1420 : i1 to i32
      %sign3A_1422 = arith.constant 0 : i32
      %sign3A_1423 = arith.cmpi slt, %add3A_1348, %sign3A_1422 : i32
      %sign3A_1424 = arith.extui %sign3A_1423 : i1 to i32
      %sign3A_1425 = arith.subi %sign3A_1421, %sign3A_1424 : i32
      %sign3A_1426 = arith.constant 0 : i32
      %sign3A_1427 = arith.cmpi sgt, %jit3A_1417, %sign3A_1426 : i32
      %sign3A_1428 = arith.extui %sign3A_1427 : i1 to i32
      %sign3A_1429 = arith.constant 0 : i32
      %sign3A_1430 = arith.cmpi slt, %jit3A_1417, %sign3A_1429 : i32
      %sign3A_1431 = arith.extui %sign3A_1430 : i1 to i32
      %sign3A_1432 = arith.subi %sign3A_1428, %sign3A_1431 : i32
      %ne3A_1433 = arith.cmpi ne, %sign3A_1425, %sign3A_1432 : i32
      %rem3A_1434 = arith.remsi %add3A_1348, %jit3A_1417 : i32
      %ne3A_1435 = arith.constant 0 : i32
      %ne3A_1436 = arith.cmpi ne, %rem3A_1434, %ne3A_1435 : i32
      %and3A_1437 = arith.andi %ne3A_1433, %ne3A_1436 : i1
      %sub3A_1438 = arith.constant 1 : i32
      %sub3A_1439 = arith.subi %div3A_1418, %sub3A_1438 : i32
      %select_n3A_1440 = arith.select %and3A_1437, %sub3A_1439, %div3A_1418 : i32
      %mul3A_1441 = arith.constant 8 : i32
      %mul3A_1442 = arith.muli %select_n3A_1440, %mul3A_1441 : i32
      %add3A_1443 = arith.addi %mul3A_2, %mul3A_1442 : i32
      %dma_start3A_1444 = arith.constant 7 : i32
      %dma_start3A_1445 = arith.constant 0 : i32
      %dma_start3A_1446 = arith.constant 0 : i32
      %dma_start3A_1447 = tpu.memref_slice %arg6[%dma_start3A_1444, %dma_start3A_1445, %dma_start3A_1446] : memref<8x8x1024xf32, #tpu.memory_space<vmem>> -> memref<1x8x1024xf32, #tpu.memory_space<vmem>>
      %dma_start3A_1448 = tpu.memref_squeeze %dma_start3A_1447 : memref<1x8x1024xf32, #tpu.memory_space<vmem>> -> memref<8x1024xf32, #tpu.memory_space<vmem>>
      %dma_start3A_1449 = arith.constant 0 : i32
      %dma_start3A_1450 = tpu.memref_slice %arg4[%add3A_1443, %select_n3A_1416, %dma_start3A_1449] : memref<8192x4x1024xf32, #tpu.memory_space<hbm>> -> memref<8x1x1024xf32, #tpu.memory_space<hbm>>
      %dma_start3A_1451 = tpu.memref_squeeze %dma_start3A_1450 : memref<8x1x1024xf32, #tpu.memory_space<hbm>> -> memref<8x1024xf32, #tpu.memory_space<hbm>>
      %dma_start3A_1452 = arith.constant 0 : i32
      %dma_start3A_1453 = tpu.memref_slice %arg4[%add3A_1443, %select_n3A_1416, %dma_start3A_1452] : memref<8192x4x1024xf32, #tpu.memory_space<hbm>> -> memref<8x1x1024xf32, #tpu.memory_space<hbm>>
      %dma_start3A_1454 = tpu.memref_squeeze %dma_start3A_1453 : memref<8x1x1024xf32, #tpu.memory_space<hbm>> -> memref<8x1024xf32, #tpu.memory_space<hbm>>
      %dma_start3A_1455 = arith.constant 0 : i32
      %dma_start3A_1456 = arith.constant 0 : i32
      %dma_start3A_1457 = tpu.memref_slice %arg6[%dma_start3A_1444, %dma_start3A_1455, %dma_start3A_1456] : memref<8x8x1024xf32, #tpu.memory_space<vmem>> -> memref<1x8x1024xf32, #tpu.memory_space<vmem>>
      %dma_start3A_1458 = tpu.memref_squeeze %dma_start3A_1457 : memref<1x8x1024xf32, #tpu.memory_space<vmem>> -> memref<8x1024xf32, #tpu.memory_space<vmem>>
      tpu.enqueue_dma source(%dma_start3A_1458 : memref<8x1024xf32, #tpu.memory_space<vmem>>) target(%dma_start3A_1454 : memref<8x1024xf32, #tpu.memory_space<hbm>>) target_semaphore(%arg22 : memref<!tpu.dma_semaphore, #tpu.memory_space<semaphore_mem>>)
      %sub3A_1459 = arith.constant 1 : i32
      %sub3A_1460 = arith.subi %add3A_1348, %sub3A_1459 : i32
      %jit3A_1461 = arith.constant 4 : i32
      %eq3A_1462 = arith.constant 0 : i32
      %eq3A_1463 = arith.cmpi eq, %jit3A_1461, %eq3A_1462 : i32
      %jit3A_1464 = arith.constant 1 : i32
      %select_n3A_1465 = arith.select %eq3A_1463, %jit3A_1464, %jit3A_1461 : i32
      %rem3A_1466 = arith.remsi %sub3A_1460, %select_n3A_1465 : i32
      %ne3A_1467 = arith.constant 0 : i32
      %ne3A_1468 = arith.cmpi ne, %rem3A_1466, %ne3A_1467 : i32
      %lt3A_1469 = arith.constant 0 : i32
      %lt3A_1470 = arith.cmpi slt, %rem3A_1466, %lt3A_1469 : i32
      %lt3A_1471 = arith.constant 0 : i32
      %lt3A_1472 = arith.cmpi slt, %select_n3A_1465, %lt3A_1471 : i32
      %ne3A_1473 = arith.xori %lt3A_1470, %lt3A_1472 : i1
      %and3A_1474 = arith.andi %ne3A_1473, %ne3A_1468 : i1
      %add3A_1475 = arith.addi %rem3A_1466, %select_n3A_1465 : i32
      %select_n3A_1476 = arith.select %and3A_1474, %add3A_1475, %rem3A_1466 : i32
      %jit3A_1477 = arith.constant 4 : i32
      %div3A_1478 = arith.divsi %sub3A_1460, %jit3A_1477 : i32
      %sign3A_1479 = arith.constant 0 : i32
      %sign3A_1480 = arith.cmpi sgt, %sub3A_1460, %sign3A_1479 : i32
      %sign3A_1481 = arith.extui %sign3A_1480 : i1 to i32
      %sign3A_1482 = arith.constant 0 : i32
      %sign3A_1483 = arith.cmpi slt, %sub3A_1460, %sign3A_1482 : i32
      %sign3A_1484 = arith.extui %sign3A_1483 : i1 to i32
      %sign3A_1485 = arith.subi %sign3A_1481, %sign3A_1484 : i32
      %sign3A_1486 = arith.constant 0 : i32
      %sign3A_1487 = arith.cmpi sgt, %jit3A_1477, %sign3A_1486 : i32
      %sign3A_1488 = arith.extui %sign3A_1487 : i1 to i32
      %sign3A_1489 = arith.constant 0 : i32
      %sign3A_1490 = arith.cmpi slt, %jit3A_1477, %sign3A_1489 : i32
      %sign3A_1491 = arith.extui %sign3A_1490 : i1 to i32
      %sign3A_1492 = arith.subi %sign3A_1488, %sign3A_1491 : i32
      %ne3A_1493 = arith.cmpi ne, %sign3A_1485, %sign3A_1492 : i32
      %rem3A_1494 = arith.remsi %sub3A_1460, %jit3A_1477 : i32
      %ne3A_1495 = arith.constant 0 : i32
      %ne3A_1496 = arith.cmpi ne, %rem3A_1494, %ne3A_1495 : i32
      %and3A_1497 = arith.andi %ne3A_1493, %ne3A_1496 : i1
      %sub3A_1498 = arith.constant 1 : i32
      %sub3A_1499 = arith.subi %div3A_1478, %sub3A_1498 : i32
      %select_n3A_1500 = arith.select %and3A_1497, %sub3A_1499, %div3A_1478 : i32
      %mul3A_1501 = arith.constant 8 : i32
      %mul3A_1502 = arith.muli %select_n3A_1500, %mul3A_1501 : i32
      %add3A_1503 = arith.addi %mul3A_2, %mul3A_1502 : i32
      %dma_wait3A_1504 = arith.constant 6 : i32
      %dma_wait3A_1505 = arith.constant 0 : i32
      %dma_wait3A_1506 = arith.constant 0 : i32
      %dma_wait3A_1507 = tpu.memref_slice %arg6[%dma_wait3A_1504, %dma_wait3A_1505, %dma_wait3A_1506] : memref<8x8x1024xf32, #tpu.memory_space<vmem>> -> memref<1x8x1024xf32, #tpu.memory_space<vmem>>
      %dma_wait3A_1508 = tpu.memref_squeeze %dma_wait3A_1507 : memref<1x8x1024xf32, #tpu.memory_space<vmem>> -> memref<8x1024xf32, #tpu.memory_space<vmem>>
      %dma_wait3A_1509 = arith.constant 0 : i32
      %dma_wait3A_1510 = tpu.memref_slice %arg4[%add3A_1503, %select_n3A_1476, %dma_wait3A_1509] : memref<8192x4x1024xf32, #tpu.memory_space<hbm>> -> memref<8x1x1024xf32, #tpu.memory_space<hbm>>
      %dma_wait3A_1511 = tpu.memref_squeeze %dma_wait3A_1510 : memref<8x1x1024xf32, #tpu.memory_space<hbm>> -> memref<8x1024xf32, #tpu.memory_space<hbm>>
      %dma_wait3A_1512 = arith.constant 0 : i32
      %dma_wait3A_1513 = tpu.memref_slice %arg4[%add3A_1503, %select_n3A_1476, %dma_wait3A_1512] : memref<8192x4x1024xf32, #tpu.memory_space<hbm>> -> memref<8x1x1024xf32, #tpu.memory_space<hbm>>
      %dma_wait3A_1514 = tpu.memref_squeeze %dma_wait3A_1513 : memref<8x1x1024xf32, #tpu.memory_space<hbm>> -> memref<8x1024xf32, #tpu.memory_space<hbm>>
      %dma_wait3A_1515 = arith.constant 0 : i32
      %dma_wait3A_1516 = arith.constant 0 : i32
      %dma_wait3A_1517 = tpu.memref_slice %arg6[%dma_wait3A_1504, %dma_wait3A_1515, %dma_wait3A_1516] : memref<8x8x1024xf32, #tpu.memory_space<vmem>> -> memref<1x8x1024xf32, #tpu.memory_space<vmem>>
      %dma_wait3A_1518 = tpu.memref_squeeze %dma_wait3A_1517 : memref<1x8x1024xf32, #tpu.memory_space<vmem>> -> memref<8x1024xf32, #tpu.memory_space<vmem>>
      tpu.wait_dma2 semaphore(%arg21 : memref<!tpu.dma_semaphore, #tpu.memory_space<semaphore_mem>>) src(%dma_wait3A_1518 : memref<8x1024xf32, #tpu.memory_space<vmem>>) dst(%dma_wait3A_1514 : memref<8x1024xf32, #tpu.memory_space<hbm>>)
      %lt3A_1519 = arith.constant 15 : i32
      %lt3A_1520 = arith.cmpi slt, %scan3A_108, %lt3A_1519 : i32
      %convert_element_type3A_1521 = arith.extui %lt3A_1520 : i1 to i32
      %cond3A_1522 = arith.constant 0 : i32
      %cond3A_1523 = arith.cmpi ne, %convert_element_type3A_1521, %cond3A_1522 : i32
      scf.if %cond3A_1523 {
        %add3A_1524 = arith.constant 8 : i32
        %add3A_1525 = arith.addi %add3A_1348, %add3A_1524 : i32
        %sub3A_1526 = arith.constant 1 : i32
        %sub3A_1527 = arith.subi %add3A_1525, %sub3A_1526 : i32
        %jit3A_1528 = arith.constant 4 : i32
        %eq3A_1529 = arith.constant 0 : i32
        %eq3A_1530 = arith.cmpi eq, %jit3A_1528, %eq3A_1529 : i32
        %jit3A_1531 = arith.constant 1 : i32
        %select_n3A_1532 = arith.select %eq3A_1530, %jit3A_1531, %jit3A_1528 : i32
        %rem3A_1533 = arith.remsi %sub3A_1527, %select_n3A_1532 : i32
        %ne3A_1534 = arith.constant 0 : i32
        %ne3A_1535 = arith.cmpi ne, %rem3A_1533, %ne3A_1534 : i32
        %lt3A_1536 = arith.constant 0 : i32
        %lt3A_1537 = arith.cmpi slt, %rem3A_1533, %lt3A_1536 : i32
        %lt3A_1538 = arith.constant 0 : i32
        %lt3A_1539 = arith.cmpi slt, %select_n3A_1532, %lt3A_1538 : i32
        %ne3A_1540 = arith.xori %lt3A_1537, %lt3A_1539 : i1
        %and3A_1541 = arith.andi %ne3A_1540, %ne3A_1535 : i1
        %add3A_1542 = arith.addi %rem3A_1533, %select_n3A_1532 : i32
        %select_n3A_1543 = arith.select %and3A_1541, %add3A_1542, %rem3A_1533 : i32
        %jit3A_1544 = arith.constant 4 : i32
        %div3A_1545 = arith.divsi %sub3A_1527, %jit3A_1544 : i32
        %sign3A_1546 = arith.constant 0 : i32
        %sign3A_1547 = arith.cmpi sgt, %sub3A_1527, %sign3A_1546 : i32
        %sign3A_1548 = arith.extui %sign3A_1547 : i1 to i32
        %sign3A_1549 = arith.constant 0 : i32
        %sign3A_1550 = arith.cmpi slt, %sub3A_1527, %sign3A_1549 : i32
        %sign3A_1551 = arith.extui %sign3A_1550 : i1 to i32
        %sign3A_1552 = arith.subi %sign3A_1548, %sign3A_1551 : i32
        %sign3A_1553 = arith.constant 0 : i32
        %sign3A_1554 = arith.cmpi sgt, %jit3A_1544, %sign3A_1553 : i32
        %sign3A_1555 = arith.extui %sign3A_1554 : i1 to i32
        %sign3A_1556 = arith.constant 0 : i32
        %sign3A_1557 = arith.cmpi slt, %jit3A_1544, %sign3A_1556 : i32
        %sign3A_1558 = arith.extui %sign3A_1557 : i1 to i32
        %sign3A_1559 = arith.subi %sign3A_1555, %sign3A_1558 : i32
        %ne3A_1560 = arith.cmpi ne, %sign3A_1552, %sign3A_1559 : i32
        %rem3A_1561 = arith.remsi %sub3A_1527, %jit3A_1544 : i32
        %ne3A_1562 = arith.constant 0 : i32
        %ne3A_1563 = arith.cmpi ne, %rem3A_1561, %ne3A_1562 : i32
        %and3A_1564 = arith.andi %ne3A_1560, %ne3A_1563 : i1
        %sub3A_1565 = arith.constant 1 : i32
        %sub3A_1566 = arith.subi %div3A_1545, %sub3A_1565 : i32
        %select_n3A_1567 = arith.select %and3A_1564, %sub3A_1566, %div3A_1545 : i32
        %mul3A_1568 = arith.constant 8 : i32
        %mul3A_1569 = arith.muli %select_n3A_1567, %mul3A_1568 : i32
        %dma_start3A_1570 = arith.constant 6 : i32
        %dma_start3A_1571 = arith.constant 0 : i32
        %dma_start3A_1572 = arith.constant 0 : i32
        %dma_start3A_1573 = tpu.memref_slice %arg6[%dma_start3A_1570, %dma_start3A_1571, %dma_start3A_1572] : memref<8x8x1024xf32, #tpu.memory_space<vmem>> -> memref<1x8x1024xf32, #tpu.memory_space<vmem>>
        %dma_start3A_1574 = tpu.memref_squeeze %dma_start3A_1573 : memref<1x8x1024xf32, #tpu.memory_space<vmem>> -> memref<8x1024xf32, #tpu.memory_space<vmem>>
        %dma_start3A_1575 = tpu.memref_slice %arg5[%select_n3A_1543, %mul3A_1569] : memref<4x256xi32, #tpu.memory_space<vmem>> -> memref<1x8xi32, #tpu.memory_space<vmem>>
        %dma_start3A_1576 = tpu.memref_squeeze %dma_start3A_1575 : memref<1x8xi32, #tpu.memory_space<vmem>> -> memref<8xi32, #tpu.memory_space<vmem>>
        %dma_start3A_1577 = arith.constant 0 : i32
        %dma_start3A_1578 = arith.constant 0 : i32
        %dma_start3A_1579 = tpu.memref_slice %arg3[%dma_start3A_1577, %dma_start3A_1578] : memref<8192x1024xf32, #tpu.memory_space<hbm>> -> memref<8192x1024xf32, #tpu.memory_space<hbm>>
        tpu.enqueue_indirect_dma source(%dma_start3A_1579 : memref<8192x1024xf32, #tpu.memory_space<hbm>>) target(%dma_start3A_1574 : memref<8x1024xf32, #tpu.memory_space<vmem>>) offsets(%dma_start3A_1576 : memref<8xi32, #tpu.memory_space<vmem>>) semaphore(%arg13 : memref<!tpu.dma_semaphore, #tpu.memory_space<semaphore_mem>>)
      } else {
      }
    }
    %scan3A_90 = arith.constant 16 : i32
    %add3A_91 = arith.constant 248 : i32
    %add3A_92 = arith.addi %mul3A_2, %add3A_91 : i32
    %dma_wait3A = arith.constant 7 : i32
    %dma_wait3A_93 = arith.constant 3 : i32
    %dma_wait3A_94 = arith.constant 0 : i32
    %dma_wait3A_95 = arith.constant 0 : i32
    %dma_wait3A_96 = tpu.memref_slice %arg6[%dma_wait3A, %dma_wait3A_94, %dma_wait3A_95] : memref<8x8x1024xf32, #tpu.memory_space<vmem>> -> memref<1x8x1024xf32, #tpu.memory_space<vmem>>
    %dma_wait3A_97 = tpu.memref_squeeze %dma_wait3A_96 : memref<1x8x1024xf32, #tpu.memory_space<vmem>> -> memref<8x1024xf32, #tpu.memory_space<vmem>>
    %dma_wait3A_98 = arith.constant 0 : i32
    %dma_wait3A_99 = tpu.memref_slice %arg4[%add3A_92, %dma_wait3A_93, %dma_wait3A_98] : memref<8192x4x1024xf32, #tpu.memory_space<hbm>> -> memref<8x1x1024xf32, #tpu.memory_space<hbm>>
    %dma_wait3A_100 = tpu.memref_squeeze %dma_wait3A_99 : memref<8x1x1024xf32, #tpu.memory_space<hbm>> -> memref<8x1024xf32, #tpu.memory_space<hbm>>
    %dma_wait3A_101 = arith.constant 0 : i32
    %dma_wait3A_102 = tpu.memref_slice %arg4[%add3A_92, %dma_wait3A_93, %dma_wait3A_101] : memref<8192x4x1024xf32, #tpu.memory_space<hbm>> -> memref<8x1x1024xf32, #tpu.memory_space<hbm>>
    %dma_wait3A_103 = tpu.memref_squeeze %dma_wait3A_102 : memref<8x1x1024xf32, #tpu.memory_space<hbm>> -> memref<8x1024xf32, #tpu.memory_space<hbm>>
    %dma_wait3A_104 = arith.constant 0 : i32
    %dma_wait3A_105 = arith.constant 0 : i32
    %dma_wait3A_106 = tpu.memref_slice %arg6[%dma_wait3A, %dma_wait3A_104, %dma_wait3A_105] : memref<8x8x1024xf32, #tpu.memory_space<vmem>> -> memref<1x8x1024xf32, #tpu.memory_space<vmem>>
    %dma_wait3A_107 = tpu.memref_squeeze %dma_wait3A_106 : memref<1x8x1024xf32, #tpu.memory_space<vmem>> -> memref<8x1024xf32, #tpu.memory_space<vmem>>
    tpu.wait_dma2 semaphore(%arg22 : memref<!tpu.dma_semaphore, #tpu.memory_space<semaphore_mem>>) src(%dma_wait3A_107 : memref<8x1024xf32, #tpu.memory_space<vmem>>) dst(%dma_wait3A_103 : memref<8x1024xf32, #tpu.memory_space<hbm>>)
    return
  }
}

</mosaic_0001>

<sc_bundles>
// kernel: kernel.3.cloned.1.call-start
scs
__scs_entry_jumppad:
0x0: {  	(pc) =	sbr.rel $0x88, $3  }
0x1: {  	(tag) =	ssettag $0x0;
	lr =	simm.s32 $0x1  }
0x2: {  	[smem:$0x3F9F] =	sst lr;
	_ =	strace $0xD0000000  }
0x3: {  	_ = 	snop  }
0x4: {  	_ = 	snop  }
0x5: {  	_ = 	snop  }
0x6: {  	_ = 	snop  }
0x7: {  	_ = 	snop  }
__scs_overlays_trampoline_lowered:
0x8: {  	[smem:$0x3FAE] =	sst s0  }
0x9: {  	[smem:$0x3FAF] =	sst s1  }
0xa: {  	[smem:$0x3FB0] =	sst s2  }
0xb: {  	[smem:$0x3FB1] =	sst s3  }
0xc: {  	[smem:$0x3FB2] =	sst s4  }
0xd: {  	[smem:$0x3FB3] =	sst s5  }
0xe: {  	[smem:$0x3FB4] =	sst s6  }
0xf: {  	[smem:$0x3FB5] =	sst s7  }
0x10: {  	[smem:$0x3FB6] =	sst s8  }
0x11: {  	[smem:$0x3FB7] =	sst s9;
	s0 =	simm.s32 @!p0 $0x0  }
0x12: {  	s1 =	sld [smem:$0x3F9D];
	s0 =	simm.s32 @p0 $0x1  }
0x13: {  	[smem:$0x3FB8] =	sst s0;
	s0 =	simm.s32 @!p1 $0x0  }
0x14: {  	s2 =	sld [smem:$0x3F9C];
	s0 =	simm.s32 @p1 $0x1  }
0x15: {  	[smem:$0x3FB9] =	sst s0;
	s0 =	simm.s32 @!p2 $0x0  }
0x16: {  	s3 =	sld [smem:$0x3FDB];
	s0 =	simm.s32 @p2 $0x1  }
0x17: {  	s4 =	simm.s32 $0x1BF5;
	[smem:$0x3FBB] =	sst s0  }
0x18: {  	s0 =	sld [smem:$0x3F9E];
	_ =	swait.ge [sflag:s4], $0x0  }
0x19: {  	s7 =	sld [smem:$0x3F9F]  }
0x1a: {  	s8 =	sadd.s32 $0xFFFFE003, lr  }
0x1b: {  	s9 =	sadd.s32 $0xFFFFFEF7, lr;
	s5 =	simm.s32 $0xFFFFFFFF;
	p2 =	slt.u32 s8, $0xFFFFF086  }
0x1c: {  	p1 =	slt.u32 s9, $0xF7A;
	s5 =	simm.s32 @!p2 $0x0  }
0x1d: {  	s5 =	simm.s32 @p1 $0x1;
	p0 =	seq.s32 s7, s2  }
0x1e: {  	s7 =	smul.u32 @!p0 $0xF7A, s2;
	p2 =	seq.s32 @!p0 s5, $0x0  }
0x1f: {  	s9 =	smul.u32 $0xF7A, s1;
	s8 =	simm.s32 @!p0 $0x1BF5;
	p2 =	por !p2, p0  }
0x20: {  	[sflag:s8] =	ssyncset.s32 @!p0 $0xFFFFF086;
	s6 =	sadd.s32 @!p0 s3, s7;
	s7 =	simm.s32 @!p0 $0x108  }
0x21: {  	s3 =	sadd.s32 s3, s9;
	s6 =	sadd.s32 @!p0 $0x88, s6;
	s7 =	simm.s32 @p2 $0x1082  }
0x22: {  	[simem:s7], [sflag:s8] =	dma.local @!p0 [hbm:s6], $0xF7A  }
0x23: {  	s9 =	sor.u32 $0xD0000000, s2;
	s6 =	simm.s32 $0x108;
	_ =	swait.ge @!p0 [sflag:s8], $0x0  }
0x24: {  	s3 =	sadd.s32 $0x88, s3;
	s6 =	simm.s32 @!p1 $0x1082;
	[sflag:s4] =	ssyncset.s32 $0xFFFFF086  }
0x25: {  	[simem:s6], [sflag:s4] =	dma.local [hbm:s3], $0xF7A  }
0x26: {  	[smem:$0x3F9F] =	sst s1;
	(tag) =	ssettag s2;
	_ =	strace s9  }
0x27: {  	s1 =	sld [smem:$0x3FAF]  }
0x28: {  	s2 =	sld [smem:$0x3FB0]  }
0x29: {  	s4 =	sld [smem:$0x3FB2]  }
0x2a: {  	p0 =	seq.s32 s5, $0x0;
	s5 =	sld [smem:$0x3FB3]  }
0x2b: {  	s6 =	sld [smem:$0x3FB4]  }
0x2c: {  	s7 =	sld [smem:$0x3FB5]  }
0x2d: {  	s3 =	simm.s32 $0x108;
	s8 =	sld [smem:$0x3FB6]  }
0x2e: {  	s3 =	simm.s32 @!p0 $0x1082;
	s9 =	sld [smem:$0x3FB7]  }
0x2f: {  	lr =	sadd.s32 s0, s3;
	s0 =	sld [smem:$0x3FAE]  }
0x30: {  	s3 =	sld [smem:$0x3FB1]  }
0x31: {  	[smem:$0x3FBA] =	sst s10  }
0x32: {  	s10 =	sld [smem:$0x3FB8];
	_ =	sdelay $0x3  }
0x33: {  	p0 =	seq.s32 s10, $0x1;
	s10 =	sld [smem:$0x3FBA];
	_ =	sdelay $0x3  }
0x34: {  	[smem:$0x3FBA] =	sst s10  }
0x35: {  	s10 =	sld [smem:$0x3FB9];
	_ =	sdelay $0x3  }
0x36: {  	p1 =	seq.s32 s10, $0x1;
	s10 =	sld [smem:$0x3FBA];
	_ =	sdelay $0x3  }
0x37: {  	[smem:$0x3FBA] =	sst s10  }
0x38: {  	s10 =	sld [smem:$0x3FBB]  }
0x39: {  	_ = 	snop;
	(pc) =	sbr.ind lr, $3  }
0x3a: {  	_ = 	snop  }
0x3b: {  	_ = 	snop  }
0x3c: {  	p2 =	seq.s32 s10, $0x1;
	s10 =	sld [smem:$0x3FBA]  }
0x3d: {  	_ =	shalt  }
0x3e: {  	_ =	shalt  }
0x3f: {  	_ =	shalt  }
0x40: {  	_ =	shalt  }
0x41: {  	_ =	shalt  }
0x42: {  	_ =	shalt  }
0x43: {  	_ =	shalt  }
0x44: {  	_ =	shalt  }
0x45: {  	_ =	shalt  }
0x46: {  	_ =	shalt  }
0x47: {  	_ =	shalt  }
0x48: {  	_ =	shalt  }
0x49: {  	_ =	shalt  }
0x4a: {  	_ =	shalt  }
0x4b: {  	_ =	shalt  }
0x4c: {  	_ =	shalt  }
0x4d: {  	_ =	shalt  }
0x4e: {  	_ =	shalt  }
0x4f: {  	_ =	shalt  }
0x50: {  	_ =	shalt  }
0x51: {  	_ =	shalt  }
0x52: {  	_ =	shalt  }
0x53: {  	_ =	shalt  }
0x54: {  	_ =	shalt  }
0x55: {  	_ =	shalt  }
0x56: {  	_ =	shalt  }
0x57: {  	_ =	shalt  }
0x58: {  	_ =	shalt  }
0x59: {  	_ =	shalt  }
0x5a: {  	_ =	shalt  }
0x5b: {  	_ =	shalt  }
0x5c: {  	_ =	shalt  }
0x5d: {  	_ =	shalt  }
0x5e: {  	_ =	shalt  }
0x5f: {  	_ =	shalt  }
0x60: {  	_ =	shalt  }
0x61: {  	_ =	shalt  }
0x62: {  	_ =	shalt  }
0x63: {  	_ =	shalt  }
0x64: {  	_ =	shalt  }
0x65: {  	_ =	shalt  }
0x66: {  	_ =	shalt  }
0x67: {  	_ =	shalt  }
0x68: {  	_ =	shalt  }
0x69: {  	_ =	shalt  }
0x6a: {  	_ =	shalt  }
0x6b: {  	_ =	shalt  }
0x6c: {  	_ =	shalt  }
0x6d: {  	_ =	shalt  }
0x6e: {  	_ =	shalt  }
0x6f: {  	_ =	shalt  }
0x70: {  	_ =	shalt  }
0x71: {  	_ =	shalt  }
0x72: {  	_ =	shalt  }
0x73: {  	_ =	shalt  }
0x74: {  	_ =	shalt  }
0x75: {  	_ =	shalt  }
0x76: {  	_ =	shalt  }
0x77: {  	_ =	shalt  }
0x78: {  	_ =	shalt  }
0x79: {  	_ =	shalt  }
0x7a: {  	_ =	shalt  }
0x7b: {  	_ =	shalt  }
0x7c: {  	_ =	shalt  }
0x7d: {  	_ =	shalt  }
0x7e: {  	_ =	shalt  }
0x7f: {  	_ =	shalt  }
0x80: {  	_ =	shalt  }
0x81: {  	_ =	shalt  }
0x82: {  	_ =	shalt  }
0x83: {  	_ =	shalt  }
0x84: {  	_ =	shalt  }
0x85: {  	_ =	shalt  }
0x86: {  	_ =	shalt  }
0x87: {  	_ =	shalt  }
.Lfunc_end0:
.L_simem_size_0:
called_computation_lowered:
.L_overlay_start_0:
0x88: {  	s2 =	sld [smem:$0x3FD9]  }
0x89: {  	s3 =	sld [smem:$0x3FFE];
	_ =	sdelay $0x1  }
0x8a: {  	s1 =	srdreg.scid  }
0x8b: {  	s0 =	sand.u32 $0x1, s1  }
0x8c: {  	s18 =	sshll.u32 s0, $0xA;
	s2 =	sadd.s32 s3, s2  }
0x8d: {  	s2 =	sadd.s32 s2, s18  }
0x8e: {  	[smem:$0x3FC6] =	sst s2  }
0x8f: {  	_ = 	snop  }
0x90: {  	s2 =	sld [smem:$0x3FC9]  }
0x91: {  	s19 =	sld [smem:$0x3FC8]  }
0x92: {  	s4 =	sld [smem:$0x3FD0];
	(tm) =	ssettm $0x1  }
0x93: {  	s5 =	sld [smem:$0x3FFB];
	_ =	sdelay $0x3  }
0x94: {  	_ =	strace s5  }
0x95: {  	s5 =	sld [smem:$0x3FFC];
	_ =	sdelay $0x3  }
0x96: {  	_ =	strace s5  }
0x97: {  	s5 =	sld [smem:$0x3FFD];
	_ =	sdelay $0x3  }
0x98: {  	_ =	strace s5  }
0x99: {  	_ =	strace $0x8FFFFFFF  }
0x9a: {  	s20 =	sld [smem:$0x3FDB];
	_ =	sdelay $0x1  }
0x9b: {  	s6 =	simm.s32 $_scs_section_size  }
0x9c: {  	s7 =	simm.s32 $_size__tile_overlayer_lowered;
	s8 =	simm.s32 $_tile_overlayer_lowered  }
0x9d: {  	s23 =	simm.s32 $0x1BFF;
	s22 =	sshll.u32 s8, $0x1;
	s5 =	sadd.s32 s6, s20  }
0x9e: {  	s9 =	simm.s32 $0x0;
	s21 =	sshll.u32 s7, $0x1;
	s7 =	sadd.s32 s22, s5  }
0x9f: {  	[timem:s9], [sflag:s23] =	dma.local [hbm:s7], s21  }
0xa0: {  	_ =	swait.ge [sflag:s23], s21  }
0xa1: {  	s6 =	ssub.s32 $0x0, s21;
	[sflag:s23] =	ssyncset.done $0x0  }
0xa2: {  	[sflag:s23] =	ssyncadd.s32 s6;
	_ =	sdelay $0x1  }
0xa3: {  	s24 =	simm.s32 $0x1B8B  }
0xa4: {  	_ =	swait.ge [sflag:s24], $0x1  }
0xa5: {  	[sflag:s24] =	ssyncset.done $0x0  }
0xa6: {  	s25 =	simm.s32 $0x1B8E;
	[sflag:s24] =	ssyncadd.s32 $0xFFFFFFFF  }
0xa7: {  	s26 =	simm.s32 $execute0_lowered;
	[smem:$0x3FD2] =	sst s25  }
0xa8: {  	s6 =	sshll.u32 s26, $0x1;
	_ =	strace $0x80000046;
	[dreg:$0x1] =	wrdreg $0xFFFFFFFF  }
0xa9: {  	s28 =	simm.s32 $_size_execute0_lowered;
	s5 =	sadd.s32 s5, s6;
	[dreg:$0x0] =	wrdreg $0x0  }
0xaa: {  	s6 =	sshll.u32 s28, $0x1;
	[dreg:$0x2] =	wrdreg s5  }
0xab: {  	[dreg:$0x3] =	wrdreg s6  }
0xac: {  	[dreg:$0x4] =	wrdreg $0xC0  }
0xad: {  	_ =	task [dreg:s9], $0x5FFFF  }
0xae: {  	[dreg:$0x1] =	wrdreg $0xFFFFFFFF  }
0xaf: {  	[dreg:$0x0] =	wrdreg $0x60  }
0xb0: {  	[dreg:$0x2] =	wrdreg s2  }
0xb1: {  	[dreg:$0x3] =	wrdreg s19  }
0xb2: {  	[dreg:$0x4] =	wrdreg s4  }
0xb3: {  	[dreg:$0x5] =	wrdreg $0x9  }
0xb4: {  	_ =	task.clear_ibuf [dreg:s9], $0x6FFFF;
	_ =	strace $0x90000046  }
0xb5: {  	s29 =	simm.s32 $0x9;
	_ =	strace $0x80000048  }
0xb6: {  	_ =	swait.ge [sflag:s29], $0x1  }
0xb7: {  	[sflag:s29] =	ssyncadd.s32 $0xFFFFFFFF  }
0xb8: {  	_ =	strace $0x90000048  }
0xb9: {  	_ =	sfence  }
0xba: {  	s30 =	sld [smem:$0x0];
	_ =	sdelay $0x2  }
0xbb: {  	s31 =	sshll.u32 s1, $0xD;
	s1 =	sshrl.u32 s1, $0x2  }
0xbc: {  	s3 =	sand.u32 $0x4000, s31;
	s1 =	sadd.s32 s1, s30  }
0xbd: {  	s0 =	sor.u32 s3, s0;
	s1 =	sshll.u32 s1, $0x11  }
0xbe: {  	s0 =	sor.u32 s1, s0  }
0xbf: {  	s0 =	sadd.s32 $0x8F2B, s0  }
0xc0: {  	[sflag:s0] =	ssyncadd.remote.s32 $0x1  }
0xc1: {  	_ =	sfence.sel $0xFFFF  }
0xc2: {  	[dreg:$0x0] =	wrdreg $0xFFFFFFFF;
	(pc) =	sbr.abs _section_cstart, $3  }
0xc3: {  	[dreg:$0x1] =	wrdreg $0xFFFFFFFF  }
0xc4: {  	_ =	task.clear_ibuf [dreg:s9], $0x2FFFF;
	_ =	strace $0x9FFFFFFF  }
0xc5: {  	(tm) =	ssettm $0x7FFFFFFF  }
tec
execute0_lowered:
.L_overlay_start_1:
0x0: {  	(tag) =	ssettag $0x1  }
0x1: {  	s0 =	rddreg [dreg:$0x0]  }
0x2: {  	s2 =	rddreg [dreg:$0x1]  }
0x3: {  	s1 =	rddreg [dreg:$0x2];
	s3 =	srdreg.scid  }
0x4: {  	s9 =	stileid.u32;
	s20 =	simm.s32 $0xC400;
	s14 =	simm.s32 $0xCC00  }
0x5: {  	s21 =	simm.s32 $0xD400;
	s18 =	simm.s32 $0xDC00;
	s15 =	simm.s32 $0x80  }
0x6: {  	s16 =	simm.s32 $0x1000;
	s19 =	simm.s32 $0x5;
	s17 =	simm.s32 $0x7  }
0x7: {  	s31 =	simm.s32 $0xE;
	s30 =	simm.s32 $0xF;
	s29 =	simm.s32 $0xE400  }
0x8: {  	s28 =	simm.s32 $0xFC00;
	s4 =	sand.u32 $0x1, s3;
	s3 =	simm.s32 $0x0  }
0x9: {  	s5 =	sshll.u32 s9, $0x9;
	s25 =	sshll.u32 s9, $0x12;
	s6 =	sshll.u32 s4, $0x8  }
0xa: {  	[smem:$0x7FF] =	sst s3;
	s7 =	ssub.s32 $0x2, s4;
	s26 =	sshll.u32 s4, $0x11  }
0xb: {  	s4 =	simm.s32 $0x0;
	s5 =	sor.u32 s6, s5;
	_ =	strace $0x80000047  }
0xc: {  	s24 =	sshrl.u32 s7, $0x1;
	s6 =	sadd.s32 $0x200, s2;
	s5 =	sshrl.u32 s5, $0x1  }
.Ltmp0:
0xd: {  	s8 =	ssub.s32 s7, s24;
	s0 =	sadd.s32 s0, s5;
	(pc) =	sbr.rel .LBB2_1-.Ltmp0, $4  }
0xe: {  	s7 =	sadd.s32 $0x300, s2;
	s8 =	smax.u32 s8, $0x1;
	[dreg:$0x4] =	wrdreg s0  }
0xf: {  	v0 =	vlaneseq.u32;
	s5 =	sadd.s32 $0x100, s2;
	[dreg:$0x5] =	wrdreg s8;
	s0 =	sadd.s32 s25, s1  }
0x10: {  	v1 =	vshrl.u32 v0, $0x3;
	s25 =	simm.s32 $0xC;
	s8 =	simm.s32 $0xD;
	s0 =	sadd.s32 s26, s0  }
0x11: {  	vm0 =	vmmov $0xffff;
	v0 =	vand.u32 $0x7, v0;
	v1 =	vmul.u32 $0x8, v1;
	s26 =	simm.s32 $0x6;
	[dreg:$0x6] =	wrdreg s0;
	s0 =	simm.s32 $0x8  }
.LBB2_4:
0x12: {  	s1 =	simm.s32 $0x10  }
0x13: {  	_ =	swait.ge [sflag:s1], $0x2000  }
0x14: {  	s4 =	rddreg [dreg:$0x7]  }
0x15: {  	s9 =	rddreg [dreg:$0x5];
	s4 =	sadd.s32 $0x1, s4  }
0x16: {  	p0 =	sne.s32 s4, s9  }
.Ltmp1:
0x17: {  	_ = 	snop;
	(pc) =	sbr.rel @!p0 .LBB2_5-.Ltmp1, $3  }
0x18: {  	_ =	sdelay $0x1  }
0x19: {  	[sflag:s1] =	ssyncset.done $0x0  }
0x1a: {  	[sflag:s1] =	ssyncadd.s32 $0xFFFFE000  }
.LBB2_1:
0x1b: {  	[dreg:$0x7] =	wrdreg s4  }
0x1c: {  	s9 =	rddreg [dreg:$0x4];
	s10 =	simm.s32 $0x11  }
0x1d: {  	[tilespmem:s3], [sflag:$0x11] =	stream.linear.gather [hbm4b:s9+s3], $0x400, $0x38;
	[tilespmem:$0x10400] =	vst v63  }
0x1e: {  	_ =	swait.ge [sflag:s10], $0x400  }
0x1f: {  	[sflag:s10] =	ssyncset.done $0x0  }
0x20: {  	[sflag:s10] =	ssyncadd.s32 $0xFFFFFC00  }
0x21: {  	v2 =	vld.msk [tilespmem:$0x0], $0xff;
	_ =	sdelay $0x4  }
0x22: {  	v3 =	vshll.u32 v2, $0x3  }
0x23: {  	v2 =	vand.u32 $0x7, v2;
	v3 =	vand.u32 $0xFFFFFFC0, v3  }
0x24: {  	v2 =	vor.u32 v2, v3  }
0x25: {  	v2 =	vperm.xlane v2, v0;
	_ =	sdelay $0x1  }
0x26: {  	v2 =	vadd.s32 v1, v2;
	_ =	sdelay $0x3  }
0x27: {  	s11 =	simm.s32 $0x400  }
0x28: {  	[tilespmem:s11], [sflag:$0x1] =	stream.indirect_vreg.gather [hbm4b:s2+s3], $0x80, v2, vm0, $0xb8;
	[tilespmem:$0x10400] =	vst v63  }
0x29: {  	s12 =	simm.s32 $0xC00  }
0x2a: {  	[tilespmem:s12], [sflag:$0x1] =	stream.indirect_vreg.gather [hbm4b:s5+s3], $0x80, v2, vm0, $0xb8;
	[tilespmem:$0x10400] =	vst v63  }
0x2b: {  	s13 =	simm.s32 $0x1400  }
0x2c: {  	[tilespmem:s13], [sflag:$0x1] =	stream.indirect_vreg.gather [hbm4b:s6+s3], $0x80, v2, vm0, $0xb8;
	[tilespmem:$0x10400] =	vst v63  }
0x2d: {  	s22 =	simm.s32 $0x1C00  }
0x2e: {  	[tilespmem:s22], [sflag:$0x1] =	stream.indirect_vreg.gather [hbm4b:s7+s3], $0x80, v2, vm0, $0xb8;
	[tilespmem:$0x10400] =	vst v63  }
0x2f: {  	v2 =	vld.msk [tilespmem:$0x80], $0xff;
	_ =	sdelay $0x4  }
0x30: {  	v3 =	vshll.u32 v2, $0x3  }
0x31: {  	v2 =	vand.u32 $0x7, v2;
	v3 =	vand.u32 $0xFFFFFFC0, v3  }
0x32: {  	v2 =	vor.u32 v2, v3  }
0x33: {  	v2 =	vperm.xlane v2, v0;
	_ =	sdelay $0x1  }
0x34: {  	v2 =	vadd.s32 v1, v2;
	_ =	sdelay $0x3  }
0x35: {  	s23 =	simm.s32 $0x2400  }
0x36: {  	[tilespmem:s23], [sflag:$0x2] =	stream.indirect_vreg.gather [hbm4b:s2+s3], $0x80, v2, vm0, $0xb8;
	[tilespmem:$0x10400] =	vst v63  }
0x37: {  	s24 =	simm.s32 $0x2C00  }
0x38: {  	[tilespmem:s24], [sflag:$0x2] =	stream.indirect_vreg.gather [hbm4b:s5+s3], $0x80, v2, vm0, $0xb8;
	[tilespmem:$0x10400] =	vst v63  }
0x39: {  	s1 =	simm.s32 $0x3400  }
0x3a: {  	[tilespmem:s1], [sflag:$0x2] =	stream.indirect_vreg.gather [hbm4b:s6+s3], $0x80, v2, vm0, $0xb8;
	[tilespmem:$0x10400] =	vst v63  }
0x3b: {  	s4 =	simm.s32 $0x3C00  }
0x3c: {  	[tilespmem:s4], [sflag:$0x2] =	stream.indirect_vreg.gather [hbm4b:s7+s3], $0x80, v2, vm0, $0xb8;
	[tilespmem:$0x10400] =	vst v63  }
0x3d: {  	v2 =	vld.msk [tilespmem:$0x100], $0xff;
	_ =	sdelay $0x4  }
0x3e: {  	v3 =	vshll.u32 v2, $0x3  }
0x3f: {  	v2 =	vand.u32 $0x7, v2;
	v3 =	vand.u32 $0xFFFFFFC0, v3  }
0x40: {  	v2 =	vor.u32 v2, v3  }
0x41: {  	v2 =	vperm.xlane v2, v0;
	_ =	sdelay $0x1  }
0x42: {  	v2 =	vadd.s32 v1, v2;
	_ =	sdelay $0x3  }
0x43: {  	s10 =	simm.s32 $0x4400  }
0x44: {  	[tilespmem:s10], [sflag:$0x3] =	stream.indirect_vreg.gather [hbm4b:s2+s3], $0x80, v2, vm0, $0xb8;
	[tilespmem:$0x10400] =	vst v63  }
0x45: {  	s11 =	simm.s32 $0x4C00  }
0x46: {  	[tilespmem:s11], [sflag:$0x3] =	stream.indirect_vreg.gather [hbm4b:s5+s3], $0x80, v2, vm0, $0xb8;
	[tilespmem:$0x10400] =	vst v63  }
0x47: {  	s12 =	simm.s32 $0x5400  }
0x48: {  	[tilespmem:s12], [sflag:$0x3] =	stream.indirect_vreg.gather [hbm4b:s6+s3], $0x80, v2, vm0, $0xb8;
	[tilespmem:$0x10400] =	vst v63  }
0x49: {  	s13 =	simm.s32 $0x5C00  }
0x4a: {  	[tilespmem:s13], [sflag:$0x3] =	stream.indirect_vreg.gather [hbm4b:s7+s3], $0x80, v2, vm0, $0xb8;
	[tilespmem:$0x10400] =	vst v63  }
0x4b: {  	v2 =	vld.msk [tilespmem:$0x180], $0xff;
	_ =	sdelay $0x4  }
0x4c: {  	v3 =	vshll.u32 v2, $0x3  }
0x4d: {  	v2 =	vand.u32 $0x7, v2;
	v3 =	vand.u32 $0xFFFFFFC0, v3  }
0x4e: {  	v2 =	vor.u32 v2, v3  }
0x4f: {  	v2 =	vperm.xlane v2, v0;
	_ =	sdelay $0x1  }
0x50: {  	v2 =	vadd.s32 v1, v2;
	_ =	sdelay $0x3  }
0x51: {  	s22 =	simm.s32 $0x6400  }
0x52: {  	[tilespmem:s22], [sflag:$0x4] =	stream.indirect_vreg.gather [hbm4b:s2+s3], $0x80, v2, vm0, $0xb8;
	[tilespmem:$0x10400] =	vst v63  }
0x53: {  	s23 =	simm.s32 $0x6C00  }
0x54: {  	[tilespmem:s23], [sflag:$0x4] =	stream.indirect_vreg.gather [hbm4b:s5+s3], $0x80, v2, vm0, $0xb8;
	[tilespmem:$0x10400] =	vst v63  }
0x55: {  	s24 =	simm.s32 $0x7400  }
0x56: {  	[tilespmem:s24], [sflag:$0x4] =	stream.indirect_vreg.gather [hbm4b:s6+s3], $0x80, v2, vm0, $0xb8;
	[tilespmem:$0x10400] =	vst v63  }
0x57: {  	s1 =	simm.s32 $0x7C00  }
0x58: {  	[tilespmem:s1], [sflag:$0x4] =	stream.indirect_vreg.gather [hbm4b:s7+s3], $0x80, v2, vm0, $0xb8;
	[tilespmem:$0x10400] =	vst v63  }
0x59: {  	v2 =	vld.msk [tilespmem:$0x8], $0xff;
	_ =	sdelay $0x4  }
0x5a: {  	v3 =	vshll.u32 v2, $0x3  }
0x5b: {  	v2 =	vand.u32 $0x7, v2;
	v3 =	vand.u32 $0xFFFFFFC0, v3  }
0x5c: {  	v2 =	vor.u32 v2, v3  }
0x5d: {  	v2 =	vperm.xlane v2, v0;
	_ =	sdelay $0x1  }
0x5e: {  	v2 =	vadd.s32 v1, v2;
	_ =	sdelay $0x3  }
0x5f: {  	s4 =	simm.s32 $0x8400  }
0x60: {  	[tilespmem:s4], [sflag:$0x5] =	stream.indirect_vreg.gather [hbm4b:s2+s3], $0x80, v2, vm0, $0xb8;
	[tilespmem:$0x10400] =	vst v63  }
0x61: {  	s10 =	simm.s32 $0x8C00  }
0x62: {  	[tilespmem:s10], [sflag:$0x5] =	stream.indirect_vreg.gather [hbm4b:s5+s3], $0x80, v2, vm0, $0xb8;
	[tilespmem:$0x10400] =	vst v63  }
0x63: {  	s11 =	simm.s32 $0x9400  }
0x64: {  	[tilespmem:s11], [sflag:$0x5] =	stream.indirect_vreg.gather [hbm4b:s6+s3], $0x80, v2, vm0, $0xb8;
	[tilespmem:$0x10400] =	vst v63  }
0x65: {  	s12 =	simm.s32 $0x9C00  }
0x66: {  	[tilespmem:s12], [sflag:$0x5] =	stream.indirect_vreg.gather [hbm4b:s7+s3], $0x80, v2, vm0, $0xb8;
	[tilespmem:$0x10400] =	vst v63  }
0x67: {  	v2 =	vld.msk [tilespmem:$0x88], $0xff;
	_ =	sdelay $0x4  }
0x68: {  	v3 =	vshll.u32 v2, $0x3  }
0x69: {  	v2 =	vand.u32 $0x7, v2;
	v3 =	vand.u32 $0xFFFFFFC0, v3  }
0x6a: {  	v2 =	vor.u32 v2, v3  }
0x6b: {  	v2 =	vperm.xlane v2, v0;
	_ =	sdelay $0x1  }
0x6c: {  	v2 =	vadd.s32 v1, v2;
	_ =	sdelay $0x3  }
0x6d: {  	s13 =	simm.s32 $0xA400  }
0x6e: {  	[tilespmem:s13], [sflag:$0x6] =	stream.indirect_vreg.gather [hbm4b:s2+s3], $0x80, v2, vm0, $0xb8;
	[tilespmem:$0x10400] =	vst v63  }
0x6f: {  	s22 =	simm.s32 $0xAC00  }
0x70: {  	[tilespmem:s22], [sflag:$0x6] =	stream.indirect_vreg.gather [hbm4b:s5+s3], $0x80, v2, vm0, $0xb8;
	[tilespmem:$0x10400] =	vst v63  }
0x71: {  	s23 =	simm.s32 $0xB400  }
0x72: {  	[tilespmem:s23], [sflag:$0x6] =	stream.indirect_vreg.gather [hbm4b:s6+s3], $0x80, v2, vm0, $0xb8;
	[tilespmem:$0x10400] =	vst v63  }
0x73: {  	s24 =	simm.s32 $0xBC00  }
0x74: {  	[tilespmem:s24], [sflag:$0x6] =	stream.indirect_vreg.gather [hbm4b:s7+s3], $0x80, v2, vm0, $0xb8;
	[tilespmem:$0x10400] =	vst v63  }
0x75: {  	v2 =	vld.msk [tilespmem:$0x108], $0xff;
	_ =	sdelay $0x4  }
0x76: {  	v3 =	vshll.u32 v2, $0x3  }
0x77: {  	v2 =	vand.u32 $0x7, v2;
	v3 =	vand.u32 $0xFFFFFFC0, v3  }
0x78: {  	v2 =	vor.u32 v2, v3  }
0x79: {  	v2 =	vperm.xlane v2, v0;
	_ =	sdelay $0x1  }
0x7a: {  	v2 =	vadd.s32 v1, v2;
	_ =	sdelay $0x4  }
0x7b: {  	[tilespmem:s20], [sflag:$0x7] =	stream.indirect_vreg.gather [hbm4b:s2+s3], $0x80, v2, vm0, $0xb8;
	[tilespmem:$0x10400] =	vst v63  }
0x7c: {  	_ = 	snop  }
0x7d: {  	[tilespmem:s14], [sflag:$0x7] =	stream.indirect_vreg.gather [hbm4b:s5+s3], $0x80, v2, vm0, $0xb8;
	[tilespmem:$0x10400] =	vst v63  }
0x7e: {  	s9 =	simm.s32 $0x18  }
0x7f: {  	[tilespmem:s21], [sflag:$0x7] =	stream.indirect_vreg.gather [hbm4b:s6+s3], $0x80, v2, vm0, $0xb8;
	[tilespmem:$0x10400] =	vst v63  }
0x80: {  	s10 =	simm.s32 $0x0;
	s11 =	simm.s32 $0x0;
	s23 =	simm.s32 $0xC400  }
0x81: {  	[tilespmem:s18], [sflag:$0x7] =	stream.indirect_vreg.gather [hbm4b:s7+s3], $0x80, v2, vm0, $0xb8;
	[tilespmem:$0x10400] =	vst v63  }
0x82: {  	s24 =	simm.s32 $0xD400;
	s14 =	simm.s32 $0xCC00;
	s18 =	simm.s32 $0xDC00  }
.LBB2_2:
0x83: {  	s12 =	simm.s32 $0x1  }
0x84: {  	_ =	swait.ge [sflag:s12], $0x2000  }
0x85: {  	[sflag:s12] =	ssyncset.done $0x0;
	s1 =	rddreg [dreg:$0x6]  }
0x86: {  	s13 =	simm.s32 $0x400;
	[sflag:s12] =	ssyncadd.s32 $0xFFFFE000;
	s12 =	sadd.s32 s11, s1  }
0x87: {  	[hbm4b:s12+s15] =	stream.strided.scatter [tilespmem:s13], [sflag:$0x9], $0x400, s16, s15, $0x38;
	[tilespmem:$0x10400] =	vst v63  }
0x88: {  	s20 =	simm.s32 $0x800;
	s4 =	sadd.s32 $0x40, s12  }
0x89: {  	[hbm4b:s4+s15] =	stream.strided.scatter [tilespmem:s20], [sflag:$0x9], $0x400, s16, s15, $0x38;
	[tilespmem:$0x10400] =	vst v63  }
0x8a: {  	s21 =	simm.s32 $0xC00;
	s20 =	sadd.s32 $0x80, s12  }
0x8b: {  	[hbm4b:s20+s15] =	stream.strided.scatter [tilespmem:s21], [sflag:$0x9], $0x400, s16, s15, $0x38;
	[tilespmem:$0x10400] =	vst v63  }
0x8c: {  	s22 =	sadd.s32 $0xC0, s12  }
0x8d: {  	[hbm4b:s22+s15] =	stream.strided.scatter [tilespmem:s16], [sflag:$0x9], $0x400, s16, s15, $0x38;
	[tilespmem:$0x10400] =	vst v63  }
0x8e: {  	s1 =	sadd.s32 $0x100, s12;
	s4 =	simm.s32 $0x1400  }
0x8f: {  	[hbm4b:s1+s15] =	stream.strided.scatter [tilespmem:s4], [sflag:$0x9], $0x400, s16, s15, $0x38;
	[tilespmem:$0x10400] =	vst v63  }
0x90: {  	p0 =	seq.s32 s11, $0x0;
	s21 =	sadd.s32 $0x140, s12;
	s22 =	simm.s32 $0x1800  }
0x91: {  	[hbm4b:s21+s15] =	stream.strided.scatter [tilespmem:s22], [sflag:$0x9], $0x400, s16, s15, $0x38;
	[tilespmem:$0x10400] =	vst v63  }
0x92: {  	s13 =	simm.s32 @!p0 $0x10;
	s1 =	sadd.s32 $0x180, s12;
	s4 =	simm.s32 $0x1C00  }
0x93: {  	[hbm4b:s1+s15] =	stream.strided.scatter [tilespmem:s4], [sflag:$0x9], $0x400, s16, s15, $0x38;
	[tilespmem:$0x10400] =	vst v63  }
0x94: {  	s21 =	sadd.s32 $0x1C0, s12;
	s22 =	simm.s32 $0x2000;
	s1 =	sadd.s32 $0xFFFFFFF0, s9  }
0x95: {  	[hbm4b:s21+s15] =	stream.strided.scatter [tilespmem:s22], [sflag:$0x9], $0x400, s16, s15, $0x38;
	[tilespmem:$0x10400] =	vst v63  }
0x96: {  	s20 =	sand.u32 $0x78, s1;
	s21 =	sand.u32 $0x200, s10;
	_ =	swait.ge @!p0 [sflag:s13], $0x2000  }
0x97: {  	s20 =	sor.u32 s20, s21;
	[sflag:s13] =	ssyncset.done @!p0 $0x0  }
0x98: {  	s4 =	sor.u32 $0x180, s20;
	[sflag:s13] =	ssyncadd.s32 @!p0 $0xFFFFE000  }
0x99: {  	v2 =	vld.msk [tilespmem:s4+$0x0], $0xff;
	_ =	sdelay $0x4  }
0x9a: {  	v3 =	vshll.u32 v2, $0x3  }
0x9b: {  	v2 =	vand.u32 $0x7, v2;
	v3 =	vand.u32 $0xFFFFFFC0, v3  }
0x9c: {  	v2 =	vor.u32 v2, v3  }
0x9d: {  	v2 =	vperm.xlane v2, v0;
	_ =	sdelay $0x1  }
0x9e: {  	v2 =	vadd.s32 v1, v2;
	_ =	sdelay $0x4  }
0x9f: {  	[tilespmem:s29], [sflag:$0x8] =	stream.indirect_vreg.gather [hbm4b:s2+s3], $0x80, v2, vm0, $0xb8;
	[tilespmem:$0x10400] =	vst v63  }
0xa0: {  	s1 =	simm.s32 $0xEC00  }
0xa1: {  	[tilespmem:s1], [sflag:$0x8] =	stream.indirect_vreg.gather [hbm4b:s5+s3], $0x80, v2, vm0, $0xb8;
	[tilespmem:$0x10400] =	vst v63  }
0xa2: {  	s4 =	simm.s32 $0xF400  }
0xa3: {  	[tilespmem:s4], [sflag:$0x8] =	stream.indirect_vreg.gather [hbm4b:s6+s3], $0x80, v2, vm0, $0xb8;
	[tilespmem:$0x10400] =	vst v63  }
0xa4: {  	s20 =	simm.s32 $0x2  }
0xa5: {  	[tilespmem:s28], [sflag:$0x8] =	stream.indirect_vreg.gather [hbm4b:s7+s3], $0x80, v2, vm0, $0xb8;
	[tilespmem:$0x10400] =	vst v63  }
0xa6: {  	_ =	swait.ge [sflag:s20], $0x2000  }
0xa7: {  	[sflag:s20] =	ssyncset.done $0x0  }
0xa8: {  	s22 =	simm.s32 $0x2400;
	s21 =	sadd.s32 $0x10, s12;
	[sflag:s20] =	ssyncadd.s32 $0xFFFFE000  }
0xa9: {  	[hbm4b:s21+s15] =	stream.strided.scatter [tilespmem:s22], [sflag:$0xA], $0x400, s16, s15, $0x38;
	[tilespmem:$0x10400] =	vst v63  }
0xaa: {  	s21 =	sadd.s32 $0x50, s12;
	s22 =	simm.s32 $0x2800  }
0xab: {  	[hbm4b:s21+s15] =	stream.strided.scatter [tilespmem:s22], [sflag:$0xA], $0x400, s16, s15, $0x38;
	[tilespmem:$0x10400] =	vst v63  }
0xac: {  	s21 =	sadd.s32 $0x90, s12;
	s22 =	simm.s32 $0x2C00  }
0xad: {  	[hbm4b:s21+s15] =	stream.strided.scatter [tilespmem:s22], [sflag:$0xA], $0x400, s16, s15, $0x38;
	[tilespmem:$0x10400] =	vst v63  }
0xae: {  	s21 =	sadd.s32 $0xD0, s12;
	s22 =	simm.s32 $0x3000  }
0xaf: {  	[hbm4b:s21+s15] =	stream.strided.scatter [tilespmem:s22], [sflag:$0xA], $0x400, s16, s15, $0x38;
	[tilespmem:$0x10400] =	vst v63  }
0xb0: {  	s21 =	sadd.s32 $0x110, s12;
	s22 =	simm.s32 $0x3400  }
0xb1: {  	[hbm4b:s21+s15] =	stream.strided.scatter [tilespmem:s22], [sflag:$0xA], $0x400, s16, s15, $0x38;
	[tilespmem:$0x10400] =	vst v63  }
0xb2: {  	s21 =	sadd.s32 $0x150, s12;
	s22 =	simm.s32 $0x3800  }
0xb3: {  	[hbm4b:s21+s15] =	stream.strided.scatter [tilespmem:s22], [sflag:$0xA], $0x400, s16, s15, $0x38;
	[tilespmem:$0x10400] =	vst v63  }
0xb4: {  	p0 =	seq.s32 s11, $0x1E000;
	s21 =	sadd.s32 $0x190, s12;
	s22 =	simm.s32 $0x3C00  }
0xb5: {  	[hbm4b:s21+s15] =	stream.strided.scatter [tilespmem:s22], [sflag:$0xA], $0x400, s16, s15, $0x38;
	[tilespmem:$0x10400] =	vst v63  }
0xb6: {  	s20 =	sadd.s32 $0x1D0, s12;
	s21 =	simm.s32 $0x4000;
	s22 =	simm.s32 $0x9  }
0xb7: {  	[hbm4b:s20+s15] =	stream.strided.scatter [tilespmem:s21], [sflag:$0xA], $0x400, s16, s15, $0x38;
	[tilespmem:$0x10400] =	vst v63  }
0xb8: {  	s13 =	sadd.s32 @!p0 $0xFFFFFFF8, s9;
	s20 =	sadd.s32 @!p0 $0x40, s10;
	_ =	swait.ge [sflag:s22], $0x2000  }
0xb9: {  	s13 =	sand.u32 @!p0 $0x70, s13;
	s20 =	sand.u32 @!p0 $0x600, s20;
	[sflag:s22] =	ssyncset.done $0x0  }
0xba: {  	s20 =	sor.u32 @!p0 s13, s20;
	[sflag:s22] =	ssyncadd.s32 $0xFFFFE000  }
0xbb: {  	v2 =	vld.msk @!p0 [tilespmem:s20+$0x0], $0xff;
	_ =	sdelay $0x4  }
0xbc: {  	v3 =	vshll.u32 @!p0 v2, $0x3  }
0xbd: {  	v4 =	vlaneseq.u32 @!p0;
	v2 =	vand.u32 @!p0 $0x7, v2;
	v3 =	vand.u32 @!p0 $0xFFFFFFC0, v3  }
0xbe: {  	v3 =	vor.u32 @!p0 v2, v3;
	v2 =	vand.u32 @!p0 $0x7, v4;
	v4 =	vshrl.u32 @!p0 v4, $0x3  }
0xbf: {  	v5 =	vperm.xlane @!p0 v3, v2;
	v3 =	vmul.u32 @!p0 $0x8, v4;
	_ =	sdelay $0x1  }
0xc0: {  	v4 =	vadd.s32 @!p0 v3, v5;
	_ =	sdelay $0x3  }
0xc1: {  	vm1 =	vmmov @!p0 $0xffff;
	s21 =	simm.s32 @!p0 $0x400;
	s13 =	simm.s32 @!p0 $0x0  }
0xc2: {  	[tilespmem:s21], [sflag:$0x1] =	stream.indirect_vreg.gather @!p0 [hbm4b:s2+s13], $0x80, v4, vm1, $0xb8;
	[tilespmem:$0x10400] =	vst v63  }
0xc3: {  	s21 =	simm.s32 @!p0 $0xC00  }
0xc4: {  	[tilespmem:s21], [sflag:$0x1] =	stream.indirect_vreg.gather @!p0 [hbm4b:s5+s13], $0x80, v4, vm1, $0xb8;
	[tilespmem:$0x10400] =	vst v63  }
0xc5: {  	s21 =	simm.s32 @!p0 $0x1400  }
0xc6: {  	[tilespmem:s21], [sflag:$0x1] =	stream.indirect_vreg.gather @!p0 [hbm4b:s6+s13], $0x80, v4, vm1, $0xb8;
	[tilespmem:$0x10400] =	vst v63  }
0xc7: {  	s22 =	simm.s32 $0x3;
	s21 =	simm.s32 @!p0 $0x1C00  }
0xc8: {  	[tilespmem:s21], [sflag:$0x1] =	stream.indirect_vreg.gather @!p0 [hbm4b:s7+s13], $0x80, v4, vm1, $0xb8;
	[tilespmem:$0x10400] =	vst v63  }
0xc9: {  	_ =	swait.ge [sflag:s22], $0x2000  }
0xca: {  	[sflag:s22] =	ssyncset.done $0x0  }
0xcb: {  	s21 =	sadd.s32 $0x20, s12;
	[sflag:s22] =	ssyncadd.s32 $0xFFFFE000;
	s22 =	simm.s32 $0x4400  }
0xcc: {  	[hbm4b:s21+s15] =	stream.strided.scatter [tilespmem:s22], [sflag:$0xB], $0x400, s16, s15, $0x38;
	[tilespmem:$0x10400] =	vst v63  }
0xcd: {  	s21 =	sadd.s32 $0x60, s12;
	s22 =	simm.s32 $0x4800  }
0xce: {  	[hbm4b:s21+s15] =	stream.strided.scatter [tilespmem:s22], [sflag:$0xB], $0x400, s16, s15, $0x38;
	[tilespmem:$0x10400] =	vst v63  }
0xcf: {  	s21 =	sadd.s32 $0xA0, s12;
	s22 =	simm.s32 $0x4C00  }
0xd0: {  	[hbm4b:s21+s15] =	stream.strided.scatter [tilespmem:s22], [sflag:$0xB], $0x400, s16, s15, $0x38;
	[tilespmem:$0x10400] =	vst v63  }
0xd1: {  	s21 =	sadd.s32 $0xE0, s12;
	s22 =	simm.s32 $0x5000  }
0xd2: {  	[hbm4b:s21+s15] =	stream.strided.scatter [tilespmem:s22], [sflag:$0xB], $0x400, s16, s15, $0x38;
	[tilespmem:$0x10400] =	vst v63  }
0xd3: {  	s21 =	sadd.s32 $0x120, s12;
	s22 =	simm.s32 $0x5400  }
0xd4: {  	[hbm4b:s21+s15] =	stream.strided.scatter [tilespmem:s22], [sflag:$0xB], $0x400, s16, s15, $0x38;
	[tilespmem:$0x10400] =	vst v63  }
0xd5: {  	s21 =	sadd.s32 $0x160, s12;
	s22 =	simm.s32 $0x5800  }
0xd6: {  	[hbm4b:s21+s15] =	stream.strided.scatter [tilespmem:s22], [sflag:$0xB], $0x400, s16, s15, $0x38;
	[tilespmem:$0x10400] =	vst v63  }
0xd7: {  	s21 =	sadd.s32 $0x1A0, s12;
	s22 =	simm.s32 $0x5C00  }
0xd8: {  	[hbm4b:s21+s15] =	stream.strided.scatter [tilespmem:s22], [sflag:$0xB], $0x400, s16, s15, $0x38;
	[tilespmem:$0x10400] =	vst v63  }
0xd9: {  	s21 =	sadd.s32 $0x1E0, s12;
	s22 =	simm.s32 $0x6000  }
0xda: {  	[hbm4b:s21+s15] =	stream.strided.scatter [tilespmem:s22], [sflag:$0xB], $0x400, s16, s15, $0x38;
	[tilespmem:$0x10400] =	vst v63  }
0xdb: {  	s22 =	simm.s32 $0xA  }
0xdc: {  	_ =	swait.ge [sflag:s22], $0x2000  }
0xdd: {  	[sflag:s22] =	ssyncset.done $0x0  }
0xde: {  	s21 =	sor.u32 @!p0 $0x80, s20;
	[sflag:s22] =	ssyncadd.s32 $0xFFFFE000  }
0xdf: {  	v4 =	vld.msk @!p0 [tilespmem:s21+$0x0], $0xff;
	_ =	sdelay $0x4  }
0xe0: {  	v5 =	vshll.u32 @!p0 v4, $0x3  }
0xe1: {  	v4 =	vand.u32 @!p0 $0x7, v4;
	v5 =	vand.u32 @!p0 $0xFFFFFFC0, v5  }
0xe2: {  	v4 =	vor.u32 @!p0 v4, v5  }
0xe3: {  	v4 =	vperm.xlane @!p0 v4, v2;
	_ =	sdelay $0x1  }
0xe4: {  	v4 =	vadd.s32 @!p0 v3, v4;
	_ =	sdelay $0x3  }
0xe5: {  	s21 =	simm.s32 @!p0 $0x2400  }
0xe6: {  	[tilespmem:s21], [sflag:$0x2] =	stream.indirect_vreg.gather @!p0 [hbm4b:s2+s13], $0x80, v4, vm1, $0xb8;
	[tilespmem:$0x10400] =	vst v63  }
0xe7: {  	s21 =	simm.s32 @!p0 $0x2C00  }
0xe8: {  	[tilespmem:s21], [sflag:$0x2] =	stream.indirect_vreg.gather @!p0 [hbm4b:s5+s13], $0x80, v4, vm1, $0xb8;
	[tilespmem:$0x10400] =	vst v63  }
0xe9: {  	s21 =	simm.s32 @!p0 $0x3400  }
0xea: {  	[tilespmem:s21], [sflag:$0x2] =	stream.indirect_vreg.gather @!p0 [hbm4b:s6+s13], $0x80, v4, vm1, $0xb8;
	[tilespmem:$0x10400] =	vst v63  }
0xeb: {  	s22 =	simm.s32 $0x4;
	s21 =	simm.s32 @!p0 $0x3C00  }
0xec: {  	[tilespmem:s21], [sflag:$0x2] =	stream.indirect_vreg.gather @!p0 [hbm4b:s7+s13], $0x80, v4, vm1, $0xb8;
	[tilespmem:$0x10400] =	vst v63  }
0xed: {  	_ =	swait.ge [sflag:s22], $0x2000  }
0xee: {  	[sflag:s22] =	ssyncset.done $0x0  }
0xef: {  	s21 =	sadd.s32 $0x30, s12;
	[sflag:s22] =	ssyncadd.s32 $0xFFFFE000;
	s22 =	simm.s32 $0x6400  }
0xf0: {  	[hbm4b:s21+s15] =	stream.strided.scatter [tilespmem:s22], [sflag:$0xC], $0x400, s16, s15, $0x38;
	[tilespmem:$0x10400] =	vst v63  }
0xf1: {  	s21 =	sadd.s32 $0x70, s12;
	s22 =	simm.s32 $0x6800  }
0xf2: {  	[hbm4b:s21+s15] =	stream.strided.scatter [tilespmem:s22], [sflag:$0xC], $0x400, s16, s15, $0x38;
	[tilespmem:$0x10400] =	vst v63  }
0xf3: {  	s21 =	sadd.s32 $0xB0, s12;
	s22 =	simm.s32 $0x6C00  }
0xf4: {  	[hbm4b:s21+s15] =	stream.strided.scatter [tilespmem:s22], [sflag:$0xC], $0x400, s16, s15, $0x38;
	[tilespmem:$0x10400] =	vst v63  }
0xf5: {  	s21 =	sadd.s32 $0xF0, s12;
	s22 =	simm.s32 $0x7000  }
0xf6: {  	[hbm4b:s21+s15] =	stream.strided.scatter [tilespmem:s22], [sflag:$0xC], $0x400, s16, s15, $0x38;
	[tilespmem:$0x10400] =	vst v63  }
0xf7: {  	s21 =	sadd.s32 $0x130, s12;
	s22 =	simm.s32 $0x7400  }
0xf8: {  	[hbm4b:s21+s15] =	stream.strided.scatter [tilespmem:s22], [sflag:$0xC], $0x400, s16, s15, $0x38;
	[tilespmem:$0x10400] =	vst v63  }
0xf9: {  	s21 =	sadd.s32 $0x170, s12;
	s22 =	simm.s32 $0x7800  }
0xfa: {  	[hbm4b:s21+s15] =	stream.strided.scatter [tilespmem:s22], [sflag:$0xC], $0x400, s16, s15, $0x38;
	[tilespmem:$0x10400] =	vst v63  }
0xfb: {  	s21 =	sadd.s32 $0x1B0, s12;
	s22 =	simm.s32 $0x7C00  }
0xfc: {  	[hbm4b:s21+s15] =	stream.strided.scatter [tilespmem:s22], [sflag:$0xC], $0x400, s16, s15, $0x38;
	[tilespmem:$0x10400] =	vst v63  }
0xfd: {  	s21 =	sadd.s32 $0x1F0, s12;
	s22 =	simm.s32 $0x8000  }
0xfe: {  	[hbm4b:s21+s15] =	stream.strided.scatter [tilespmem:s22], [sflag:$0xC], $0x400, s16, s15, $0x38;
	[tilespmem:$0x10400] =	vst v63  }
0xff: {  	s22 =	simm.s32 $0xB  }
0x100: {  	_ =	swait.ge [sflag:s22], $0x2000  }
0x101: {  	[sflag:s22] =	ssyncset.done $0x0  }
0x102: {  	s21 =	sor.u32 @!p0 $0x100, s20;
	[sflag:s22] =	ssyncadd.s32 $0xFFFFE000  }
0x103: {  	v4 =	vld.msk @!p0 [tilespmem:s21+$0x0], $0xff;
	_ =	sdelay $0x4  }
0x104: {  	v5 =	vshll.u32 @!p0 v4, $0x3  }
0x105: {  	v4 =	vand.u32 @!p0 $0x7, v4;
	v5 =	vand.u32 @!p0 $0xFFFFFFC0, v5  }
0x106: {  	v4 =	vor.u32 @!p0 v4, v5  }
0x107: {  	v4 =	vperm.xlane @!p0 v4, v2;
	_ =	sdelay $0x1  }
0x108: {  	v4 =	vadd.s32 @!p0 v3, v4;
	_ =	sdelay $0x3  }
0x109: {  	s21 =	simm.s32 @!p0 $0x4400  }
0x10a: {  	[tilespmem:s21], [sflag:$0x3] =	stream.indirect_vreg.gather @!p0 [hbm4b:s2+s13], $0x80, v4, vm1, $0xb8;
	[tilespmem:$0x10400] =	vst v63  }
0x10b: {  	s21 =	simm.s32 @!p0 $0x4C00  }
0x10c: {  	[tilespmem:s21], [sflag:$0x3] =	stream.indirect_vreg.gather @!p0 [hbm4b:s5+s13], $0x80, v4, vm1, $0xb8;
	[tilespmem:$0x10400] =	vst v63  }
0x10d: {  	s21 =	simm.s32 @!p0 $0x5400  }
0x10e: {  	[tilespmem:s21], [sflag:$0x3] =	stream.indirect_vreg.gather @!p0 [hbm4b:s6+s13], $0x80, v4, vm1, $0xb8;
	[tilespmem:$0x10400] =	vst v63  }
0x10f: {  	s21 =	simm.s32 @!p0 $0x5C00  }
0x110: {  	[tilespmem:s21], [sflag:$0x3] =	stream.indirect_vreg.gather @!p0 [hbm4b:s7+s13], $0x80, v4, vm1, $0xb8;
	[tilespmem:$0x10400] =	vst v63  }
0x111: {  	_ =	swait.ge [sflag:s19], $0x2000  }
0x112: {  	[sflag:s19] =	ssyncset.done $0x0  }
0x113: {  	s22 =	simm.s32 $0x8400;
	s21 =	sadd.s32 $0x1000, s12;
	[sflag:s19] =	ssyncadd.s32 $0xFFFFE000  }
0x114: {  	[hbm4b:s21+s15] =	stream.strided.scatter [tilespmem:s22], [sflag:$0xD], $0x400, s16, s15, $0x38;
	[tilespmem:$0x10400] =	vst v63  }
0x115: {  	s21 =	sadd.s32 $0x1040, s12;
	s22 =	simm.s32 $0x8800  }
0x116: {  	[hbm4b:s21+s15] =	stream.strided.scatter [tilespmem:s22], [sflag:$0xD], $0x400, s16, s15, $0x38;
	[tilespmem:$0x10400] =	vst v63  }
0x117: {  	s21 =	sadd.s32 $0x1080, s12;
	s22 =	simm.s32 $0x8C00  }
0x118: {  	[hbm4b:s21+s15] =	stream.strided.scatter [tilespmem:s22], [sflag:$0xD], $0x400, s16, s15, $0x38;
	[tilespmem:$0x10400] =	vst v63  }
0x119: {  	s21 =	sadd.s32 $0x10C0, s12;
	s22 =	simm.s32 $0x9000  }
0x11a: {  	[hbm4b:s21+s15] =	stream.strided.scatter [tilespmem:s22], [sflag:$0xD], $0x400, s16, s15, $0x38;
	[tilespmem:$0x10400] =	vst v63  }
0x11b: {  	s21 =	sadd.s32 $0x1100, s12;
	s22 =	simm.s32 $0x9400  }
0x11c: {  	[hbm4b:s21+s15] =	stream.strided.scatter [tilespmem:s22], [sflag:$0xD], $0x400, s16, s15, $0x38;
	[tilespmem:$0x10400] =	vst v63  }
0x11d: {  	s21 =	sadd.s32 $0x1140, s12;
	s22 =	simm.s32 $0x9800  }
0x11e: {  	[hbm4b:s21+s15] =	stream.strided.scatter [tilespmem:s22], [sflag:$0xD], $0x400, s16, s15, $0x38;
	[tilespmem:$0x10400] =	vst v63  }
0x11f: {  	s21 =	sadd.s32 $0x1180, s12;
	s22 =	simm.s32 $0x9C00  }
0x120: {  	[hbm4b:s21+s15] =	stream.strided.scatter [tilespmem:s22], [sflag:$0xD], $0x400, s16, s15, $0x38;
	[tilespmem:$0x10400] =	vst v63  }
0x121: {  	s21 =	sadd.s32 $0x11C0, s12;
	s22 =	simm.s32 $0xA000  }
0x122: {  	[hbm4b:s21+s15] =	stream.strided.scatter [tilespmem:s22], [sflag:$0xD], $0x400, s16, s15, $0x38;
	[tilespmem:$0x10400] =	vst v63  }
0x123: {  	_ =	swait.ge [sflag:s25], $0x2000  }
0x124: {  	[sflag:s25] =	ssyncset.done $0x0  }
0x125: {  	s20 =	sor.u32 @!p0 $0x180, s20;
	[sflag:s25] =	ssyncadd.s32 $0xFFFFE000  }
0x126: {  	v4 =	vld.msk @!p0 [tilespmem:s20+$0x0], $0xff;
	_ =	sdelay $0x4  }
0x127: {  	v5 =	vshll.u32 @!p0 v4, $0x3  }
0x128: {  	v4 =	vand.u32 @!p0 $0x7, v4;
	v5 =	vand.u32 @!p0 $0xFFFFFFC0, v5  }
0x129: {  	v4 =	vor.u32 @!p0 v4, v5  }
0x12a: {  	v4 =	vperm.xlane @!p0 v4, v2;
	_ =	sdelay $0x1  }
0x12b: {  	v4 =	vadd.s32 @!p0 v3, v4;
	_ =	sdelay $0x3  }
0x12c: {  	s20 =	simm.s32 @!p0 $0x6400  }
0x12d: {  	[tilespmem:s20], [sflag:$0x4] =	stream.indirect_vreg.gather @!p0 [hbm4b:s2+s13], $0x80, v4, vm1, $0xb8;
	[tilespmem:$0x10400] =	vst v63  }
0x12e: {  	s20 =	simm.s32 @!p0 $0x6C00  }
0x12f: {  	[tilespmem:s20], [sflag:$0x4] =	stream.indirect_vreg.gather @!p0 [hbm4b:s5+s13], $0x80, v4, vm1, $0xb8;
	[tilespmem:$0x10400] =	vst v63  }
0x130: {  	s20 =	simm.s32 @!p0 $0x7400  }
0x131: {  	[tilespmem:s20], [sflag:$0x4] =	stream.indirect_vreg.gather @!p0 [hbm4b:s6+s13], $0x80, v4, vm1, $0xb8;
	[tilespmem:$0x10400] =	vst v63  }
0x132: {  	s20 =	simm.s32 @!p0 $0x7C00  }
0x133: {  	[tilespmem:s20], [sflag:$0x4] =	stream.indirect_vreg.gather @!p0 [hbm4b:s7+s13], $0x80, v4, vm1, $0xb8;
	[tilespmem:$0x10400] =	vst v63  }
0x134: {  	_ =	swait.ge [sflag:s26], $0x2000  }
0x135: {  	[sflag:s26] =	ssyncset.done $0x0  }
0x136: {  	s21 =	sadd.s32 $0x1010, s12;
	s22 =	simm.s32 $0xA400;
	[sflag:s26] =	ssyncadd.s32 $0xFFFFE000  }
0x137: {  	[hbm4b:s21+s15] =	stream.strided.scatter [tilespmem:s22], [sflag:$0xE], $0x400, s16, s15, $0x38;
	[tilespmem:$0x10400] =	vst v63  }
0x138: {  	s21 =	sadd.s32 $0x1050, s12;
	s22 =	simm.s32 $0xA800  }
0x139: {  	[hbm4b:s21+s15] =	stream.strided.scatter [tilespmem:s22], [sflag:$0xE], $0x400, s16, s15, $0x38;
	[tilespmem:$0x10400] =	vst v63  }
0x13a: {  	s21 =	sadd.s32 $0x1090, s12;
	s22 =	simm.s32 $0xAC00  }
0x13b: {  	[hbm4b:s21+s15] =	stream.strided.scatter [tilespmem:s22], [sflag:$0xE], $0x400, s16, s15, $0x38;
	[tilespmem:$0x10400] =	vst v63  }
0x13c: {  	s21 =	sadd.s32 $0x10D0, s12;
	s22 =	simm.s32 $0xB000  }
0x13d: {  	[hbm4b:s21+s15] =	stream.strided.scatter [tilespmem:s22], [sflag:$0xE], $0x400, s16, s15, $0x38;
	[tilespmem:$0x10400] =	vst v63  }
0x13e: {  	s21 =	sadd.s32 $0x1110, s12;
	s22 =	simm.s32 $0xB400  }
0x13f: {  	[hbm4b:s21+s15] =	stream.strided.scatter [tilespmem:s22], [sflag:$0xE], $0x400, s16, s15, $0x38;
	[tilespmem:$0x10400] =	vst v63  }
0x140: {  	s21 =	sadd.s32 $0x1150, s12;
	s22 =	simm.s32 $0xB800  }
0x141: {  	[hbm4b:s21+s15] =	stream.strided.scatter [tilespmem:s22], [sflag:$0xE], $0x400, s16, s15, $0x38;
	[tilespmem:$0x10400] =	vst v63  }
0x142: {  	s21 =	sadd.s32 $0x1190, s12;
	s22 =	simm.s32 $0xBC00  }
0x143: {  	[hbm4b:s21+s15] =	stream.strided.scatter [tilespmem:s22], [sflag:$0xE], $0x400, s16, s15, $0x38;
	[tilespmem:$0x10400] =	vst v63  }
0x144: {  	s21 =	sadd.s32 $0x11D0, s12;
	s22 =	simm.s32 $0xC000  }
0x145: {  	[hbm4b:s21+s15] =	stream.strided.scatter [tilespmem:s22], [sflag:$0xE], $0x400, s16, s15, $0x38;
	[tilespmem:$0x10400] =	vst v63  }
0x146: {  	s20 =	sadd.s32 @!p0 $0x60, s10;
	_ =	swait.ge [sflag:s8], $0x2000  }
0x147: {  	s20 =	sand.u32 @!p0 $0x600, s20;
	s21 =	sand.u32 @!p0 $0x78, s9;
	[sflag:s8] =	ssyncset.done $0x0  }
0x148: {  	s20 =	sor.u32 @!p0 s21, s20;
	[sflag:s8] =	ssyncadd.s32 $0xFFFFE000  }
0x149: {  	v4 =	vld.msk @!p0 [tilespmem:s20+$0x0], $0xff;
	_ =	sdelay $0x4  }
0x14a: {  	v5 =	vshll.u32 @!p0 v4, $0x3  }
0x14b: {  	v4 =	vand.u32 @!p0 $0x7, v4;
	v5 =	vand.u32 @!p0 $0xFFFFFFC0, v5  }
0x14c: {  	v4 =	vor.u32 @!p0 v4, v5  }
0x14d: {  	v4 =	vperm.xlane @!p0 v4, v2;
	_ =	sdelay $0x1  }
0x14e: {  	v4 =	vadd.s32 @!p0 v3, v4;
	_ =	sdelay $0x3  }
0x14f: {  	s21 =	simm.s32 @!p0 $0x8400  }
0x150: {  	[tilespmem:s21], [sflag:$0x5] =	stream.indirect_vreg.gather @!p0 [hbm4b:s2+s13], $0x80, v4, vm1, $0xb8;
	[tilespmem:$0x10400] =	vst v63  }
0x151: {  	s21 =	simm.s32 @!p0 $0x8C00  }
0x152: {  	[tilespmem:s21], [sflag:$0x5] =	stream.indirect_vreg.gather @!p0 [hbm4b:s5+s13], $0x80, v4, vm1, $0xb8;
	[tilespmem:$0x10400] =	vst v63  }
0x153: {  	s21 =	simm.s32 @!p0 $0x9400  }
0x154: {  	[tilespmem:s21], [sflag:$0x5] =	stream.indirect_vreg.gather @!p0 [hbm4b:s6+s13], $0x80, v4, vm1, $0xb8;
	[tilespmem:$0x10400] =	vst v63  }
0x155: {  	s21 =	simm.s32 @!p0 $0x9C00  }
0x156: {  	[tilespmem:s21], [sflag:$0x5] =	stream.indirect_vreg.gather @!p0 [hbm4b:s7+s13], $0x80, v4, vm1, $0xb8;
	[tilespmem:$0x10400] =	vst v63  }
0x157: {  	_ =	swait.ge [sflag:s17], $0x2000  }
0x158: {  	[sflag:s17] =	ssyncset.done $0x0  }
0x159: {  	s22 =	sadd.s32 $0x1020, s12;
	[sflag:s17] =	ssyncadd.s32 $0xFFFFE000  }
0x15a: {  	[hbm4b:s22+s15] =	stream.strided.scatter [tilespmem:s23], [sflag:$0xF], $0x400, s16, s15, $0x38;
	[tilespmem:$0x10400] =	vst v63  }
0x15b: {  	s22 =	sadd.s32 $0x1060, s12;
	s23 =	simm.s32 $0xC800  }
0x15c: {  	[hbm4b:s22+s15] =	stream.strided.scatter [tilespmem:s23], [sflag:$0xF], $0x400, s16, s15, $0x38;
	[tilespmem:$0x10400] =	vst v63  }
0x15d: {  	s23 =	sadd.s32 $0x10A0, s12  }
0x15e: {  	[hbm4b:s23+s15] =	stream.strided.scatter [tilespmem:s14], [sflag:$0xF], $0x400, s16, s15, $0x38;
	[tilespmem:$0x10400] =	vst v63  }
0x15f: {  	s22 =	sadd.s32 $0x10E0, s12;
	s23 =	simm.s32 $0xD000  }
0x160: {  	[hbm4b:s22+s15] =	stream.strided.scatter [tilespmem:s23], [sflag:$0xF], $0x400, s16, s15, $0x38;
	[tilespmem:$0x10400] =	vst v63  }
0x161: {  	s14 =	sadd.s32 $0x1120, s12  }
0x162: {  	[hbm4b:s14+s15] =	stream.strided.scatter [tilespmem:s24], [sflag:$0xF], $0x400, s16, s15, $0x38;
	[tilespmem:$0x10400] =	vst v63  }
0x163: {  	s22 =	sadd.s32 $0x1160, s12;
	s23 =	simm.s32 $0xD800  }
0x164: {  	[hbm4b:s22+s15] =	stream.strided.scatter [tilespmem:s23], [sflag:$0xF], $0x400, s16, s15, $0x38;
	[tilespmem:$0x10400] =	vst v63  }
0x165: {  	s24 =	sadd.s32 $0x11A0, s12  }
0x166: {  	[hbm4b:s24+s15] =	stream.strided.scatter [tilespmem:s18], [sflag:$0xF], $0x400, s16, s15, $0x38;
	[tilespmem:$0x10400] =	vst v63  }
0x167: {  	s14 =	sadd.s32 $0x11E0, s12;
	s18 =	simm.s32 $0xE000  }
0x168: {  	[hbm4b:s14+s15] =	stream.strided.scatter [tilespmem:s18], [sflag:$0xF], $0x400, s16, s15, $0x38;
	[tilespmem:$0x10400] =	vst v63  }
0x169: {  	_ =	swait.ge [sflag:s31], $0x2000  }
0x16a: {  	[sflag:s31] =	ssyncset.done $0x0  }
0x16b: {  	s20 =	sor.u32 @!p0 $0x80, s20;
	[sflag:s31] =	ssyncadd.s32 $0xFFFFE000  }
0x16c: {  	v4 =	vld.msk @!p0 [tilespmem:s20+$0x0], $0xff;
	_ =	sdelay $0x4  }
0x16d: {  	v5 =	vshll.u32 @!p0 v4, $0x3  }
0x16e: {  	v4 =	vand.u32 @!p0 $0x7, v4;
	v5 =	vand.u32 @!p0 $0xFFFFFFC0, v5  }
0x16f: {  	v4 =	vor.u32 @!p0 v4, v5  }
0x170: {  	v2 =	vperm.xlane @!p0 v4, v2;
	_ =	sdelay $0x1  }
0x171: {  	v2 =	vadd.s32 @!p0 v3, v2;
	_ =	sdelay $0x3  }
0x172: {  	s20 =	simm.s32 @!p0 $0xA400  }
0x173: {  	[tilespmem:s20], [sflag:$0x6] =	stream.indirect_vreg.gather @!p0 [hbm4b:s2+s13], $0x80, v2, vm1, $0xb8;
	[tilespmem:$0x10400] =	vst v63  }
0x174: {  	s20 =	simm.s32 @!p0 $0xAC00  }
0x175: {  	[tilespmem:s20], [sflag:$0x6] =	stream.indirect_vreg.gather @!p0 [hbm4b:s5+s13], $0x80, v2, vm1, $0xb8;
	[tilespmem:$0x10400] =	vst v63  }
0x176: {  	s20 =	simm.s32 @!p0 $0xB400  }
0x177: {  	[tilespmem:s20], [sflag:$0x6] =	stream.indirect_vreg.gather @!p0 [hbm4b:s6+s13], $0x80, v2, vm1, $0xb8;
	[tilespmem:$0x10400] =	vst v63  }
0x178: {  	s20 =	simm.s32 @!p0 $0xBC00  }
0x179: {  	[tilespmem:s20], [sflag:$0x6] =	stream.indirect_vreg.gather @!p0 [hbm4b:s7+s13], $0x80, v2, vm1, $0xb8;
	[tilespmem:$0x10400] =	vst v63  }
0x17a: {  	_ =	swait.ge [sflag:s0], $0x2000  }
0x17b: {  	[sflag:s0] =	ssyncset.done $0x0  }
0x17c: {  	s21 =	sadd.s32 $0x1030, s12;
	[sflag:s0] =	ssyncadd.s32 $0xFFFFE000  }
0x17d: {  	[hbm4b:s21+s15] =	stream.strided.scatter [tilespmem:s29], [sflag:$0x10], $0x400, s16, s15, $0x38;
	[tilespmem:$0x10400] =	vst v63  }
0x17e: {  	s22 =	sadd.s32 $0x1070, s12;
	s23 =	simm.s32 $0xE800  }
0x17f: {  	[hbm4b:s22+s15] =	stream.strided.scatter [tilespmem:s23], [sflag:$0x10], $0x400, s16, s15, $0x38;
	[tilespmem:$0x10400] =	vst v63  }
0x180: {  	s24 =	sadd.s32 $0x10B0, s12  }
0x181: {  	[hbm4b:s24+s15] =	stream.strided.scatter [tilespmem:s1], [sflag:$0x10], $0x400, s16, s15, $0x38;
	[tilespmem:$0x10400] =	vst v63  }
0x182: {  	s14 =	sadd.s32 $0x10F0, s12;
	s18 =	simm.s32 $0xF000  }
0x183: {  	[hbm4b:s14+s15] =	stream.strided.scatter [tilespmem:s18], [sflag:$0x10], $0x400, s16, s15, $0x38;
	[tilespmem:$0x10400] =	vst v63  }
0x184: {  	s20 =	sadd.s32 $0x1130, s12  }
0x185: {  	[hbm4b:s20+s15] =	stream.strided.scatter [tilespmem:s4], [sflag:$0x10], $0x400, s16, s15, $0x38;
	[tilespmem:$0x10400] =	vst v63  }
0x186: {  	s21 =	sadd.s32 $0x1170, s12;
	s22 =	simm.s32 $0xF800  }
0x187: {  	[hbm4b:s21+s15] =	stream.strided.scatter [tilespmem:s22], [sflag:$0x10], $0x400, s16, s15, $0x38;
	[tilespmem:$0x10400] =	vst v63  }
0x188: {  	s23 =	sadd.s32 $0x11B0, s12  }
0x189: {  	[hbm4b:s23+s15] =	stream.strided.scatter [tilespmem:s28], [sflag:$0x10], $0x400, s16, s15, $0x38;
	[tilespmem:$0x10400] =	vst v63  }
.Ltmp2:
0x18a: {  	s12 =	sadd.s32 $0x11F0, s12;
	s24 =	simm.s32 $0x10000;
	(pc) =	sbr.rel @p0 .LBB2_4-.Ltmp2, $4  }
0x18b: {  	[hbm4b:s12+s15] =	stream.strided.scatter [tilespmem:s24], [sflag:$0x10], $0x400, s16, s15, $0x38;
	[tilespmem:$0x10400] =	vst v63  }
0x18c: {  	_ =	swait.ge [sflag:s30], $0x2000  }
0x18d: {  	s14 =	simm.s32 $0xCC00;
	s18 =	simm.s32 $0xDC00;
	[sflag:s30] =	ssyncset.done $0x0  }
0x18e: {  	s20 =	simm.s32 $0xC400;
	s21 =	simm.s32 $0xD400;
	[sflag:s30] =	ssyncadd.s32 $0xFFFFE000  }
0x18f: {  	s12 =	sadd.s32 $0x60, s10  }
0x190: {  	s13 =	sand.u32 $0x78, s9;
	s12 =	sand.u32 $0x600, s12  }
0x191: {  	s12 =	sor.u32 s13, s12  }
0x192: {  	s12 =	sor.u32 $0x100, s12  }
0x193: {  	v2 =	vld.msk [tilespmem:s12+$0x0], $0xff;
	_ =	sdelay $0x4  }
0x194: {  	v3 =	vshll.u32 v2, $0x3  }
0x195: {  	v2 =	vand.u32 $0x7, v2;
	v3 =	vand.u32 $0xFFFFFFC0, v3  }
0x196: {  	v2 =	vor.u32 v2, v3  }
0x197: {  	v2 =	vperm.xlane v2, v0;
	_ =	sdelay $0x1  }
0x198: {  	v2 =	vadd.s32 v1, v2;
	_ =	sdelay $0x4  }
0x199: {  	[tilespmem:s20], [sflag:$0x7] =	stream.indirect_vreg.gather [hbm4b:s2+s3], $0x80, v2, vm0, $0xb8;
	[tilespmem:$0x10400] =	vst v63  }
0x19a: {  	_ = 	snop  }
0x19b: {  	[tilespmem:s14], [sflag:$0x7] =	stream.indirect_vreg.gather [hbm4b:s5+s3], $0x80, v2, vm0, $0xb8;
	[tilespmem:$0x10400] =	vst v63  }
.Ltmp3:
0x19c: {  	s11 =	sadd.s32 $0x2000, s11;
	(pc) =	sbr.rel .LBB2_2-.Ltmp3, $4  }
0x19d: {  	[tilespmem:s21], [sflag:$0x7] =	stream.indirect_vreg.gather [hbm4b:s6+s3], $0x80, v2, vm0, $0xb8;
	[tilespmem:$0x10400] =	vst v63  }
0x19e: {  	s10 =	sadd.s32 $0x40, s10;
	s9 =	sadd.s32 $0x10, s9;
	s23 =	simm.s32 $0xC400  }
0x19f: {  	[tilespmem:s18], [sflag:$0x7] =	stream.indirect_vreg.gather [hbm4b:s7+s3], $0x80, v2, vm0, $0xb8;
	[tilespmem:$0x10400] =	vst v63  }
0x1a0: {  	s24 =	simm.s32 $0xD400;
	s14 =	simm.s32 $0xCC00;
	s18 =	simm.s32 $0xDC00  }
.LBB2_5:
0x1a1: {  	_ =	sfence.sel $0x180000  }
0x1a2: {  	[bflag:$0x0] =	sbarrier.arrive $0xFFFF  }
0x1a3: {  	_ =	strace $0x90000047  }
0x1a4: {  	s0 =	stileid.u32;
	[bflag:$0x2] =	sbarrier.arrive $0xFFFF  }
0x1a5: {  	p0 =	sne.s32 s0, $0x0;
	s0 =	rddreg [dreg:$0x3]  }
0x1a6: {  	s0 =	sadd.s32 @!p0 $0x100000, s0  }
0x1a7: {  	[sflag:s0] =	ssyncadd.tile.s32 @!p0 $0x1;
	_ =	shalt  }
.Lfunc_end2:
_tile_overlayer_lowered:
.L_overlay_start_2:
0x1a8: {  	(tag) =	ssettag $0x2  }
0x1a9: {  	s0 =	rddreg [dreg:$0x0];
	s2 =	stileid.u32  }
0x1aa: {  	s1 =	rddreg [dreg:$0x1];
	p0 =	sne.s32 s2, $0x0  }
0x1ab: {  	s3 =	rddreg [dreg:$0x2];
	[bflag:$0x3] =	sbarrier.arrive $0xFFFF;
	s2 =	simm.s32 @!p0 $0x1C11  }
0x1ac: {  	[timem:s3], [sflag:s2] =	dma.local @!p0 [hbm:s0], s1  }
0x1ad: {  	s0 =	simm.s32 @!p0 $0x11  }
0x1ae: {  	_ =	swait.ge @!p0 [sflag:s0], s1  }
0x1af: {  	s1 =	ssub.s32 @!p0 $0x0, s1;
	[sflag:s0] =	ssyncset.done @!p0 $0x0  }
0x1b0: {  	[sflag:s0] =	ssyncadd.s32 @!p0 s1  }
0x1b1: {  	[bflag:$0x3] =	sbarrier.arrive $0xFFFF  }
0x1b2: {  	_ =	shalt  }

</sc_bundles>
